<compile_context>
chip_gen: v7x
topology: tpu7x:2x2x1
jax: 0.10.2.dev20260603
libtpu: 0.0.44.dev20260713+nightly
codegen_flags: <defaults>
</compile_context>

<pallas_src>
import functools

import jax
import jax.numpy as jnp
from jax import lax
from jax.experimental import pallas as pl
from jax.experimental.pallas import tpu as pltpu
from jax.experimental.pallas import tpu_sc as plsc

_NC = 2
_NS = 16
_NW = _NC * _NS
_K = 8
_WB = 80
_G = 64


def _segsum_sc(N, D, nch, ch, pre):
    wb = _WB if D <= 32 else 40
    k = _K
    nwb = N // wb
    assert nwb * wb == N and D % 16 == 0 and nch % k == 0

    mesh = plsc.VectorSubcoreMesh(core_axis_name="c", subcore_axis_name="s",
                                  num_cores=_NC, num_subcores=_NS)
    out_type = [jax.ShapeDtypeStruct((_NC, N, D), jnp.float32)]
    if pre:
        out_type = [jax.ShapeDtypeStruct((_NC, N, D), jnp.float32)] + out_type
    scratch = [
        pltpu.VMEM((nch, ch), jnp.int32),
        pltpu.VMEM((nch, ch), jnp.int32),
        pltpu.VMEM((k, ch, D), jnp.float32),
        pltpu.VMEM((wb, D), jnp.float32),
        pltpu.VMEM_SHARED((N + 512, D), jnp.float32),
        pltpu.SemaphoreType.DMA,
        pltpu.SemaphoreType.DMA,
    ]
    if pre:
        scratch.insert(4, pltpu.VMEM((2, D), jnp.float32))

    @functools.partial(
        pl.kernel,
        out_type=out_type,
        mesh=mesh,
        compiler_params=pltpu.CompilerParams(use_tc_tiling_on_sc=False),
        scratch_types=scratch,
    )
    def seg(*refs):
        if pre:
            (h_hbm, ab_hbm, src_hbm, dst_hbm, x_hbm, out_hbm,
             src_v, dst_v, bufs, zbuf, ab_v, acc, gsem, ssem) = refs
        else:
            (y_hbm, src_hbm, dst_hbm, out_hbm,
             src_v, dst_v, bufs, zbuf, acc, gsem, ssem) = refs
        c = lax.axis_index("c")
        s = lax.axis_index("s")
        wid = c * _NS + s
        pltpu.sync_copy(src_hbm.at[wid], src_v)
        pltpu.sync_copy(dst_hbm.at[wid], dst_v)

        nrounds = pl.cdiv(nwb, _NS)

        if pre:
            pltpu.sync_copy(ab_hbm, ab_v)

            def achunk(kk, carry):
                chunk = s + kk * _NS

                @pl.when(chunk < nwb)
                def _():
                    pltpu.sync_copy(h_hbm.at[pl.ds(chunk * wb, wb)], zbuf)

                    def arow(r, c2):
                        for t in range(D // 16):
                            sl = pl.ds(t * 16, 16)
                            zbuf[r, sl] = jnp.maximum(
                                zbuf[r, sl] * ab_v[0, sl] + ab_v[1, sl], 0.0)
                        return c2

                    lax.fori_loop(0, wb, arow, 0)
                    pltpu.sync_copy(zbuf,
                                    x_hbm.at[c].at[pl.ds(chunk * wb, wb)])

                return carry

            lax.fori_loop(0, nrounds, achunk, 0)
            gather_src = x_hbm.at[c]
        else:
            gather_src = y_hbm

        zvec = jnp.zeros((16,), jnp.float32)

        def zrow(i, carry):
            for t in range(D // 16):
                zbuf[i, pl.ds(t * 16, 16)] = zvec
            return carry

        lax.fori_loop(0, wb, zrow, 0)

        def zchunk(kk, carry):
            chunk = s + kk * _NS

            @pl.when(chunk < nwb)
            def _():
                pltpu.sync_copy(zbuf, acc.at[pl.ds(chunk * wb, wb)])

            return carry

        lax.fori_loop(0, nrounds, zchunk, 0)
        plsc.subcore_barrier()

        def group(g, carry):
            gath = []
            for b in range(k):
                j = g * k + b
                gath.append(pltpu.async_copy(
                    gather_src.at[src_v.at[j]], bufs.at[b], gsem))
            for h in gath:
                h.wait()
            scat = []
            for b in range(k):
                j = g * k + b
                scat.append(pltpu.async_copy(
                    bufs.at[b], acc.at[dst_v.at[j]], ssem, add=True))
            for h in scat:
                h.wait()
            return carry

        lax.fori_loop(0, nch // k, group, 0)
        plsc.subcore_barrier()

        def wchunk(kk, carry):
            chunk = s + kk * _NS

            @pl.when(chunk < nwb)
            def _():
                pltpu.sync_copy(acc.at[pl.ds(chunk * wb, wb)],
                                out_hbm.at[c].at[pl.ds(chunk * wb, wb)])

            return carry

        lax.fori_loop(0, nrounds, wchunk, 0)

    return seg


def _conv1_post(x, p, eps, Wa, ba, Wb, bb, g, be, bn):
    N, F = x.shape
    D = Wb.shape[1]
    nblk = N // bn

    def body(x_ref, p_ref, eps_ref, wa_ref, ba_ref, wb_ref, bb_ref, g_ref,
             be_ref, h_ref, ss_ref, st_acc):
        i = pl.program_id(0)
        e = eps_ref[0, 0]
        pre = (1.0 + e) * x_ref[...] + jnp.sum(p_ref[...], axis=0)
        t = jax.nn.relu(jnp.dot(pre, wa_ref[...],
                                preferred_element_type=jnp.float32) + ba_ref[...])
        h = jnp.dot(t, wb_ref[...], preferred_element_type=jnp.float32) + bb_ref[...]
        h_ref[...] = h
        st = jnp.concatenate([jnp.sum(h, axis=0, keepdims=True),
                              jnp.sum(h * h, axis=0, keepdims=True)], axis=0)

        @pl.when(i == 0)
        def _():
            st_acc[...] = st

        @pl.when(i > 0)
        def _():
            st_acc[...] += st

        @pl.when(i == nblk - 1)
        def _():
            m = st_acc[0:1, :] * (1.0 / N)
            v = st_acc[1:2, :] * (1.0 / N) - m * m
            scale = lax.rsqrt(v + 1e-5) * g_ref[...]
            shift = be_ref[...] - m * scale
            ss_ref[...] = jnp.concatenate([scale, shift], axis=0)

    Da = Wa.shape[1]
    return pl.pallas_call(
        body,
        grid=(nblk,),
        in_specs=[pl.BlockSpec((bn, F), lambda i: (i, 0)),
                  pl.BlockSpec((2, bn, F), lambda i: (0, i, 0)),
                  pl.BlockSpec((1, 1), lambda i: (0, 0)),
                  pl.BlockSpec((F, Da), lambda i: (0, 0)),
                  pl.BlockSpec((1, Da), lambda i: (0, 0)),
                  pl.BlockSpec((Da, D), lambda i: (0, 0)),
                  pl.BlockSpec((1, D), lambda i: (0, 0)),
                  pl.BlockSpec((1, D), lambda i: (0, 0)),
                  pl.BlockSpec((1, D), lambda i: (0, 0))],
        out_specs=[pl.BlockSpec((bn, D), lambda i: (i, 0)),
                   pl.BlockSpec((2, D), lambda i: (0, 0))],
        out_shape=[jax.ShapeDtypeStruct((N, D), jnp.float32),
                   jax.ShapeDtypeStruct((2, D), jnp.float32)],
        scratch_shapes=[pltpu.VMEM((2, D), jnp.float32)],
    )(x, p, eps, Wa, ba, Wb, bb, g, be)


def _conv2_post(x1, p, eps, Wa, ba, Wb, bb, g, be, bn):
    N, D = x1.shape
    Do = Wb.shape[1]
    nblk = N // bn

    def body(x_ref, p_ref, eps_ref, wa_ref, ba_ref, wb_ref, bb_ref, g_ref,
             be_ref, h_ref, ss_ref, st_acc):
        i = pl.program_id(0)
        e = eps_ref[0, 0]
        pre = (1.0 + e) * x_ref[...] + jnp.sum(p_ref[...], axis=0)
        t = jax.nn.relu(jnp.dot(pre, wa_ref[...],
                                preferred_element_type=jnp.float32) + ba_ref[...])
        h = jnp.dot(t, wb_ref[...], preferred_element_type=jnp.float32) + bb_ref[...]
        h_ref[...] = h
        st = jnp.concatenate([jnp.sum(h, axis=0, keepdims=True),
                              jnp.sum(h * h, axis=0, keepdims=True)], axis=0)

        @pl.when(i == 0)
        def _():
            st_acc[...] = st

        @pl.when(i > 0)
        def _():
            st_acc[...] += st

        @pl.when(i == nblk - 1)
        def _():
            m = st_acc[0:1, :] * (1.0 / N)
            v = st_acc[1:2, :] * (1.0 / N) - m * m
            scale = lax.rsqrt(v + 1e-5) * g_ref[...]
            shift = be_ref[...] - m * scale
            ss_ref[...] = jnp.concatenate([scale, shift], axis=0)

    Da = Wa.shape[1]
    return pl.pallas_call(
        body,
        grid=(nblk,),
        in_specs=[pl.BlockSpec((bn, D), lambda i: (i, 0)),
                  pl.BlockSpec((2, bn, D), lambda i: (0, i, 0)),
                  pl.BlockSpec((1, 1), lambda i: (0, 0)),
                  pl.BlockSpec((D, Da), lambda i: (0, 0)),
                  pl.BlockSpec((1, Da), lambda i: (0, 0)),
                  pl.BlockSpec((Da, Do), lambda i: (0, 0)),
                  pl.BlockSpec((1, Do), lambda i: (0, 0)),
                  pl.BlockSpec((1, Do), lambda i: (0, 0)),
                  pl.BlockSpec((1, Do), lambda i: (0, 0))],
        out_specs=[pl.BlockSpec((bn, Do), lambda i: (i, 0)),
                   pl.BlockSpec((2, Do), lambda i: (0, 0))],
        out_shape=[jax.ShapeDtypeStruct((N, Do), jnp.float32),
                   jax.ShapeDtypeStruct((2, Do), jnp.float32)],
        scratch_shapes=[pltpu.VMEM((2, Do), jnp.float32)],
    )(x1, p, eps, Wa, ba, Wb, bb, g, be)


def _pool_head(h, ss, batchr, fcW1, fcb1, fcW2, fcb2, bn):
    N, D = h.shape
    nblk = N // bn

    def body(h_ref, ss_ref, b_ref, w1_ref, b1_ref, w2_ref, b2_ref,
             out_ref, pool_acc, cnt_acc):
        i = pl.program_id(0)
        x2 = jax.nn.relu(h_ref[...] * ss_ref[0:1, :] + ss_ref[1:2, :])
        oh = (lax.broadcasted_iota(jnp.int32, (_G, bn), 0)
              == b_ref[0]).astype(jnp.float32)
        pool_part = jnp.dot(oh, x2, preferred_element_type=jnp.float32,
                            precision=lax.Precision.HIGHEST)
        cnt_part = jnp.sum(oh, axis=1, keepdims=True)

        @pl.when(i == 0)
        def _():
            pool_acc[...] = pool_part
            cnt_acc[...] = cnt_part

        @pl.when(i > 0)
        def _():
            pool_acc[...] += pool_part
            cnt_acc[...] += cnt_part

        @pl.when(i == nblk - 1)
        def _():
            pool = pool_acc[...] / jnp.maximum(cnt_acc[...], 1.0)
            hh = jax.nn.relu(jnp.dot(pool, w1_ref[...],
                                     preferred_element_type=jnp.float32)
                             + b1_ref[...]) + pool
            out_ref[...] = jnp.dot(hh, w2_ref[...],
                                   preferred_element_type=jnp.float32) + b2_ref[...]

    return pl.pallas_call(
        body,
        grid=(nblk,),
        in_specs=[pl.BlockSpec((bn, D), lambda i: (i, 0)),
                  pl.BlockSpec((2, D), lambda i: (0, 0)),
                  pl.BlockSpec((1, 1, bn), lambda i: (i, 0, 0)),
                  pl.BlockSpec(fcW1.shape, lambda i: (0, 0)),
                  pl.BlockSpec((1, fcb1.shape[1]), lambda i: (0, 0)),
                  pl.BlockSpec(fcW2.shape, lambda i: (0, 0)),
                  pl.BlockSpec((1, 1), lambda i: (0, 0))],
        out_specs=pl.BlockSpec((_G, 1), lambda i: (0, 0)),
        out_shape=jax.ShapeDtypeStruct((_G, 1), jnp.float32),
        scratch_shapes=[pltpu.VMEM((_G, D), jnp.float32),
                        pltpu.VMEM((_G, 1), jnp.float32)],
    )(h, ss, batchr, fcW1, fcb1, fcW2, fcb2)


def kernel(x, edge_index, batch, eps1, W1a, b1a, W1b, b1b, g1, be1,
           eps2, W2a, b2a, W2b, b2b, g2, be2, fcW1, fcb1, fcW2, fcb2):
    N, F = x.shape
    E = edge_index.shape[1]
    D1 = W1a.shape[1]
    bn = 1000
    ch1, ch2 = 16, 128

    quantum = _NW * ch2 * _K
    epw = (-(-E // quantum) * quantum) // _NW
    epad = _NW * epw - E
    nch1, nch2 = epw // ch1, epw // ch2
    srcf = jnp.concatenate([edge_index[0], jnp.zeros((epad,), jnp.int32)])
    dstf = jnp.concatenate(
        [edge_index[1], N + (jnp.arange(epad, dtype=jnp.int32) % 512)])
    batchr = batch.reshape(N // bn, 1, bn)
    r2 = lambda a: a.reshape(1, -1)

    (p1,) = _segsum_sc(N, F, nch1, ch1, pre=False)(
        x, srcf.reshape(_NW, nch1, ch1), dstf.reshape(_NW, nch1, ch1))
    h1, ss1 = _conv1_post(x, p1, eps1.reshape(1, 1), W1a, r2(b1a), W1b,
                          r2(b1b), r2(g1), r2(be1), bn)
    x1d, p2 = _segsum_sc(N, D1, nch2, ch2, pre=True)(
        h1, ss1, srcf.reshape(_NW, nch2, ch2), dstf.reshape(_NW, nch2, ch2))
    h2, ss2 = _conv2_post(x1d[0], p2, eps2.reshape(1, 1), W2a, r2(b2a),
                          W2b, r2(b2b), r2(g2), r2(be2), bn)
    out = _pool_head(h2, ss2, batchr, fcW1, r2(fcb1), fcW2,
                     fcb2.reshape(1, 1), bn)
    return out.reshape(-1)

# --- scband reference (transcript-rebuilt; emitter-appended) ---
"""Pipeline reference for scband-gin-30966714204823 (READ-ONLY COPY).

The authoritative reference and input builder live on the scoring server;
editing this copy changes nothing except your own understanding.
"""

import jax, jax.numpy as jnp
import numpy as np

N = 10000
E = 320000
FEAT = 128
D1 = 16
D2 = 32
G = 64


def setup_inputs(seed: int = 0):
    key = jax.random.key(seed)
    ks = jax.random.split(key, 16)

    def lin(k, fi, fo):
        return (jax.random.normal(k, (fi, fo), jnp.float32) / np.sqrt(fi)).astype(jnp.float32)

    x = jax.random.normal(ks[0], (N, FEAT), jnp.float32)
    edge_index = jax.random.randint(ks[1], (2, E), 0, N, dtype=jnp.int32)
    batch = jnp.sort(jax.random.randint(ks[2], (N,), 0, G, dtype=jnp.int32))
    return {
        "x": x,
        "edge_index": edge_index,
        "batch": batch,
        "eps1": jnp.zeros((), jnp.float32),
        "W1a": lin(ks[3], FEAT, D1), "b1a": jnp.zeros((D1,), jnp.float32),
        "W1b": lin(ks[4], D1, D1), "b1b": jnp.zeros((D1,), jnp.float32),
        "g1": jnp.ones((D1,), jnp.float32), "be1": jnp.zeros((D1,), jnp.float32),
        "eps2": jnp.zeros((), jnp.float32),
        "W2a": lin(ks[5], D1, D2), "b2a": jnp.zeros((D2,), jnp.float32),
        "W2b": lin(ks[6], D2, D2), "b2b": jnp.zeros((D2,), jnp.float32),
        "g2": jnp.ones((D2,), jnp.float32), "be2": jnp.zeros((D2,), jnp.float32),
        "fcW1": lin(ks[7], D2, 32), "fcb1": jnp.zeros((32,), jnp.float32),
        "fcW2": lin(ks[8], 32, 1), "fcb2": jnp.zeros((1,), jnp.float32),
    }


def _bn(h, g, b):
    # BatchNorm1d with track_running_stats=False -> always uses batch stats (biased var)
    m = jnp.mean(h, axis=0)
    v = jnp.var(h, axis=0)
    return (h - m) / jnp.sqrt(v + 1e-5) * g + b


def _gin_conv(x, edge_index, eps, Wa, ba, Wb, bb, g, be):
    src = edge_index[0]
    dst = edge_index[1]
    # sum aggregation of source-node features at destination nodes
    agg = jax.ops.segment_sum(x[src], dst, num_segments=x.shape[0])
    h = (1.0 + eps) * x + agg
    h = jax.nn.relu(h @ Wa + ba) @ Wb + bb
    return _bn(h, g, be)


def reference(x, edge_index, batch, eps1, W1a, b1a, W1b, b1b, g1, be1,
              eps2, W2a, b2a, W2b, b2b, g2, be2, fcW1, fcb1, fcW2, fcb2):
    x1 = jax.nn.relu(_gin_conv(x, edge_index, eps1, W1a, b1a, W1b, b1b, g1, be1))
    x2 = jax.nn.relu(_gin_conv(x1, edge_index, eps2, W2a, b2a, W2b, b2b, g2, be2))
    sums = jax.ops.segment_sum(x2, batch, num_segments=G)
    cnt = jax.ops.segment_sum(jnp.ones((x2.shape[0],), jnp.float32), batch, num_segments=G)
    pool = sums / jnp.maximum(cnt, 1.0)[:, None]
    h = jax.nn.relu(pool @ fcW1 + fcb1) + pool
    out = (h @ fcW2 + fcb2).reshape(-1)
    return out

if __name__ == "__main__":
    import jax
    _d = setup_inputs()
    print(jax.jit(kernel)(*tuple(_d.values())))

</pallas_src>

<mosaic_0001>
#map = affine_map<(d0, d1) -> (0, 0)>
#map1 = affine_map<(d0, d1) -> (0, 0, 0)>
module attributes {stable_mosaic.version = 14 : i64} {
  func.func @seg(%arg0: i32, %arg1: i32, %arg2: memref<10000x128xf32, #tpu.memory_space<hbm>>, %arg3: memref<32x640x16xi32, #tpu.memory_space<hbm>>, %arg4: memref<32x640x16xi32, #tpu.memory_space<hbm>>, %arg5: memref<2x10000x128xf32, #tpu.memory_space<hbm>>, %arg6: memref<640x16xi32, #tpu.memory_space<vmem>>, %arg7: memref<640x16xi32, #tpu.memory_space<vmem>>, %arg8: memref<8x16x128xf32, #tpu.memory_space<vmem>>, %arg9: memref<40x128xf32, #tpu.memory_space<vmem>>, %arg10: memref<10512x128xf32, #tpu.memory_space<vmem_shared>>, %arg11: memref<!tpu.dma_semaphore, #tpu.memory_space<semaphore_mem>>, %arg12: memref<!tpu.dma_semaphore, #tpu.memory_space<semaphore_mem>>) attributes {dimension_semantics = [#tpu.dimension_semantics<core_parallel>, #tpu.dimension_semantics<subcore_parallel>], iteration_bounds = array<i64: 2, 16>, scalar_prefetch = 0 : i64, scratch_operands = 7 : i64, tpu.core_type = #tpu.core_type<sc_vector_subcore>, window_params = [{transform_indices = #map}, {transform_indices = #map1}, {transform_indices = #map1}, {transform_indices = #map1}]} {
    %mul3A = arith.constant 16 : i32
    %mul3A_0 = arith.muli %arg0, %mul3A : i32
    %add3A = arith.addi %mul3A_0, %arg1 : i32
    "tpu.region"() ({
      %run_scoped3A = tpu.sem_alloc : memref<!tpu.dma_semaphore, #tpu.memory_space<semaphore_mem>>
      %dma_start3A = arith.constant 0 : i32
      %dma_start3A_26 = arith.constant 0 : i32
      %dma_start3A_27 = tpu.memref_slice %arg3[%add3A, %dma_start3A, %dma_start3A_26] : memref<32x640x16xi32, #tpu.memory_space<hbm>> -> memref<1x640x16xi32, #tpu.memory_space<hbm>>
      %dma_start3A_28 = tpu.memref_squeeze %dma_start3A_27 : memref<1x640x16xi32, #tpu.memory_space<hbm>> -> memref<640x16xi32, #tpu.memory_space<hbm>>
      %dma_start3A_29 = arith.constant 0 : i32
      %dma_start3A_30 = arith.constant 0 : i32
      %dma_start3A_31 = tpu.memref_slice %arg3[%add3A, %dma_start3A_29, %dma_start3A_30] : memref<32x640x16xi32, #tpu.memory_space<hbm>> -> memref<1x640x16xi32, #tpu.memory_space<hbm>>
      %dma_start3A_32 = tpu.memref_squeeze %dma_start3A_31 : memref<1x640x16xi32, #tpu.memory_space<hbm>> -> memref<640x16xi32, #tpu.memory_space<hbm>>
      tpu.enqueue_dma source(%dma_start3A_32 : memref<640x16xi32, #tpu.memory_space<hbm>>) target(%arg6 : memref<640x16xi32, #tpu.memory_space<vmem>>) target_semaphore(%run_scoped3A : memref<!tpu.dma_semaphore, #tpu.memory_space<semaphore_mem>>)
      %dma_wait3A = arith.constant 0 : i32
      %dma_wait3A_33 = arith.constant 0 : i32
      %dma_wait3A_34 = tpu.memref_slice %arg3[%add3A, %dma_wait3A, %dma_wait3A_33] : memref<32x640x16xi32, #tpu.memory_space<hbm>> -> memref<1x640x16xi32, #tpu.memory_space<hbm>>
      %dma_wait3A_35 = tpu.memref_squeeze %dma_wait3A_34 : memref<1x640x16xi32, #tpu.memory_space<hbm>> -> memref<640x16xi32, #tpu.memory_space<hbm>>
      %dma_wait3A_36 = arith.constant 0 : i32
      %dma_wait3A_37 = arith.constant 0 : i32
      %dma_wait3A_38 = tpu.memref_slice %arg3[%add3A, %dma_wait3A_36, %dma_wait3A_37] : memref<32x640x16xi32, #tpu.memory_space<hbm>> -> memref<1x640x16xi32, #tpu.memory_space<hbm>>
      %dma_wait3A_39 = tpu.memref_squeeze %dma_wait3A_38 : memref<1x640x16xi32, #tpu.memory_space<hbm>> -> memref<640x16xi32, #tpu.memory_space<hbm>>
      tpu.wait_dma2 semaphore(%run_scoped3A : memref<!tpu.dma_semaphore, #tpu.memory_space<semaphore_mem>>) src(%dma_wait3A_39 : memref<640x16xi32, #tpu.memory_space<hbm>>) dst(%arg6 : memref<640x16xi32, #tpu.memory_space<vmem>>)
      tpu.yield
    }) : () -> ()
    "tpu.region"() ({
      %run_scoped3A = tpu.sem_alloc : memref<!tpu.dma_semaphore, #tpu.memory_space<semaphore_mem>>
      %dma_start3A = arith.constant 0 : i32
      %dma_start3A_26 = arith.constant 0 : i32
      %dma_start3A_27 = tpu.memref_slice %arg4[%add3A, %dma_start3A, %dma_start3A_26] : memref<32x640x16xi32, #tpu.memory_space<hbm>> -> memref<1x640x16xi32, #tpu.memory_space<hbm>>
      %dma_start3A_28 = tpu.memref_squeeze %dma_start3A_27 : memref<1x640x16xi32, #tpu.memory_space<hbm>> -> memref<640x16xi32, #tpu.memory_space<hbm>>
      %dma_start3A_29 = arith.constant 0 : i32
      %dma_start3A_30 = arith.constant 0 : i32
      %dma_start3A_31 = tpu.memref_slice %arg4[%add3A, %dma_start3A_29, %dma_start3A_30] : memref<32x640x16xi32, #tpu.memory_space<hbm>> -> memref<1x640x16xi32, #tpu.memory_space<hbm>>
      %dma_start3A_32 = tpu.memref_squeeze %dma_start3A_31 : memref<1x640x16xi32, #tpu.memory_space<hbm>> -> memref<640x16xi32, #tpu.memory_space<hbm>>
      tpu.enqueue_dma source(%dma_start3A_32 : memref<640x16xi32, #tpu.memory_space<hbm>>) target(%arg7 : memref<640x16xi32, #tpu.memory_space<vmem>>) target_semaphore(%run_scoped3A : memref<!tpu.dma_semaphore, #tpu.memory_space<semaphore_mem>>)
      %dma_wait3A = arith.constant 0 : i32
      %dma_wait3A_33 = arith.constant 0 : i32
      %dma_wait3A_34 = tpu.memref_slice %arg4[%add3A, %dma_wait3A, %dma_wait3A_33] : memref<32x640x16xi32, #tpu.memory_space<hbm>> -> memref<1x640x16xi32, #tpu.memory_space<hbm>>
      %dma_wait3A_35 = tpu.memref_squeeze %dma_wait3A_34 : memref<1x640x16xi32, #tpu.memory_space<hbm>> -> memref<640x16xi32, #tpu.memory_space<hbm>>
      %dma_wait3A_36 = arith.constant 0 : i32
      %dma_wait3A_37 = arith.constant 0 : i32
      %dma_wait3A_38 = tpu.memref_slice %arg4[%add3A, %dma_wait3A_36, %dma_wait3A_37] : memref<32x640x16xi32, #tpu.memory_space<hbm>> -> memref<1x640x16xi32, #tpu.memory_space<hbm>>
      %dma_wait3A_39 = tpu.memref_squeeze %dma_wait3A_38 : memref<1x640x16xi32, #tpu.memory_space<hbm>> -> memref<640x16xi32, #tpu.memory_space<hbm>>
      tpu.wait_dma2 semaphore(%run_scoped3A : memref<!tpu.dma_semaphore, #tpu.memory_space<semaphore_mem>>) src(%dma_wait3A_39 : memref<640x16xi32, #tpu.memory_space<hbm>>) dst(%arg7 : memref<640x16xi32, #tpu.memory_space<vmem>>)
      tpu.yield
    }) : () -> ()
    %broadcast_in_dim3A = arith.constant 0.000000e+00 : f32
    %broadcast_in_dim3A_1 = vector.broadcast %broadcast_in_dim3A : f32 to vector<16xf32>
    %scan3A = arith.constant 0 : i32
    %scan3A_2 = arith.constant 0 : i32
    %scan3A_3 = arith.constant 40 : i32
    %scan3A_4 = arith.addi %scan3A_2, %scan3A_3 : i32
    %scan3A_5 = arith.constant 1 : i32
    scf.for %scan3A_26 = %scan3A_2 to %scan3A_4 step %scan3A_5  : i32 {
      %swap3A = arith.index_cast %scan3A_26 : i32 to index
      %swap3A_27 = arith.constant 0 : index
      %swap3A_28 = tpu.vector_load %arg9[%swap3A, %swap3A_27] {strides = array<i32>} : memref<40x128xf32, #tpu.memory_space<vmem>>, vector<1x16xf32>,
      %swap3A_29 = vector.shape_cast %swap3A_28 : vector<1x16xf32> to vector<16xf32>
      %swap3A_30 = vector.shape_cast %broadcast_in_dim3A_1 : vector<16xf32> to vector<1x16xf32>
      tpu.vector_store %arg9[%swap3A, %swap3A_27], %swap3A_30 {strides = array<i32>} : memref<40x128xf32, #tpu.memory_space<vmem>>, vector<1x16xf32>,
      %swap3A_31 = arith.index_cast %scan3A_26 : i32 to index
      %swap3A_32 = arith.constant 16 : index
      %swap3A_33 = tpu.vector_load %arg9[%swap3A_31, %swap3A_32] {strides = array<i32>} : memref<40x128xf32, #tpu.memory_space<vmem>>, vector<1x16xf32>,
      %swap3A_34 = vector.shape_cast %swap3A_33 : vector<1x16xf32> to vector<16xf32>
      %swap3A_35 = vector.shape_cast %broadcast_in_dim3A_1 : vector<16xf32> to vector<1x16xf32>
      tpu.vector_store %arg9[%swap3A_31, %swap3A_32], %swap3A_35 {strides = array<i32>} : memref<40x128xf32, #tpu.memory_space<vmem>>, vector<1x16xf32>,
      %swap3A_36 = arith.index_cast %scan3A_26 : i32 to index
      %swap3A_37 = arith.constant 32 : index
      %swap3A_38 = tpu.vector_load %arg9[%swap3A_36, %swap3A_37] {strides = array<i32>} : memref<40x128xf32, #tpu.memory_space<vmem>>, vector<1x16xf32>,
      %swap3A_39 = vector.shape_cast %swap3A_38 : vector<1x16xf32> to vector<16xf32>
      %swap3A_40 = vector.shape_cast %broadcast_in_dim3A_1 : vector<16xf32> to vector<1x16xf32>
      tpu.vector_store %arg9[%swap3A_36, %swap3A_37], %swap3A_40 {strides = array<i32>} : memref<40x128xf32, #tpu.memory_space<vmem>>, vector<1x16xf32>,
      %swap3A_41 = arith.index_cast %scan3A_26 : i32 to index
      %swap3A_42 = arith.constant 48 : index
      %swap3A_43 = tpu.vector_load %arg9[%swap3A_41, %swap3A_42] {strides = array<i32>} : memref<40x128xf32, #tpu.memory_space<vmem>>, vector<1x16xf32>,
      %swap3A_44 = vector.shape_cast %swap3A_43 : vector<1x16xf32> to vector<16xf32>
      %swap3A_45 = vector.shape_cast %broadcast_in_dim3A_1 : vector<16xf32> to vector<1x16xf32>
      tpu.vector_store %arg9[%swap3A_41, %swap3A_42], %swap3A_45 {strides = array<i32>} : memref<40x128xf32, #tpu.memory_space<vmem>>, vector<1x16xf32>,
      %swap3A_46 = arith.index_cast %scan3A_26 : i32 to index
      %swap3A_47 = arith.constant 64 : index
      %swap3A_48 = tpu.vector_load %arg9[%swap3A_46, %swap3A_47] {strides = array<i32>} : memref<40x128xf32, #tpu.memory_space<vmem>>, vector<1x16xf32>,
      %swap3A_49 = vector.shape_cast %swap3A_48 : vector<1x16xf32> to vector<16xf32>
      %swap3A_50 = vector.shape_cast %broadcast_in_dim3A_1 : vector<16xf32> to vector<1x16xf32>
      tpu.vector_store %arg9[%swap3A_46, %swap3A_47], %swap3A_50 {strides = array<i32>} : memref<40x128xf32, #tpu.memory_space<vmem>>, vector<1x16xf32>,
      %swap3A_51 = arith.index_cast %scan3A_26 : i32 to index
      %swap3A_52 = arith.constant 80 : index
      %swap3A_53 = tpu.vector_load %arg9[%swap3A_51, %swap3A_52] {strides = array<i32>} : memref<40x128xf32, #tpu.memory_space<vmem>>, vector<1x16xf32>,
      %swap3A_54 = vector.shape_cast %swap3A_53 : vector<1x16xf32> to vector<16xf32>
      %swap3A_55 = vector.shape_cast %broadcast_in_dim3A_1 : vector<16xf32> to vector<1x16xf32>
      tpu.vector_store %arg9[%swap3A_51, %swap3A_52], %swap3A_55 {strides = array<i32>} : memref<40x128xf32, #tpu.memory_space<vmem>>, vector<1x16xf32>,
      %swap3A_56 = arith.index_cast %scan3A_26 : i32 to index
      %swap3A_57 = arith.constant 96 : index
      %swap3A_58 = tpu.vector_load %arg9[%swap3A_56, %swap3A_57] {strides = array<i32>} : memref<40x128xf32, #tpu.memory_space<vmem>>, vector<1x16xf32>,
      %swap3A_59 = vector.shape_cast %swap3A_58 : vector<1x16xf32> to vector<16xf32>
      %swap3A_60 = vector.shape_cast %broadcast_in_dim3A_1 : vector<16xf32> to vector<1x16xf32>
      tpu.vector_store %arg9[%swap3A_56, %swap3A_57], %swap3A_60 {strides = array<i32>} : memref<40x128xf32, #tpu.memory_space<vmem>>, vector<1x16xf32>,
      %swap3A_61 = arith.index_cast %scan3A_26 : i32 to index
      %swap3A_62 = arith.constant 112 : index
      %swap3A_63 = tpu.vector_load %arg9[%swap3A_61, %swap3A_62] {strides = array<i32>} : memref<40x128xf32, #tpu.memory_space<vmem>>, vector<1x16xf32>,
      %swap3A_64 = vector.shape_cast %swap3A_63 : vector<1x16xf32> to vector<16xf32>
      %swap3A_65 = vector.shape_cast %broadcast_in_dim3A_1 : vector<16xf32> to vector<1x16xf32>
      tpu.vector_store %arg9[%swap3A_61, %swap3A_62], %swap3A_65 {strides = array<i32>} : memref<40x128xf32, #tpu.memory_space<vmem>>, vector<1x16xf32>,
    }
    %scan3A_6 = arith.constant 40 : i32
    %scan3A_7 = arith.constant 0 : i32
    %scan3A_8 = arith.constant 0 : i32
    %scan3A_9 = arith.constant 16 : i32
    %scan3A_10 = arith.addi %scan3A_8, %scan3A_9 : i32
    %scan3A_11 = arith.constant 1 : i32
    scf.for %scan3A_26 = %scan3A_8 to %scan3A_10 step %scan3A_11  : i32 {
      %mul3A_27 = arith.constant 16 : i32
      %mul3A_28 = arith.muli %scan3A_26, %mul3A_27 : i32
      %add3A_29 = arith.addi %arg1, %mul3A_28 : i32
      %lt3A = arith.constant 250 : i32
      %lt3A_30 = arith.cmpi slt, %add3A_29, %lt3A : i32
      %convert_element_type3A = arith.extui %lt3A_30 : i1 to i32
      %cond3A = arith.constant 0 : i32
      %cond3A_31 = arith.cmpi ne, %convert_element_type3A, %cond3A : i32
      scf.if %cond3A_31 {
        %mul3A_32 = arith.constant 40 : i32
        %mul3A_33 = arith.muli %add3A_29, %mul3A_32 : i32
        "tpu.region"() ({
          %run_scoped3A = tpu.sem_alloc : memref<!tpu.dma_semaphore, #tpu.memory_space<semaphore_mem>>
          %dma_start3A = arith.constant 0 : i32
          %dma_start3A_34 = tpu.memref_slice %arg10[%mul3A_33, %dma_start3A] : memref<10512x128xf32, #tpu.memory_space<vmem_shared>> -> memref<40x128xf32, #tpu.memory_space<vmem_shared>>
          %dma_start3A_35 = arith.constant 0 : i32
          %dma_start3A_36 = tpu.memref_slice %arg10[%mul3A_33, %dma_start3A_35] : memref<10512x128xf32, #tpu.memory_space<vmem_shared>> -> memref<40x128xf32, #tpu.memory_space<vmem_shared>>
          tpu.enqueue_dma source(%arg9 : memref<40x128xf32, #tpu.memory_space<vmem>>) target(%dma_start3A_36 : memref<40x128xf32, #tpu.memory_space<vmem_shared>>) target_semaphore(%run_scoped3A : memref<!tpu.dma_semaphore, #tpu.memory_space<semaphore_mem>>)
          %dma_wait3A = arith.constant 0 : i32
          %dma_wait3A_37 = tpu.memref_slice %arg10[%mul3A_33, %dma_wait3A] : memref<10512x128xf32, #tpu.memory_space<vmem_shared>> -> memref<40x128xf32, #tpu.memory_space<vmem_shared>>
          %dma_wait3A_38 = arith.constant 0 : i32
          %dma_wait3A_39 = tpu.memref_slice %arg10[%mul3A_33, %dma_wait3A_38] : memref<10512x128xf32, #tpu.memory_space<vmem_shared>> -> memref<40x128xf32, #tpu.memory_space<vmem_shared>>
          tpu.wait_dma2 semaphore(%run_scoped3A : memref<!tpu.dma_semaphore, #tpu.memory_space<semaphore_mem>>) src(%arg9 : memref<40x128xf32, #tpu.memory_space<vmem>>) dst(%dma_wait3A_39 : memref<40x128xf32, #tpu.memory_space<vmem_shared>>)
          tpu.yield
        }) : () -> ()
      } else {
      }
    }
    %scan3A_12 = arith.constant 16 : i32
    %barrier3A = arith.constant 0 : index
    tpu.barrier barrier_id(%barrier3A)
    %scan3A_13 = arith.constant 0 : i32
    %scan3A_14 = arith.constant 0 : i32
    %scan3A_15 = arith.constant 80 : i32
    %scan3A_16 = arith.addi %scan3A_14, %scan3A_15 : i32
    %scan3A_17 = arith.constant 1 : i32
    scf.for %scan3A_26 = %scan3A_14 to %scan3A_16 step %scan3A_17  : i32 {
      %mul3A_27 = arith.constant 8 : i32
      %mul3A_28 = arith.muli %scan3A_26, %mul3A_27 : i32
      %add3A_29 = arith.constant 0 : i32
      %add3A_30 = arith.addi %mul3A_28, %add3A_29 : i32
      %dma_start3A = arith.constant 0 : i32
      %dma_start3A_31 = arith.constant 0 : i32
      %dma_start3A_32 = arith.constant 0 : i32
      %dma_start3A_33 = tpu.memref_slice %arg8[%dma_start3A, %dma_start3A_31, %dma_start3A_32] : memref<8x16x128xf32, #tpu.memory_space<vmem>> -> memref<1x16x128xf32, #tpu.memory_space<vmem>>
      %dma_start3A_34 = tpu.memref_squeeze %dma_start3A_33 : memref<1x16x128xf32, #tpu.memory_space<vmem>> -> memref<16x128xf32, #tpu.memory_space<vmem>>
      %dma_start3A_35 = arith.constant 0 : i32
      %dma_start3A_36 = tpu.memref_slice %arg6[%add3A_30, %dma_start3A_35] : memref<640x16xi32, #tpu.memory_space<vmem>> -> memref<1x16xi32, #tpu.memory_space<vmem>>
      %dma_start3A_37 = tpu.memref_squeeze %dma_start3A_36 : memref<1x16xi32, #tpu.memory_space<vmem>> -> memref<16xi32, #tpu.memory_space<vmem>>
      %dma_start3A_38 = arith.constant 0 : i32
      %dma_start3A_39 = arith.constant 0 : i32
      %dma_start3A_40 = tpu.memref_slice %arg2[%dma_start3A_38, %dma_start3A_39] : memref<10000x128xf32, #tpu.memory_space<hbm>> -> memref<10000x128xf32, #tpu.memory_space<hbm>>
      tpu.enqueue_indirect_dma source(%dma_start3A_40 : memref<10000x128xf32, #tpu.memory_space<hbm>>) target(%dma_start3A_34 : memref<16x128xf32, #tpu.memory_space<vmem>>) offsets(%dma_start3A_37 : memref<16xi32, #tpu.memory_space<vmem>>) semaphore(%arg11 : memref<!tpu.dma_semaphore, #tpu.memory_space<semaphore_mem>>)
      %mul3A_41 = arith.constant 8 : i32
      %mul3A_42 = arith.muli %scan3A_26, %mul3A_41 : i32
      %add3A_43 = arith.constant 1 : i32
      %add3A_44 = arith.addi %mul3A_42, %add3A_43 : i32
      %dma_start3A_45 = arith.constant 1 : i32
      %dma_start3A_46 = arith.constant 0 : i32
      %dma_start3A_47 = arith.constant 0 : i32
      %dma_start3A_48 = tpu.memref_slice %arg8[%dma_start3A_45, %dma_start3A_46, %dma_start3A_47] : memref<8x16x128xf32, #tpu.memory_space<vmem>> -> memref<1x16x128xf32, #tpu.memory_space<vmem>>
      %dma_start3A_49 = tpu.memref_squeeze %dma_start3A_48 : memref<1x16x128xf32, #tpu.memory_space<vmem>> -> memref<16x128xf32, #tpu.memory_space<vmem>>
      %dma_start3A_50 = arith.constant 0 : i32
      %dma_start3A_51 = tpu.memref_slice %arg6[%add3A_44, %dma_start3A_50] : memref<640x16xi32, #tpu.memory_space<vmem>> -> memref<1x16xi32, #tpu.memory_space<vmem>>
      %dma_start3A_52 = tpu.memref_squeeze %dma_start3A_51 : memref<1x16xi32, #tpu.memory_space<vmem>> -> memref<16xi32, #tpu.memory_space<vmem>>
      %dma_start3A_53 = arith.constant 0 : i32
      %dma_start3A_54 = arith.constant 0 : i32
      %dma_start3A_55 = tpu.memref_slice %arg2[%dma_start3A_53, %dma_start3A_54] : memref<10000x128xf32, #tpu.memory_space<hbm>> -> memref<10000x128xf32, #tpu.memory_space<hbm>>
      tpu.enqueue_indirect_dma source(%dma_start3A_55 : memref<10000x128xf32, #tpu.memory_space<hbm>>) target(%dma_start3A_49 : memref<16x128xf32, #tpu.memory_space<vmem>>) offsets(%dma_start3A_52 : memref<16xi32, #tpu.memory_space<vmem>>) semaphore(%arg11 : memref<!tpu.dma_semaphore, #tpu.memory_space<semaphore_mem>>)
      %mul3A_56 = arith.constant 8 : i32
      %mul3A_57 = arith.muli %scan3A_26, %mul3A_56 : i32
      %add3A_58 = arith.constant 2 : i32
      %add3A_59 = arith.addi %mul3A_57, %add3A_58 : i32
      %dma_start3A_60 = arith.constant 2 : i32
      %dma_start3A_61 = arith.constant 0 : i32
      %dma_start3A_62 = arith.constant 0 : i32
      %dma_start3A_63 = tpu.memref_slice %arg8[%dma_start3A_60, %dma_start3A_61, %dma_start3A_62] : memref<8x16x128xf32, #tpu.memory_space<vmem>> -> memref<1x16x128xf32, #tpu.memory_space<vmem>>
      %dma_start3A_64 = tpu.memref_squeeze %dma_start3A_63 : memref<1x16x128xf32, #tpu.memory_space<vmem>> -> memref<16x128xf32, #tpu.memory_space<vmem>>
      %dma_start3A_65 = arith.constant 0 : i32
      %dma_start3A_66 = tpu.memref_slice %arg6[%add3A_59, %dma_start3A_65] : memref<640x16xi32, #tpu.memory_space<vmem>> -> memref<1x16xi32, #tpu.memory_space<vmem>>
      %dma_start3A_67 = tpu.memref_squeeze %dma_start3A_66 : memref<1x16xi32, #tpu.memory_space<vmem>> -> memref<16xi32, #tpu.memory_space<vmem>>
      %dma_start3A_68 = arith.constant 0 : i32
      %dma_start3A_69 = arith.constant 0 : i32
      %dma_start3A_70 = tpu.memref_slice %arg2[%dma_start3A_68, %dma_start3A_69] : memref<10000x128xf32, #tpu.memory_space<hbm>> -> memref<10000x128xf32, #tpu.memory_space<hbm>>
      tpu.enqueue_indirect_dma source(%dma_start3A_70 : memref<10000x128xf32, #tpu.memory_space<hbm>>) target(%dma_start3A_64 : memref<16x128xf32, #tpu.memory_space<vmem>>) offsets(%dma_start3A_67 : memref<16xi32, #tpu.memory_space<vmem>>) semaphore(%arg11 : memref<!tpu.dma_semaphore, #tpu.memory_space<semaphore_mem>>)
      %mul3A_71 = arith.constant 8 : i32
      %mul3A_72 = arith.muli %scan3A_26, %mul3A_71 : i32
      %add3A_73 = arith.constant 3 : i32
      %add3A_74 = arith.addi %mul3A_72, %add3A_73 : i32
      %dma_start3A_75 = arith.constant 3 : i32
      %dma_start3A_76 = arith.constant 0 : i32
      %dma_start3A_77 = arith.constant 0 : i32
      %dma_start3A_78 = tpu.memref_slice %arg8[%dma_start3A_75, %dma_start3A_76, %dma_start3A_77] : memref<8x16x128xf32, #tpu.memory_space<vmem>> -> memref<1x16x128xf32, #tpu.memory_space<vmem>>
      %dma_start3A_79 = tpu.memref_squeeze %dma_start3A_78 : memref<1x16x128xf32, #tpu.memory_space<vmem>> -> memref<16x128xf32, #tpu.memory_space<vmem>>
      %dma_start3A_80 = arith.constant 0 : i32
      %dma_start3A_81 = tpu.memref_slice %arg6[%add3A_74, %dma_start3A_80] : memref<640x16xi32, #tpu.memory_space<vmem>> -> memref<1x16xi32, #tpu.memory_space<vmem>>
      %dma_start3A_82 = tpu.memref_squeeze %dma_start3A_81 : memref<1x16xi32, #tpu.memory_space<vmem>> -> memref<16xi32, #tpu.memory_space<vmem>>
      %dma_start3A_83 = arith.constant 0 : i32
      %dma_start3A_84 = arith.constant 0 : i32
      %dma_start3A_85 = tpu.memref_slice %arg2[%dma_start3A_83, %dma_start3A_84] : memref<10000x128xf32, #tpu.memory_space<hbm>> -> memref<10000x128xf32, #tpu.memory_space<hbm>>
      tpu.enqueue_indirect_dma source(%dma_start3A_85 : memref<10000x128xf32, #tpu.memory_space<hbm>>) target(%dma_start3A_79 : memref<16x128xf32, #tpu.memory_space<vmem>>) offsets(%dma_start3A_82 : memref<16xi32, #tpu.memory_space<vmem>>) semaphore(%arg11 : memref<!tpu.dma_semaphore, #tpu.memory_space<semaphore_mem>>)
      %mul3A_86 = arith.constant 8 : i32
      %mul3A_87 = arith.muli %scan3A_26, %mul3A_86 : i32
      %add3A_88 = arith.constant 4 : i32
      %add3A_89 = arith.addi %mul3A_87, %add3A_88 : i32
      %dma_start3A_90 = arith.constant 4 : i32
      %dma_start3A_91 = arith.constant 0 : i32
      %dma_start3A_92 = arith.constant 0 : i32
      %dma_start3A_93 = tpu.memref_slice %arg8[%dma_start3A_90, %dma_start3A_91, %dma_start3A_92] : memref<8x16x128xf32, #tpu.memory_space<vmem>> -> memref<1x16x128xf32, #tpu.memory_space<vmem>>
      %dma_start3A_94 = tpu.memref_squeeze %dma_start3A_93 : memref<1x16x128xf32, #tpu.memory_space<vmem>> -> memref<16x128xf32, #tpu.memory_space<vmem>>
      %dma_start3A_95 = arith.constant 0 : i32
      %dma_start3A_96 = tpu.memref_slice %arg6[%add3A_89, %dma_start3A_95] : memref<640x16xi32, #tpu.memory_space<vmem>> -> memref<1x16xi32, #tpu.memory_space<vmem>>
      %dma_start3A_97 = tpu.memref_squeeze %dma_start3A_96 : memref<1x16xi32, #tpu.memory_space<vmem>> -> memref<16xi32, #tpu.memory_space<vmem>>
      %dma_start3A_98 = arith.constant 0 : i32
      %dma_start3A_99 = arith.constant 0 : i32
      %dma_start3A_100 = tpu.memref_slice %arg2[%dma_start3A_98, %dma_start3A_99] : memref<10000x128xf32, #tpu.memory_space<hbm>> -> memref<10000x128xf32, #tpu.memory_space<hbm>>
      tpu.enqueue_indirect_dma source(%dma_start3A_100 : memref<10000x128xf32, #tpu.memory_space<hbm>>) target(%dma_start3A_94 : memref<16x128xf32, #tpu.memory_space<vmem>>) offsets(%dma_start3A_97 : memref<16xi32, #tpu.memory_space<vmem>>) semaphore(%arg11 : memref<!tpu.dma_semaphore, #tpu.memory_space<semaphore_mem>>)
      %mul3A_101 = arith.constant 8 : i32
      %mul3A_102 = arith.muli %scan3A_26, %mul3A_101 : i32
      %add3A_103 = arith.constant 5 : i32
      %add3A_104 = arith.addi %mul3A_102, %add3A_103 : i32
      %dma_start3A_105 = arith.constant 5 : i32
      %dma_start3A_106 = arith.constant 0 : i32
      %dma_start3A_107 = arith.constant 0 : i32
      %dma_start3A_108 = tpu.memref_slice %arg8[%dma_start3A_105, %dma_start3A_106, %dma_start3A_107] : memref<8x16x128xf32, #tpu.memory_space<vmem>> -> memref<1x16x128xf32, #tpu.memory_space<vmem>>
      %dma_start3A_109 = tpu.memref_squeeze %dma_start3A_108 : memref<1x16x128xf32, #tpu.memory_space<vmem>> -> memref<16x128xf32, #tpu.memory_space<vmem>>
      %dma_start3A_110 = arith.constant 0 : i32
      %dma_start3A_111 = tpu.memref_slice %arg6[%add3A_104, %dma_start3A_110] : memref<640x16xi32, #tpu.memory_space<vmem>> -> memref<1x16xi32, #tpu.memory_space<vmem>>
      %dma_start3A_112 = tpu.memref_squeeze %dma_start3A_111 : memref<1x16xi32, #tpu.memory_space<vmem>> -> memref<16xi32, #tpu.memory_space<vmem>>
      %dma_start3A_113 = arith.constant 0 : i32
      %dma_start3A_114 = arith.constant 0 : i32
      %dma_start3A_115 = tpu.memref_slice %arg2[%dma_start3A_113, %dma_start3A_114] : memref<10000x128xf32, #tpu.memory_space<hbm>> -> memref<10000x128xf32, #tpu.memory_space<hbm>>
      tpu.enqueue_indirect_dma source(%dma_start3A_115 : memref<10000x128xf32, #tpu.memory_space<hbm>>) target(%dma_start3A_109 : memref<16x128xf32, #tpu.memory_space<vmem>>) offsets(%dma_start3A_112 : memref<16xi32, #tpu.memory_space<vmem>>) semaphore(%arg11 : memref<!tpu.dma_semaphore, #tpu.memory_space<semaphore_mem>>)
      %mul3A_116 = arith.constant 8 : i32
      %mul3A_117 = arith.muli %scan3A_26, %mul3A_116 : i32
      %add3A_118 = arith.constant 6 : i32
      %add3A_119 = arith.addi %mul3A_117, %add3A_118 : i32
      %dma_start3A_120 = arith.constant 6 : i32
      %dma_start3A_121 = arith.constant 0 : i32
      %dma_start3A_122 = arith.constant 0 : i32
      %dma_start3A_123 = tpu.memref_slice %arg8[%dma_start3A_120, %dma_start3A_121, %dma_start3A_122] : memref<8x16x128xf32, #tpu.memory_space<vmem>> -> memref<1x16x128xf32, #tpu.memory_space<vmem>>
      %dma_start3A_124 = tpu.memref_squeeze %dma_start3A_123 : memref<1x16x128xf32, #tpu.memory_space<vmem>> -> memref<16x128xf32, #tpu.memory_space<vmem>>
      %dma_start3A_125 = arith.constant 0 : i32
      %dma_start3A_126 = tpu.memref_slice %arg6[%add3A_119, %dma_start3A_125] : memref<640x16xi32, #tpu.memory_space<vmem>> -> memref<1x16xi32, #tpu.memory_space<vmem>>
      %dma_start3A_127 = tpu.memref_squeeze %dma_start3A_126 : memref<1x16xi32, #tpu.memory_space<vmem>> -> memref<16xi32, #tpu.memory_space<vmem>>
      %dma_start3A_128 = arith.constant 0 : i32
      %dma_start3A_129 = arith.constant 0 : i32
      %dma_start3A_130 = tpu.memref_slice %arg2[%dma_start3A_128, %dma_start3A_129] : memref<10000x128xf32, #tpu.memory_space<hbm>> -> memref<10000x128xf32, #tpu.memory_space<hbm>>
      tpu.enqueue_indirect_dma source(%dma_start3A_130 : memref<10000x128xf32, #tpu.memory_space<hbm>>) target(%dma_start3A_124 : memref<16x128xf32, #tpu.memory_space<vmem>>) offsets(%dma_start3A_127 : memref<16xi32, #tpu.memory_space<vmem>>) semaphore(%arg11 : memref<!tpu.dma_semaphore, #tpu.memory_space<semaphore_mem>>)
      %mul3A_131 = arith.constant 8 : i32
      %mul3A_132 = arith.muli %scan3A_26, %mul3A_131 : i32
      %add3A_133 = arith.constant 7 : i32
      %add3A_134 = arith.addi %mul3A_132, %add3A_133 : i32
      %dma_start3A_135 = arith.constant 7 : i32
      %dma_start3A_136 = arith.constant 0 : i32
      %dma_start3A_137 = arith.constant 0 : i32
      %dma_start3A_138 = tpu.memref_slice %arg8[%dma_start3A_135, %dma_start3A_136, %dma_start3A_137] : memref<8x16x128xf32, #tpu.memory_space<vmem>> -> memref<1x16x128xf32, #tpu.memory_space<vmem>>
      %dma_start3A_139 = tpu.memref_squeeze %dma_start3A_138 : memref<1x16x128xf32, #tpu.memory_space<vmem>> -> memref<16x128xf32, #tpu.memory_space<vmem>>
      %dma_start3A_140 = arith.constant 0 : i32
      %dma_start3A_141 = tpu.memref_slice %arg6[%add3A_134, %dma_start3A_140] : memref<640x16xi32, #tpu.memory_space<vmem>> -> memref<1x16xi32, #tpu.memory_space<vmem>>
      %dma_start3A_142 = tpu.memref_squeeze %dma_start3A_141 : memref<1x16xi32, #tpu.memory_space<vmem>> -> memref<16xi32, #tpu.memory_space<vmem>>
      %dma_start3A_143 = arith.constant 0 : i32
      %dma_start3A_144 = arith.constant 0 : i32
      %dma_start3A_145 = tpu.memref_slice %arg2[%dma_start3A_143, %dma_start3A_144] : memref<10000x128xf32, #tpu.memory_space<hbm>> -> memref<10000x128xf32, #tpu.memory_space<hbm>>
      tpu.enqueue_indirect_dma source(%dma_start3A_145 : memref<10000x128xf32, #tpu.memory_space<hbm>>) target(%dma_start3A_139 : memref<16x128xf32, #tpu.memory_space<vmem>>) offsets(%dma_start3A_142 : memref<16xi32, #tpu.memory_space<vmem>>) semaphore(%arg11 : memref<!tpu.dma_semaphore, #tpu.memory_space<semaphore_mem>>)
      %dma_wait3A = arith.constant 0 : i32
      %dma_wait3A_146 = arith.constant 0 : i32
      %dma_wait3A_147 = arith.constant 0 : i32
      %dma_wait3A_148 = tpu.memref_slice %arg8[%dma_wait3A, %dma_wait3A_146, %dma_wait3A_147] : memref<8x16x128xf32, #tpu.memory_space<vmem>> -> memref<1x16x128xf32, #tpu.memory_space<vmem>>
      %dma_wait3A_149 = tpu.memref_squeeze %dma_wait3A_148 : memref<1x16x128xf32, #tpu.memory_space<vmem>> -> memref<16x128xf32, #tpu.memory_space<vmem>>
      %dma_wait3A_150 = arith.constant 0 : i32
      %dma_wait3A_151 = tpu.memref_slice %arg6[%add3A_30, %dma_wait3A_150] : memref<640x16xi32, #tpu.memory_space<vmem>> -> memref<1x16xi32, #tpu.memory_space<vmem>>
      %dma_wait3A_152 = tpu.memref_squeeze %dma_wait3A_151 : memref<1x16xi32, #tpu.memory_space<vmem>> -> memref<16xi32, #tpu.memory_space<vmem>>
      %dma_wait3A_153 = arith.constant 0 : i32
      %dma_wait3A_154 = arith.constant 0 : i32
      %dma_wait3A_155 = tpu.memref_slice %arg2[%dma_wait3A_153, %dma_wait3A_154] : memref<10000x128xf32, #tpu.memory_space<hbm>> -> memref<10000x128xf32, #tpu.memory_space<hbm>>
      tpu.wait_indirect_dma semaphore(%arg11 : memref<!tpu.dma_semaphore, #tpu.memory_space<semaphore_mem>>) src(%dma_wait3A_155 : memref<10000x128xf32, #tpu.memory_space<hbm>>) dst(%dma_wait3A_149 : memref<16x128xf32, #tpu.memory_space<vmem>>)
      %dma_wait3A_156 = arith.constant 1 : i32
      %dma_wait3A_157 = arith.constant 0 : i32
      %dma_wait3A_158 = arith.constant 0 : i32
      %dma_wait3A_159 = tpu.memref_slice %arg8[%dma_wait3A_156, %dma_wait3A_157, %dma_wait3A_158] : memref<8x16x128xf32, #tpu.memory_space<vmem>> -> memref<1x16x128xf32, #tpu.memory_space<vmem>>
      %dma_wait3A_160 = tpu.memref_squeeze %dma_wait3A_159 : memref<1x16x128xf32, #tpu.memory_space<vmem>> -> memref<16x128xf32, #tpu.memory_space<vmem>>
      %dma_wait3A_161 = arith.constant 0 : i32
      %dma_wait3A_162 = tpu.memref_slice %arg6[%add3A_44, %dma_wait3A_161] : memref<640x16xi32, #tpu.memory_space<vmem>> -> memref<1x16xi32, #tpu.memory_space<vmem>>
      %dma_wait3A_163 = tpu.memref_squeeze %dma_wait3A_162 : memref<1x16xi32, #tpu.memory_space<vmem>> -> memref<16xi32, #tpu.memory_space<vmem>>
      %dma_wait3A_164 = arith.constant 0 : i32
      %dma_wait3A_165 = arith.constant 0 : i32
      %dma_wait3A_166 = tpu.memref_slice %arg2[%dma_wait3A_164, %dma_wait3A_165] : memref<10000x128xf32, #tpu.memory_space<hbm>> -> memref<10000x128xf32, #tpu.memory_space<hbm>>
      tpu.wait_indirect_dma semaphore(%arg11 : memref<!tpu.dma_semaphore, #tpu.memory_space<semaphore_mem>>) src(%dma_wait3A_166 : memref<10000x128xf32, #tpu.memory_space<hbm>>) dst(%dma_wait3A_160 : memref<16x128xf32, #tpu.memory_space<vmem>>)
      %dma_wait3A_167 = arith.constant 2 : i32
      %dma_wait3A_168 = arith.constant 0 : i32
      %dma_wait3A_169 = arith.constant 0 : i32
      %dma_wait3A_170 = tpu.memref_slice %arg8[%dma_wait3A_167, %dma_wait3A_168, %dma_wait3A_169] : memref<8x16x128xf32, #tpu.memory_space<vmem>> -> memref<1x16x128xf32, #tpu.memory_space<vmem>>
      %dma_wait3A_171 = tpu.memref_squeeze %dma_wait3A_170 : memref<1x16x128xf32, #tpu.memory_space<vmem>> -> memref<16x128xf32, #tpu.memory_space<vmem>>
      %dma_wait3A_172 = arith.constant 0 : i32
      %dma_wait3A_173 = tpu.memref_slice %arg6[%add3A_59, %dma_wait3A_172] : memref<640x16xi32, #tpu.memory_space<vmem>> -> memref<1x16xi32, #tpu.memory_space<vmem>>
      %dma_wait3A_174 = tpu.memref_squeeze %dma_wait3A_173 : memref<1x16xi32, #tpu.memory_space<vmem>> -> memref<16xi32, #tpu.memory_space<vmem>>
      %dma_wait3A_175 = arith.constant 0 : i32
      %dma_wait3A_176 = arith.constant 0 : i32
      %dma_wait3A_177 = tpu.memref_slice %arg2[%dma_wait3A_175, %dma_wait3A_176] : memref<10000x128xf32, #tpu.memory_space<hbm>> -> memref<10000x128xf32, #tpu.memory_space<hbm>>
      tpu.wait_indirect_dma semaphore(%arg11 : memref<!tpu.dma_semaphore, #tpu.memory_space<semaphore_mem>>) src(%dma_wait3A_177 : memref<10000x128xf32, #tpu.memory_space<hbm>>) dst(%dma_wait3A_171 : memref<16x128xf32, #tpu.memory_space<vmem>>)
      %dma_wait3A_178 = arith.constant 3 : i32
      %dma_wait3A_179 = arith.constant 0 : i32
      %dma_wait3A_180 = arith.constant 0 : i32
      %dma_wait3A_181 = tpu.memref_slice %arg8[%dma_wait3A_178, %dma_wait3A_179, %dma_wait3A_180] : memref<8x16x128xf32, #tpu.memory_space<vmem>> -> memref<1x16x128xf32, #tpu.memory_space<vmem>>
      %dma_wait3A_182 = tpu.memref_squeeze %dma_wait3A_181 : memref<1x16x128xf32, #tpu.memory_space<vmem>> -> memref<16x128xf32, #tpu.memory_space<vmem>>
      %dma_wait3A_183 = arith.constant 0 : i32
      %dma_wait3A_184 = tpu.memref_slice %arg6[%add3A_74, %dma_wait3A_183] : memref<640x16xi32, #tpu.memory_space<vmem>> -> memref<1x16xi32, #tpu.memory_space<vmem>>
      %dma_wait3A_185 = tpu.memref_squeeze %dma_wait3A_184 : memref<1x16xi32, #tpu.memory_space<vmem>> -> memref<16xi32, #tpu.memory_space<vmem>>
      %dma_wait3A_186 = arith.constant 0 : i32
      %dma_wait3A_187 = arith.constant 0 : i32
      %dma_wait3A_188 = tpu.memref_slice %arg2[%dma_wait3A_186, %dma_wait3A_187] : memref<10000x128xf32, #tpu.memory_space<hbm>> -> memref<10000x128xf32, #tpu.memory_space<hbm>>
      tpu.wait_indirect_dma semaphore(%arg11 : memref<!tpu.dma_semaphore, #tpu.memory_space<semaphore_mem>>) src(%dma_wait3A_188 : memref<10000x128xf32, #tpu.memory_space<hbm>>) dst(%dma_wait3A_182 : memref<16x128xf32, #tpu.memory_space<vmem>>)
      %dma_wait3A_189 = arith.constant 4 : i32
      %dma_wait3A_190 = arith.constant 0 : i32
      %dma_wait3A_191 = arith.constant 0 : i32
      %dma_wait3A_192 = tpu.memref_slice %arg8[%dma_wait3A_189, %dma_wait3A_190, %dma_wait3A_191] : memref<8x16x128xf32, #tpu.memory_space<vmem>> -> memref<1x16x128xf32, #tpu.memory_space<vmem>>
      %dma_wait3A_193 = tpu.memref_squeeze %dma_wait3A_192 : memref<1x16x128xf32, #tpu.memory_space<vmem>> -> memref<16x128xf32, #tpu.memory_space<vmem>>
      %dma_wait3A_194 = arith.constant 0 : i32
      %dma_wait3A_195 = tpu.memref_slice %arg6[%add3A_89, %dma_wait3A_194] : memref<640x16xi32, #tpu.memory_space<vmem>> -> memref<1x16xi32, #tpu.memory_space<vmem>>
      %dma_wait3A_196 = tpu.memref_squeeze %dma_wait3A_195 : memref<1x16xi32, #tpu.memory_space<vmem>> -> memref<16xi32, #tpu.memory_space<vmem>>
      %dma_wait3A_197 = arith.constant 0 : i32
      %dma_wait3A_198 = arith.constant 0 : i32
      %dma_wait3A_199 = tpu.memref_slice %arg2[%dma_wait3A_197, %dma_wait3A_198] : memref<10000x128xf32, #tpu.memory_space<hbm>> -> memref<10000x128xf32, #tpu.memory_space<hbm>>
      tpu.wait_indirect_dma semaphore(%arg11 : memref<!tpu.dma_semaphore, #tpu.memory_space<semaphore_mem>>) src(%dma_wait3A_199 : memref<10000x128xf32, #tpu.memory_space<hbm>>) dst(%dma_wait3A_193 : memref<16x128xf32, #tpu.memory_space<vmem>>)
      %dma_wait3A_200 = arith.constant 5 : i32
      %dma_wait3A_201 = arith.constant 0 : i32
      %dma_wait3A_202 = arith.constant 0 : i32
      %dma_wait3A_203 = tpu.memref_slice %arg8[%dma_wait3A_200, %dma_wait3A_201, %dma_wait3A_202] : memref<8x16x128xf32, #tpu.memory_space<vmem>> -> memref<1x16x128xf32, #tpu.memory_space<vmem>>
      %dma_wait3A_204 = tpu.memref_squeeze %dma_wait3A_203 : memref<1x16x128xf32, #tpu.memory_space<vmem>> -> memref<16x128xf32, #tpu.memory_space<vmem>>
      %dma_wait3A_205 = arith.constant 0 : i32
      %dma_wait3A_206 = tpu.memref_slice %arg6[%add3A_104, %dma_wait3A_205] : memref<640x16xi32, #tpu.memory_space<vmem>> -> memref<1x16xi32, #tpu.memory_space<vmem>>
      %dma_wait3A_207 = tpu.memref_squeeze %dma_wait3A_206 : memref<1x16xi32, #tpu.memory_space<vmem>> -> memref<16xi32, #tpu.memory_space<vmem>>
      %dma_wait3A_208 = arith.constant 0 : i32
      %dma_wait3A_209 = arith.constant 0 : i32
      %dma_wait3A_210 = tpu.memref_slice %arg2[%dma_wait3A_208, %dma_wait3A_209] : memref<10000x128xf32, #tpu.memory_space<hbm>> -> memref<10000x128xf32, #tpu.memory_space<hbm>>
      tpu.wait_indirect_dma semaphore(%arg11 : memref<!tpu.dma_semaphore, #tpu.memory_space<semaphore_mem>>) src(%dma_wait3A_210 : memref<10000x128xf32, #tpu.memory_space<hbm>>) dst(%dma_wait3A_204 : memref<16x128xf32, #tpu.memory_space<vmem>>)
      %dma_wait3A_211 = arith.constant 6 : i32
      %dma_wait3A_212 = arith.constant 0 : i32
      %dma_wait3A_213 = arith.constant 0 : i32
      %dma_wait3A_214 = tpu.memref_slice %arg8[%dma_wait3A_211, %dma_wait3A_212, %dma_wait3A_213] : memref<8x16x128xf32, #tpu.memory_space<vmem>> -> memref<1x16x128xf32, #tpu.memory_space<vmem>>
      %dma_wait3A_215 = tpu.memref_squeeze %dma_wait3A_214 : memref<1x16x128xf32, #tpu.memory_space<vmem>> -> memref<16x128xf32, #tpu.memory_space<vmem>>
      %dma_wait3A_216 = arith.constant 0 : i32
      %dma_wait3A_217 = tpu.memref_slice %arg6[%add3A_119, %dma_wait3A_216] : memref<640x16xi32, #tpu.memory_space<vmem>> -> memref<1x16xi32, #tpu.memory_space<vmem>>
      %dma_wait3A_218 = tpu.memref_squeeze %dma_wait3A_217 : memref<1x16xi32, #tpu.memory_space<vmem>> -> memref<16xi32, #tpu.memory_space<vmem>>
      %dma_wait3A_219 = arith.constant 0 : i32
      %dma_wait3A_220 = arith.constant 0 : i32
      %dma_wait3A_221 = tpu.memref_slice %arg2[%dma_wait3A_219, %dma_wait3A_220] : memref<10000x128xf32, #tpu.memory_space<hbm>> -> memref<10000x128xf32, #tpu.memory_space<hbm>>
      tpu.wait_indirect_dma semaphore(%arg11 : memref<!tpu.dma_semaphore, #tpu.memory_space<semaphore_mem>>) src(%dma_wait3A_221 : memref<10000x128xf32, #tpu.memory_space<hbm>>) dst(%dma_wait3A_215 : memref<16x128xf32, #tpu.memory_space<vmem>>)
      %dma_wait3A_222 = arith.constant 7 : i32
      %dma_wait3A_223 = arith.constant 0 : i32
      %dma_wait3A_224 = arith.constant 0 : i32
      %dma_wait3A_225 = tpu.memref_slice %arg8[%dma_wait3A_222, %dma_wait3A_223, %dma_wait3A_224] : memref<8x16x128xf32, #tpu.memory_space<vmem>> -> memref<1x16x128xf32, #tpu.memory_space<vmem>>
      %dma_wait3A_226 = tpu.memref_squeeze %dma_wait3A_225 : memref<1x16x128xf32, #tpu.memory_space<vmem>> -> memref<16x128xf32, #tpu.memory_space<vmem>>
      %dma_wait3A_227 = arith.constant 0 : i32
      %dma_wait3A_228 = tpu.memref_slice %arg6[%add3A_134, %dma_wait3A_227] : memref<640x16xi32, #tpu.memory_space<vmem>> -> memref<1x16xi32, #tpu.memory_space<vmem>>
      %dma_wait3A_229 = tpu.memref_squeeze %dma_wait3A_228 : memref<1x16xi32, #tpu.memory_space<vmem>> -> memref<16xi32, #tpu.memory_space<vmem>>
      %dma_wait3A_230 = arith.constant 0 : i32
      %dma_wait3A_231 = arith.constant 0 : i32
      %dma_wait3A_232 = tpu.memref_slice %arg2[%dma_wait3A_230, %dma_wait3A_231] : memref<10000x128xf32, #tpu.memory_space<hbm>> -> memref<10000x128xf32, #tpu.memory_space<hbm>>
      tpu.wait_indirect_dma semaphore(%arg11 : memref<!tpu.dma_semaphore, #tpu.memory_space<semaphore_mem>>) src(%dma_wait3A_232 : memref<10000x128xf32, #tpu.memory_space<hbm>>) dst(%dma_wait3A_226 : memref<16x128xf32, #tpu.memory_space<vmem>>)
      %mul3A_233 = arith.constant 8 : i32
      %mul3A_234 = arith.muli %scan3A_26, %mul3A_233 : i32
      %add3A_235 = arith.constant 0 : i32
      %add3A_236 = arith.addi %mul3A_234, %add3A_235 : i32
      %dma_start3A_237 = arith.constant 0 : i32
      %dma_start3A_238 = arith.constant 0 : i32
      %dma_start3A_239 = arith.constant 0 : i32
      %dma_start3A_240 = tpu.memref_slice %arg8[%dma_start3A_237, %dma_start3A_238, %dma_start3A_239] : memref<8x16x128xf32, #tpu.memory_space<vmem>> -> memref<1x16x128xf32, #tpu.memory_space<vmem>>
      %dma_start3A_241 = tpu.memref_squeeze %dma_start3A_240 : memref<1x16x128xf32, #tpu.memory_space<vmem>> -> memref<16x128xf32, #tpu.memory_space<vmem>>
      %dma_start3A_242 = arith.constant 0 : i32
      %dma_start3A_243 = tpu.memref_slice %arg7[%add3A_236, %dma_start3A_242] : memref<640x16xi32, #tpu.memory_space<vmem>> -> memref<1x16xi32, #tpu.memory_space<vmem>>
      %dma_start3A_244 = tpu.memref_squeeze %dma_start3A_243 : memref<1x16xi32, #tpu.memory_space<vmem>> -> memref<16xi32, #tpu.memory_space<vmem>>
      %dma_start3A_245 = arith.constant 0 : i32
      %dma_start3A_246 = arith.constant 0 : i32
      %dma_start3A_247 = tpu.memref_slice %arg10[%dma_start3A_245, %dma_start3A_246] : memref<10512x128xf32, #tpu.memory_space<vmem_shared>> -> memref<10512x128xf32, #tpu.memory_space<vmem_shared>>
      tpu.enqueue_indirect_dma source(%dma_start3A_241 : memref<16x128xf32, #tpu.memory_space<vmem>>) target(%dma_start3A_247 : memref<10512x128xf32, #tpu.memory_space<vmem_shared>>) offsets(%dma_start3A_244 : memref<16xi32, #tpu.memory_space<vmem>>) semaphore(%arg12 : memref<!tpu.dma_semaphore, #tpu.memory_space<semaphore_mem>>) {add = true}
      %mul3A_248 = arith.constant 8 : i32
      %mul3A_249 = arith.muli %scan3A_26, %mul3A_248 : i32
      %add3A_250 = arith.constant 1 : i32
      %add3A_251 = arith.addi %mul3A_249, %add3A_250 : i32
      %dma_start3A_252 = arith.constant 1 : i32
      %dma_start3A_253 = arith.constant 0 : i32
      %dma_start3A_254 = arith.constant 0 : i32
      %dma_start3A_255 = tpu.memref_slice %arg8[%dma_start3A_252, %dma_start3A_253, %dma_start3A_254] : memref<8x16x128xf32, #tpu.memory_space<vmem>> -> memref<1x16x128xf32, #tpu.memory_space<vmem>>
      %dma_start3A_256 = tpu.memref_squeeze %dma_start3A_255 : memref<1x16x128xf32, #tpu.memory_space<vmem>> -> memref<16x128xf32, #tpu.memory_space<vmem>>
      %dma_start3A_257 = arith.constant 0 : i32
      %dma_start3A_258 = tpu.memref_slice %arg7[%add3A_251, %dma_start3A_257] : memref<640x16xi32, #tpu.memory_space<vmem>> -> memref<1x16xi32, #tpu.memory_space<vmem>>
      %dma_start3A_259 = tpu.memref_squeeze %dma_start3A_258 : memref<1x16xi32, #tpu.memory_space<vmem>> -> memref<16xi32, #tpu.memory_space<vmem>>
      %dma_start3A_260 = arith.constant 0 : i32
      %dma_start3A_261 = arith.constant 0 : i32
      %dma_start3A_262 = tpu.memref_slice %arg10[%dma_start3A_260, %dma_start3A_261] : memref<10512x128xf32, #tpu.memory_space<vmem_shared>> -> memref<10512x128xf32, #tpu.memory_space<vmem_shared>>
      tpu.enqueue_indirect_dma source(%dma_start3A_256 : memref<16x128xf32, #tpu.memory_space<vmem>>) target(%dma_start3A_262 : memref<10512x128xf32, #tpu.memory_space<vmem_shared>>) offsets(%dma_start3A_259 : memref<16xi32, #tpu.memory_space<vmem>>) semaphore(%arg12 : memref<!tpu.dma_semaphore, #tpu.memory_space<semaphore_mem>>) {add = true}
      %mul3A_263 = arith.constant 8 : i32
      %mul3A_264 = arith.muli %scan3A_26, %mul3A_263 : i32
      %add3A_265 = arith.constant 2 : i32
      %add3A_266 = arith.addi %mul3A_264, %add3A_265 : i32
      %dma_start3A_267 = arith.constant 2 : i32
      %dma_start3A_268 = arith.constant 0 : i32
      %dma_start3A_269 = arith.constant 0 : i32
      %dma_start3A_270 = tpu.memref_slice %arg8[%dma_start3A_267, %dma_start3A_268, %dma_start3A_269] : memref<8x16x128xf32, #tpu.memory_space<vmem>> -> memref<1x16x128xf32, #tpu.memory_space<vmem>>
      %dma_start3A_271 = tpu.memref_squeeze %dma_start3A_270 : memref<1x16x128xf32, #tpu.memory_space<vmem>> -> memref<16x128xf32, #tpu.memory_space<vmem>>
      %dma_start3A_272 = arith.constant 0 : i32
      %dma_start3A_273 = tpu.memref_slice %arg7[%add3A_266, %dma_start3A_272] : memref<640x16xi32, #tpu.memory_space<vmem>> -> memref<1x16xi32, #tpu.memory_space<vmem>>
      %dma_start3A_274 = tpu.memref_squeeze %dma_start3A_273 : memref<1x16xi32, #tpu.memory_space<vmem>> -> memref<16xi32, #tpu.memory_space<vmem>>
      %dma_start3A_275 = arith.constant 0 : i32
      %dma_start3A_276 = arith.constant 0 : i32
      %dma_start3A_277 = tpu.memref_slice %arg10[%dma_start3A_275, %dma_start3A_276] : memref<10512x128xf32, #tpu.memory_space<vmem_shared>> -> memref<10512x128xf32, #tpu.memory_space<vmem_shared>>
      tpu.enqueue_indirect_dma source(%dma_start3A_271 : memref<16x128xf32, #tpu.memory_space<vmem>>) target(%dma_start3A_277 : memref<10512x128xf32, #tpu.memory_space<vmem_shared>>) offsets(%dma_start3A_274 : memref<16xi32, #tpu.memory_space<vmem>>) semaphore(%arg12 : memref<!tpu.dma_semaphore, #tpu.memory_space<semaphore_mem>>) {add = true}
      %mul3A_278 = arith.constant 8 : i32
      %mul3A_279 = arith.muli %scan3A_26, %mul3A_278 : i32
      %add3A_280 = arith.constant 3 : i32
      %add3A_281 = arith.addi %mul3A_279, %add3A_280 : i32
      %dma_start3A_282 = arith.constant 3 : i32
      %dma_start3A_283 = arith.constant 0 : i32
      %dma_start3A_284 = arith.constant 0 : i32
      %dma_start3A_285 = tpu.memref_slice %arg8[%dma_start3A_282, %dma_start3A_283, %dma_start3A_284] : memref<8x16x128xf32, #tpu.memory_space<vmem>> -> memref<1x16x128xf32, #tpu.memory_space<vmem>>
      %dma_start3A_286 = tpu.memref_squeeze %dma_start3A_285 : memref<1x16x128xf32, #tpu.memory_space<vmem>> -> memref<16x128xf32, #tpu.memory_space<vmem>>
      %dma_start3A_287 = arith.constant 0 : i32
      %dma_start3A_288 = tpu.memref_slice %arg7[%add3A_281, %dma_start3A_287] : memref<640x16xi32, #tpu.memory_space<vmem>> -> memref<1x16xi32, #tpu.memory_space<vmem>>
      %dma_start3A_289 = tpu.memref_squeeze %dma_start3A_288 : memref<1x16xi32, #tpu.memory_space<vmem>> -> memref<16xi32, #tpu.memory_space<vmem>>
      %dma_start3A_290 = arith.constant 0 : i32
      %dma_start3A_291 = arith.constant 0 : i32
      %dma_start3A_292 = tpu.memref_slice %arg10[%dma_start3A_290, %dma_start3A_291] : memref<10512x128xf32, #tpu.memory_space<vmem_shared>> -> memref<10512x128xf32, #tpu.memory_space<vmem_shared>>
      tpu.enqueue_indirect_dma source(%dma_start3A_286 : memref<16x128xf32, #tpu.memory_space<vmem>>) target(%dma_start3A_292 : memref<10512x128xf32, #tpu.memory_space<vmem_shared>>) offsets(%dma_start3A_289 : memref<16xi32, #tpu.memory_space<vmem>>) semaphore(%arg12 : memref<!tpu.dma_semaphore, #tpu.memory_space<semaphore_mem>>) {add = true}
      %mul3A_293 = arith.constant 8 : i32
      %mul3A_294 = arith.muli %scan3A_26, %mul3A_293 : i32
      %add3A_295 = arith.constant 4 : i32
      %add3A_296 = arith.addi %mul3A_294, %add3A_295 : i32
      %dma_start3A_297 = arith.constant 4 : i32
      %dma_start3A_298 = arith.constant 0 : i32
      %dma_start3A_299 = arith.constant 0 : i32
      %dma_start3A_300 = tpu.memref_slice %arg8[%dma_start3A_297, %dma_start3A_298, %dma_start3A_299] : memref<8x16x128xf32, #tpu.memory_space<vmem>> -> memref<1x16x128xf32, #tpu.memory_space<vmem>>
      %dma_start3A_301 = tpu.memref_squeeze %dma_start3A_300 : memref<1x16x128xf32, #tpu.memory_space<vmem>> -> memref<16x128xf32, #tpu.memory_space<vmem>>
      %dma_start3A_302 = arith.constant 0 : i32
      %dma_start3A_303 = tpu.memref_slice %arg7[%add3A_296, %dma_start3A_302] : memref<640x16xi32, #tpu.memory_space<vmem>> -> memref<1x16xi32, #tpu.memory_space<vmem>>
      %dma_start3A_304 = tpu.memref_squeeze %dma_start3A_303 : memref<1x16xi32, #tpu.memory_space<vmem>> -> memref<16xi32, #tpu.memory_space<vmem>>
      %dma_start3A_305 = arith.constant 0 : i32
      %dma_start3A_306 = arith.constant 0 : i32
      %dma_start3A_307 = tpu.memref_slice %arg10[%dma_start3A_305, %dma_start3A_306] : memref<10512x128xf32, #tpu.memory_space<vmem_shared>> -> memref<10512x128xf32, #tpu.memory_space<vmem_shared>>
      tpu.enqueue_indirect_dma source(%dma_start3A_301 : memref<16x128xf32, #tpu.memory_space<vmem>>) target(%dma_start3A_307 : memref<10512x128xf32, #tpu.memory_space<vmem_shared>>) offsets(%dma_start3A_304 : memref<16xi32, #tpu.memory_space<vmem>>) semaphore(%arg12 : memref<!tpu.dma_semaphore, #tpu.memory_space<semaphore_mem>>) {add = true}
      %mul3A_308 = arith.constant 8 : i32
      %mul3A_309 = arith.muli %scan3A_26, %mul3A_308 : i32
      %add3A_310 = arith.constant 5 : i32
      %add3A_311 = arith.addi %mul3A_309, %add3A_310 : i32
      %dma_start3A_312 = arith.constant 5 : i32
      %dma_start3A_313 = arith.constant 0 : i32
      %dma_start3A_314 = arith.constant 0 : i32
      %dma_start3A_315 = tpu.memref_slice %arg8[%dma_start3A_312, %dma_start3A_313, %dma_start3A_314] : memref<8x16x128xf32, #tpu.memory_space<vmem>> -> memref<1x16x128xf32, #tpu.memory_space<vmem>>
      %dma_start3A_316 = tpu.memref_squeeze %dma_start3A_315 : memref<1x16x128xf32, #tpu.memory_space<vmem>> -> memref<16x128xf32, #tpu.memory_space<vmem>>
      %dma_start3A_317 = arith.constant 0 : i32
      %dma_start3A_318 = tpu.memref_slice %arg7[%add3A_311, %dma_start3A_317] : memref<640x16xi32, #tpu.memory_space<vmem>> -> memref<1x16xi32, #tpu.memory_space<vmem>>
      %dma_start3A_319 = tpu.memref_squeeze %dma_start3A_318 : memref<1x16xi32, #tpu.memory_space<vmem>> -> memref<16xi32, #tpu.memory_space<vmem>>
      %dma_start3A_320 = arith.constant 0 : i32
      %dma_start3A_321 = arith.constant 0 : i32
      %dma_start3A_322 = tpu.memref_slice %arg10[%dma_start3A_320, %dma_start3A_321] : memref<10512x128xf32, #tpu.memory_space<vmem_shared>> -> memref<10512x128xf32, #tpu.memory_space<vmem_shared>>
      tpu.enqueue_indirect_dma source(%dma_start3A_316 : memref<16x128xf32, #tpu.memory_space<vmem>>) target(%dma_start3A_322 : memref<10512x128xf32, #tpu.memory_space<vmem_shared>>) offsets(%dma_start3A_319 : memref<16xi32, #tpu.memory_space<vmem>>) semaphore(%arg12 : memref<!tpu.dma_semaphore, #tpu.memory_space<semaphore_mem>>) {add = true}
      %mul3A_323 = arith.constant 8 : i32
      %mul3A_324 = arith.muli %scan3A_26, %mul3A_323 : i32
      %add3A_325 = arith.constant 6 : i32
      %add3A_326 = arith.addi %mul3A_324, %add3A_325 : i32
      %dma_start3A_327 = arith.constant 6 : i32
      %dma_start3A_328 = arith.constant 0 : i32
      %dma_start3A_329 = arith.constant 0 : i32
      %dma_start3A_330 = tpu.memref_slice %arg8[%dma_start3A_327, %dma_start3A_328, %dma_start3A_329] : memref<8x16x128xf32, #tpu.memory_space<vmem>> -> memref<1x16x128xf32, #tpu.memory_space<vmem>>
      %dma_start3A_331 = tpu.memref_squeeze %dma_start3A_330 : memref<1x16x128xf32, #tpu.memory_space<vmem>> -> memref<16x128xf32, #tpu.memory_space<vmem>>
      %dma_start3A_332 = arith.constant 0 : i32
      %dma_start3A_333 = tpu.memref_slice %arg7[%add3A_326, %dma_start3A_332] : memref<640x16xi32, #tpu.memory_space<vmem>> -> memref<1x16xi32, #tpu.memory_space<vmem>>
      %dma_start3A_334 = tpu.memref_squeeze %dma_start3A_333 : memref<1x16xi32, #tpu.memory_space<vmem>> -> memref<16xi32, #tpu.memory_space<vmem>>
      %dma_start3A_335 = arith.constant 0 : i32
      %dma_start3A_336 = arith.constant 0 : i32
      %dma_start3A_337 = tpu.memref_slice %arg10[%dma_start3A_335, %dma_start3A_336] : memref<10512x128xf32, #tpu.memory_space<vmem_shared>> -> memref<10512x128xf32, #tpu.memory_space<vmem_shared>>
      tpu.enqueue_indirect_dma source(%dma_start3A_331 : memref<16x128xf32, #tpu.memory_space<vmem>>) target(%dma_start3A_337 : memref<10512x128xf32, #tpu.memory_space<vmem_shared>>) offsets(%dma_start3A_334 : memref<16xi32, #tpu.memory_space<vmem>>) semaphore(%arg12 : memref<!tpu.dma_semaphore, #tpu.memory_space<semaphore_mem>>) {add = true}
      %mul3A_338 = arith.constant 8 : i32
      %mul3A_339 = arith.muli %scan3A_26, %mul3A_338 : i32
      %add3A_340 = arith.constant 7 : i32
      %add3A_341 = arith.addi %mul3A_339, %add3A_340 : i32
      %dma_start3A_342 = arith.constant 7 : i32
      %dma_start3A_343 = arith.constant 0 : i32
      %dma_start3A_344 = arith.constant 0 : i32
      %dma_start3A_345 = tpu.memref_slice %arg8[%dma_start3A_342, %dma_start3A_343, %dma_start3A_344] : memref<8x16x128xf32, #tpu.memory_space<vmem>> -> memref<1x16x128xf32, #tpu.memory_space<vmem>>
      %dma_start3A_346 = tpu.memref_squeeze %dma_start3A_345 : memref<1x16x128xf32, #tpu.memory_space<vmem>> -> memref<16x128xf32, #tpu.memory_space<vmem>>
      %dma_start3A_347 = arith.constant 0 : i32
      %dma_start3A_348 = tpu.memref_slice %arg7[%add3A_341, %dma_start3A_347] : memref<640x16xi32, #tpu.memory_space<vmem>> -> memref<1x16xi32, #tpu.memory_space<vmem>>
      %dma_start3A_349 = tpu.memref_squeeze %dma_start3A_348 : memref<1x16xi32, #tpu.memory_space<vmem>> -> memref<16xi32, #tpu.memory_space<vmem>>
      %dma_start3A_350 = arith.constant 0 : i32
      %dma_start3A_351 = arith.constant 0 : i32
      %dma_start3A_352 = tpu.memref_slice %arg10[%dma_start3A_350, %dma_start3A_351] : memref<10512x128xf32, #tpu.memory_space<vmem_shared>> -> memref<10512x128xf32, #tpu.memory_space<vmem_shared>>
      tpu.enqueue_indirect_dma source(%dma_start3A_346 : memref<16x128xf32, #tpu.memory_space<vmem>>) target(%dma_start3A_352 : memref<10512x128xf32, #tpu.memory_space<vmem_shared>>) offsets(%dma_start3A_349 : memref<16xi32, #tpu.memory_space<vmem>>) semaphore(%arg12 : memref<!tpu.dma_semaphore, #tpu.memory_space<semaphore_mem>>) {add = true}
      %dma_wait3A_353 = arith.constant 0 : i32
      %dma_wait3A_354 = arith.constant 0 : i32
      %dma_wait3A_355 = arith.constant 0 : i32
      %dma_wait3A_356 = tpu.memref_slice %arg8[%dma_wait3A_353, %dma_wait3A_354, %dma_wait3A_355] : memref<8x16x128xf32, #tpu.memory_space<vmem>> -> memref<1x16x128xf32, #tpu.memory_space<vmem>>
      %dma_wait3A_357 = tpu.memref_squeeze %dma_wait3A_356 : memref<1x16x128xf32, #tpu.memory_space<vmem>> -> memref<16x128xf32, #tpu.memory_space<vmem>>
      %dma_wait3A_358 = arith.constant 0 : i32
      %dma_wait3A_359 = tpu.memref_slice %arg7[%add3A_236, %dma_wait3A_358] : memref<640x16xi32, #tpu.memory_space<vmem>> -> memref<1x16xi32, #tpu.memory_space<vmem>>
      %dma_wait3A_360 = tpu.memref_squeeze %dma_wait3A_359 : memref<1x16xi32, #tpu.memory_space<vmem>> -> memref<16xi32, #tpu.memory_space<vmem>>
      %dma_wait3A_361 = arith.constant 0 : i32
      %dma_wait3A_362 = arith.constant 0 : i32
      %dma_wait3A_363 = tpu.memref_slice %arg10[%dma_wait3A_361, %dma_wait3A_362] : memref<10512x128xf32, #tpu.memory_space<vmem_shared>> -> memref<10512x128xf32, #tpu.memory_space<vmem_shared>>
      tpu.wait_indirect_dma semaphore(%arg12 : memref<!tpu.dma_semaphore, #tpu.memory_space<semaphore_mem>>) src(%dma_wait3A_357 : memref<16x128xf32, #tpu.memory_space<vmem>>) dst(%dma_wait3A_363 : memref<10512x128xf32, #tpu.memory_space<vmem_shared>>)
      %dma_wait3A_364 = arith.constant 1 : i32
      %dma_wait3A_365 = arith.constant 0 : i32
      %dma_wait3A_366 = arith.constant 0 : i32
      %dma_wait3A_367 = tpu.memref_slice %arg8[%dma_wait3A_364, %dma_wait3A_365, %dma_wait3A_366] : memref<8x16x128xf32, #tpu.memory_space<vmem>> -> memref<1x16x128xf32, #tpu.memory_space<vmem>>
      %dma_wait3A_368 = tpu.memref_squeeze %dma_wait3A_367 : memref<1x16x128xf32, #tpu.memory_space<vmem>> -> memref<16x128xf32, #tpu.memory_space<vmem>>
      %dma_wait3A_369 = arith.constant 0 : i32
      %dma_wait3A_370 = tpu.memref_slice %arg7[%add3A_251, %dma_wait3A_369] : memref<640x16xi32, #tpu.memory_space<vmem>> -> memref<1x16xi32, #tpu.memory_space<vmem>>
      %dma_wait3A_371 = tpu.memref_squeeze %dma_wait3A_370 : memref<1x16xi32, #tpu.memory_space<vmem>> -> memref<16xi32, #tpu.memory_space<vmem>>
      %dma_wait3A_372 = arith.constant 0 : i32
      %dma_wait3A_373 = arith.constant 0 : i32
      %dma_wait3A_374 = tpu.memref_slice %arg10[%dma_wait3A_372, %dma_wait3A_373] : memref<10512x128xf32, #tpu.memory_space<vmem_shared>> -> memref<10512x128xf32, #tpu.memory_space<vmem_shared>>
      tpu.wait_indirect_dma semaphore(%arg12 : memref<!tpu.dma_semaphore, #tpu.memory_space<semaphore_mem>>) src(%dma_wait3A_368 : memref<16x128xf32, #tpu.memory_space<vmem>>) dst(%dma_wait3A_374 : memref<10512x128xf32, #tpu.memory_space<vmem_shared>>)
      %dma_wait3A_375 = arith.constant 2 : i32
      %dma_wait3A_376 = arith.constant 0 : i32
      %dma_wait3A_377 = arith.constant 0 : i32
      %dma_wait3A_378 = tpu.memref_slice %arg8[%dma_wait3A_375, %dma_wait3A_376, %dma_wait3A_377] : memref<8x16x128xf32, #tpu.memory_space<vmem>> -> memref<1x16x128xf32, #tpu.memory_space<vmem>>
      %dma_wait3A_379 = tpu.memref_squeeze %dma_wait3A_378 : memref<1x16x128xf32, #tpu.memory_space<vmem>> -> memref<16x128xf32, #tpu.memory_space<vmem>>
      %dma_wait3A_380 = arith.constant 0 : i32
      %dma_wait3A_381 = tpu.memref_slice %arg7[%add3A_266, %dma_wait3A_380] : memref<640x16xi32, #tpu.memory_space<vmem>> -> memref<1x16xi32, #tpu.memory_space<vmem>>
      %dma_wait3A_382 = tpu.memref_squeeze %dma_wait3A_381 : memref<1x16xi32, #tpu.memory_space<vmem>> -> memref<16xi32, #tpu.memory_space<vmem>>
      %dma_wait3A_383 = arith.constant 0 : i32
      %dma_wait3A_384 = arith.constant 0 : i32
      %dma_wait3A_385 = tpu.memref_slice %arg10[%dma_wait3A_383, %dma_wait3A_384] : memref<10512x128xf32, #tpu.memory_space<vmem_shared>> -> memref<10512x128xf32, #tpu.memory_space<vmem_shared>>
      tpu.wait_indirect_dma semaphore(%arg12 : memref<!tpu.dma_semaphore, #tpu.memory_space<semaphore_mem>>) src(%dma_wait3A_379 : memref<16x128xf32, #tpu.memory_space<vmem>>) dst(%dma_wait3A_385 : memref<10512x128xf32, #tpu.memory_space<vmem_shared>>)
      %dma_wait3A_386 = arith.constant 3 : i32
      %dma_wait3A_387 = arith.constant 0 : i32
      %dma_wait3A_388 = arith.constant 0 : i32
      %dma_wait3A_389 = tpu.memref_slice %arg8[%dma_wait3A_386, %dma_wait3A_387, %dma_wait3A_388] : memref<8x16x128xf32, #tpu.memory_space<vmem>> -> memref<1x16x128xf32, #tpu.memory_space<vmem>>
      %dma_wait3A_390 = tpu.memref_squeeze %dma_wait3A_389 : memref<1x16x128xf32, #tpu.memory_space<vmem>> -> memref<16x128xf32, #tpu.memory_space<vmem>>
      %dma_wait3A_391 = arith.constant 0 : i32
      %dma_wait3A_392 = tpu.memref_slice %arg7[%add3A_281, %dma_wait3A_391] : memref<640x16xi32, #tpu.memory_space<vmem>> -> memref<1x16xi32, #tpu.memory_space<vmem>>
      %dma_wait3A_393 = tpu.memref_squeeze %dma_wait3A_392 : memref<1x16xi32, #tpu.memory_space<vmem>> -> memref<16xi32, #tpu.memory_space<vmem>>
      %dma_wait3A_394 = arith.constant 0 : i32
      %dma_wait3A_395 = arith.constant 0 : i32
      %dma_wait3A_396 = tpu.memref_slice %arg10[%dma_wait3A_394, %dma_wait3A_395] : memref<10512x128xf32, #tpu.memory_space<vmem_shared>> -> memref<10512x128xf32, #tpu.memory_space<vmem_shared>>
      tpu.wait_indirect_dma semaphore(%arg12 : memref<!tpu.dma_semaphore, #tpu.memory_space<semaphore_mem>>) src(%dma_wait3A_390 : memref<16x128xf32, #tpu.memory_space<vmem>>) dst(%dma_wait3A_396 : memref<10512x128xf32, #tpu.memory_space<vmem_shared>>)
      %dma_wait3A_397 = arith.constant 4 : i32
      %dma_wait3A_398 = arith.constant 0 : i32
      %dma_wait3A_399 = arith.constant 0 : i32
      %dma_wait3A_400 = tpu.memref_slice %arg8[%dma_wait3A_397, %dma_wait3A_398, %dma_wait3A_399] : memref<8x16x128xf32, #tpu.memory_space<vmem>> -> memref<1x16x128xf32, #tpu.memory_space<vmem>>
      %dma_wait3A_401 = tpu.memref_squeeze %dma_wait3A_400 : memref<1x16x128xf32, #tpu.memory_space<vmem>> -> memref<16x128xf32, #tpu.memory_space<vmem>>
      %dma_wait3A_402 = arith.constant 0 : i32
      %dma_wait3A_403 = tpu.memref_slice %arg7[%add3A_296, %dma_wait3A_402] : memref<640x16xi32, #tpu.memory_space<vmem>> -> memref<1x16xi32, #tpu.memory_space<vmem>>
      %dma_wait3A_404 = tpu.memref_squeeze %dma_wait3A_403 : memref<1x16xi32, #tpu.memory_space<vmem>> -> memref<16xi32, #tpu.memory_space<vmem>>
      %dma_wait3A_405 = arith.constant 0 : i32
      %dma_wait3A_406 = arith.constant 0 : i32
      %dma_wait3A_407 = tpu.memref_slice %arg10[%dma_wait3A_405, %dma_wait3A_406] : memref<10512x128xf32, #tpu.memory_space<vmem_shared>> -> memref<10512x128xf32, #tpu.memory_space<vmem_shared>>
      tpu.wait_indirect_dma semaphore(%arg12 : memref<!tpu.dma_semaphore, #tpu.memory_space<semaphore_mem>>) src(%dma_wait3A_401 : memref<16x128xf32, #tpu.memory_space<vmem>>) dst(%dma_wait3A_407 : memref<10512x128xf32, #tpu.memory_space<vmem_shared>>)
      %dma_wait3A_408 = arith.constant 5 : i32
      %dma_wait3A_409 = arith.constant 0 : i32
      %dma_wait3A_410 = arith.constant 0 : i32
      %dma_wait3A_411 = tpu.memref_slice %arg8[%dma_wait3A_408, %dma_wait3A_409, %dma_wait3A_410] : memref<8x16x128xf32, #tpu.memory_space<vmem>> -> memref<1x16x128xf32, #tpu.memory_space<vmem>>
      %dma_wait3A_412 = tpu.memref_squeeze %dma_wait3A_411 : memref<1x16x128xf32, #tpu.memory_space<vmem>> -> memref<16x128xf32, #tpu.memory_space<vmem>>
      %dma_wait3A_413 = arith.constant 0 : i32
      %dma_wait3A_414 = tpu.memref_slice %arg7[%add3A_311, %dma_wait3A_413] : memref<640x16xi32, #tpu.memory_space<vmem>> -> memref<1x16xi32, #tpu.memory_space<vmem>>
      %dma_wait3A_415 = tpu.memref_squeeze %dma_wait3A_414 : memref<1x16xi32, #tpu.memory_space<vmem>> -> memref<16xi32, #tpu.memory_space<vmem>>
      %dma_wait3A_416 = arith.constant 0 : i32
      %dma_wait3A_417 = arith.constant 0 : i32
      %dma_wait3A_418 = tpu.memref_slice %arg10[%dma_wait3A_416, %dma_wait3A_417] : memref<10512x128xf32, #tpu.memory_space<vmem_shared>> -> memref<10512x128xf32, #tpu.memory_space<vmem_shared>>
      tpu.wait_indirect_dma semaphore(%arg12 : memref<!tpu.dma_semaphore, #tpu.memory_space<semaphore_mem>>) src(%dma_wait3A_412 : memref<16x128xf32, #tpu.memory_space<vmem>>) dst(%dma_wait3A_418 : memref<10512x128xf32, #tpu.memory_space<vmem_shared>>)
      %dma_wait3A_419 = arith.constant 6 : i32
      %dma_wait3A_420 = arith.constant 0 : i32
      %dma_wait3A_421 = arith.constant 0 : i32
      %dma_wait3A_422 = tpu.memref_slice %arg8[%dma_wait3A_419, %dma_wait3A_420, %dma_wait3A_421] : memref<8x16x128xf32, #tpu.memory_space<vmem>> -> memref<1x16x128xf32, #tpu.memory_space<vmem>>
      %dma_wait3A_423 = tpu.memref_squeeze %dma_wait3A_422 : memref<1x16x128xf32, #tpu.memory_space<vmem>> -> memref<16x128xf32, #tpu.memory_space<vmem>>
      %dma_wait3A_424 = arith.constant 0 : i32
      %dma_wait3A_425 = tpu.memref_slice %arg7[%add3A_326, %dma_wait3A_424] : memref<640x16xi32, #tpu.memory_space<vmem>> -> memref<1x16xi32, #tpu.memory_space<vmem>>
      %dma_wait3A_426 = tpu.memref_squeeze %dma_wait3A_425 : memref<1x16xi32, #tpu.memory_space<vmem>> -> memref<16xi32, #tpu.memory_space<vmem>>
      %dma_wait3A_427 = arith.constant 0 : i32
      %dma_wait3A_428 = arith.constant 0 : i32
      %dma_wait3A_429 = tpu.memref_slice %arg10[%dma_wait3A_427, %dma_wait3A_428] : memref<10512x128xf32, #tpu.memory_space<vmem_shared>> -> memref<10512x128xf32, #tpu.memory_space<vmem_shared>>
      tpu.wait_indirect_dma semaphore(%arg12 : memref<!tpu.dma_semaphore, #tpu.memory_space<semaphore_mem>>) src(%dma_wait3A_423 : memref<16x128xf32, #tpu.memory_space<vmem>>) dst(%dma_wait3A_429 : memref<10512x128xf32, #tpu.memory_space<vmem_shared>>)
      %dma_wait3A_430 = arith.constant 7 : i32
      %dma_wait3A_431 = arith.constant 0 : i32
      %dma_wait3A_432 = arith.constant 0 : i32
      %dma_wait3A_433 = tpu.memref_slice %arg8[%dma_wait3A_430, %dma_wait3A_431, %dma_wait3A_432] : memref<8x16x128xf32, #tpu.memory_space<vmem>> -> memref<1x16x128xf32, #tpu.memory_space<vmem>>
      %dma_wait3A_434 = tpu.memref_squeeze %dma_wait3A_433 : memref<1x16x128xf32, #tpu.memory_space<vmem>> -> memref<16x128xf32, #tpu.memory_space<vmem>>
      %dma_wait3A_435 = arith.constant 0 : i32
      %dma_wait3A_436 = tpu.memref_slice %arg7[%add3A_341, %dma_wait3A_435] : memref<640x16xi32, #tpu.memory_space<vmem>> -> memref<1x16xi32, #tpu.memory_space<vmem>>
      %dma_wait3A_437 = tpu.memref_squeeze %dma_wait3A_436 : memref<1x16xi32, #tpu.memory_space<vmem>> -> memref<16xi32, #tpu.memory_space<vmem>>
      %dma_wait3A_438 = arith.constant 0 : i32
      %dma_wait3A_439 = arith.constant 0 : i32
      %dma_wait3A_440 = tpu.memref_slice %arg10[%dma_wait3A_438, %dma_wait3A_439] : memref<10512x128xf32, #tpu.memory_space<vmem_shared>> -> memref<10512x128xf32, #tpu.memory_space<vmem_shared>>
      tpu.wait_indirect_dma semaphore(%arg12 : memref<!tpu.dma_semaphore, #tpu.memory_space<semaphore_mem>>) src(%dma_wait3A_434 : memref<16x128xf32, #tpu.memory_space<vmem>>) dst(%dma_wait3A_440 : memref<10512x128xf32, #tpu.memory_space<vmem_shared>>)
    }
    %scan3A_18 = arith.constant 80 : i32
    %barrier3A_19 = arith.constant 0 : index
    tpu.barrier barrier_id(%barrier3A_19)
    %scan3A_20 = arith.constant 0 : i32
    %scan3A_21 = arith.constant 0 : i32
    %scan3A_22 = arith.constant 16 : i32
    %scan3A_23 = arith.addi %scan3A_21, %scan3A_22 : i32
    %scan3A_24 = arith.constant 1 : i32
    scf.for %scan3A_26 = %scan3A_21 to %scan3A_23 step %scan3A_24  : i32 {
      %mul3A_27 = arith.constant 16 : i32
      %mul3A_28 = arith.muli %scan3A_26, %mul3A_27 : i32
      %add3A_29 = arith.addi %arg1, %mul3A_28 : i32
      %lt3A = arith.constant 250 : i32
      %lt3A_30 = arith.cmpi slt, %add3A_29, %lt3A : i32
      %convert_element_type3A = arith.extui %lt3A_30 : i1 to i32
      %cond3A = arith.constant 0 : i32
      %cond3A_31 = arith.cmpi ne, %convert_element_type3A, %cond3A : i32
      scf.if %cond3A_31 {
        %mul3A_32 = arith.constant 40 : i32
        %mul3A_33 = arith.muli %add3A_29, %mul3A_32 : i32
        %mul3A_34 = arith.constant 40 : i32
        %mul3A_35 = arith.muli %add3A_29, %mul3A_34 : i32
        "tpu.region"() ({
          %run_scoped3A = tpu.sem_alloc : memref<!tpu.dma_semaphore, #tpu.memory_space<semaphore_mem>>
          %dma_start3A = arith.constant 0 : i32
          %dma_start3A_36 = arith.constant 0 : i32
          %dma_start3A_37 = tpu.memref_slice %arg5[%arg0, %dma_start3A, %dma_start3A_36] : memref<2x10000x128xf32, #tpu.memory_space<hbm>> -> memref<1x10000x128xf32, #tpu.memory_space<hbm>>
          %dma_start3A_38 = tpu.memref_squeeze %dma_start3A_37 : memref<1x10000x128xf32, #tpu.memory_space<hbm>> -> memref<10000x128xf32, #tpu.memory_space<hbm>>
          %dma_start3A_39 = arith.constant 0 : i32
          %dma_start3A_40 = tpu.memref_slice %dma_start3A_38[%mul3A_35, %dma_start3A_39] : memref<10000x128xf32, #tpu.memory_space<hbm>> -> memref<40x128xf32, #tpu.memory_space<hbm>>
          %dma_start3A_41 = arith.constant 0 : i32
          %dma_start3A_42 = tpu.memref_slice %arg10[%mul3A_33, %dma_start3A_41] : memref<10512x128xf32, #tpu.memory_space<vmem_shared>> -> memref<40x128xf32, #tpu.memory_space<vmem_shared>>
          tpu.enqueue_dma source(%dma_start3A_42 : memref<40x128xf32, #tpu.memory_space<vmem_shared>>) target(%dma_start3A_40 : memref<40x128xf32, #tpu.memory_space<hbm>>) target_semaphore(%run_scoped3A : memref<!tpu.dma_semaphore, #tpu.memory_space<semaphore_mem>>)
          %dma_wait3A = arith.constant 0 : i32
          %dma_wait3A_43 = arith.constant 0 : i32
          %dma_wait3A_44 = tpu.memref_slice %arg5[%arg0, %dma_wait3A, %dma_wait3A_43] : memref<2x10000x128xf32, #tpu.memory_space<hbm>> -> memref<1x10000x128xf32, #tpu.memory_space<hbm>>
          %dma_wait3A_45 = tpu.memref_squeeze %dma_wait3A_44 : memref<1x10000x128xf32, #tpu.memory_space<hbm>> -> memref<10000x128xf32, #tpu.memory_space<hbm>>
          %dma_wait3A_46 = arith.constant 0 : i32
          %dma_wait3A_47 = tpu.memref_slice %dma_wait3A_45[%mul3A_35, %dma_wait3A_46] : memref<10000x128xf32, #tpu.memory_space<hbm>> -> memref<40x128xf32, #tpu.memory_space<hbm>>
          %dma_wait3A_48 = arith.constant 0 : i32
          %dma_wait3A_49 = tpu.memref_slice %arg10[%mul3A_33, %dma_wait3A_48] : memref<10512x128xf32, #tpu.memory_space<vmem_shared>> -> memref<40x128xf32, #tpu.memory_space<vmem_shared>>
          tpu.wait_dma2 semaphore(%run_scoped3A : memref<!tpu.dma_semaphore, #tpu.memory_space<semaphore_mem>>) src(%dma_wait3A_49 : memref<40x128xf32, #tpu.memory_space<vmem_shared>>) dst(%dma_wait3A_47 : memref<40x128xf32, #tpu.memory_space<hbm>>)
          tpu.yield
        }) : () -> ()
      } else {
      }
    }
    %scan3A_25 = arith.constant 16 : i32
    return
  }
}

#map = affine_map<(d0, d1) -> (0, 0)>
#map1 = affine_map<(d0, d1) -> (0, 0, 0)>
module attributes {stable_mosaic.version = 14 : i64} {
  func.func @seg(%arg0: i32, %arg1: i32, %arg2: memref<10000x16xf32, #tpu.memory_space<hbm>>, %arg3: memref<2x16xf32, #tpu.memory_space<hbm>>, %arg4: memref<32x80x128xi32, #tpu.memory_space<hbm>>, %arg5: memref<32x80x128xi32, #tpu.memory_space<hbm>>, %arg6: memref<2x10000x16xf32, #tpu.memory_space<hbm>>, %arg7: memref<2x10000x16xf32, #tpu.memory_space<hbm>>, %arg8: memref<80x128xi32, #tpu.memory_space<vmem>>, %arg9: memref<80x128xi32, #tpu.memory_space<vmem>>, %arg10: memref<8x128x16xf32, #tpu.memory_space<vmem>>, %arg11: memref<80x16xf32, #tpu.memory_space<vmem>>, %arg12: memref<2x16xf32, #tpu.memory_space<vmem>>, %arg13: memref<10512x16xf32, #tpu.memory_space<vmem_shared>>, %arg14: memref<!tpu.dma_semaphore, #tpu.memory_space<semaphore_mem>>, %arg15: memref<!tpu.dma_semaphore, #tpu.memory_space<semaphore_mem>>) attributes {dimension_semantics = [#tpu.dimension_semantics<core_parallel>, #tpu.dimension_semantics<subcore_parallel>], iteration_bounds = array<i64: 2, 16>, scalar_prefetch = 0 : i64, scratch_operands = 8 : i64, tpu.core_type = #tpu.core_type<sc_vector_subcore>, window_params = [{transform_indices = #map}, {transform_indices = #map}, {transform_indices = #map1}, {transform_indices = #map1}, {transform_indices = #map1}, {transform_indices = #map1}]} {
    %mul3A = arith.constant 16 : i32
    %mul3A_0 = arith.muli %arg0, %mul3A : i32
    %add3A = arith.addi %mul3A_0, %arg1 : i32
    "tpu.region"() ({
      %run_scoped3A = tpu.sem_alloc : memref<!tpu.dma_semaphore, #tpu.memory_space<semaphore_mem>>
      %dma_start3A = arith.constant 0 : i32
      %dma_start3A_32 = arith.constant 0 : i32
      %dma_start3A_33 = tpu.memref_slice %arg4[%add3A, %dma_start3A, %dma_start3A_32] : memref<32x80x128xi32, #tpu.memory_space<hbm>> -> memref<1x80x128xi32, #tpu.memory_space<hbm>>
      %dma_start3A_34 = tpu.memref_squeeze %dma_start3A_33 : memref<1x80x128xi32, #tpu.memory_space<hbm>> -> memref<80x128xi32, #tpu.memory_space<hbm>>
      %dma_start3A_35 = arith.constant 0 : i32
      %dma_start3A_36 = arith.constant 0 : i32
      %dma_start3A_37 = tpu.memref_slice %arg4[%add3A, %dma_start3A_35, %dma_start3A_36] : memref<32x80x128xi32, #tpu.memory_space<hbm>> -> memref<1x80x128xi32, #tpu.memory_space<hbm>>
      %dma_start3A_38 = tpu.memref_squeeze %dma_start3A_37 : memref<1x80x128xi32, #tpu.memory_space<hbm>> -> memref<80x128xi32, #tpu.memory_space<hbm>>
      tpu.enqueue_dma source(%dma_start3A_38 : memref<80x128xi32, #tpu.memory_space<hbm>>) target(%arg8 : memref<80x128xi32, #tpu.memory_space<vmem>>) target_semaphore(%run_scoped3A : memref<!tpu.dma_semaphore, #tpu.memory_space<semaphore_mem>>)
      %dma_wait3A = arith.constant 0 : i32
      %dma_wait3A_39 = arith.constant 0 : i32
      %dma_wait3A_40 = tpu.memref_slice %arg4[%add3A, %dma_wait3A, %dma_wait3A_39] : memref<32x80x128xi32, #tpu.memory_space<hbm>> -> memref<1x80x128xi32, #tpu.memory_space<hbm>>
      %dma_wait3A_41 = tpu.memref_squeeze %dma_wait3A_40 : memref<1x80x128xi32, #tpu.memory_space<hbm>> -> memref<80x128xi32, #tpu.memory_space<hbm>>
      %dma_wait3A_42 = arith.constant 0 : i32
      %dma_wait3A_43 = arith.constant 0 : i32
      %dma_wait3A_44 = tpu.memref_slice %arg4[%add3A, %dma_wait3A_42, %dma_wait3A_43] : memref<32x80x128xi32, #tpu.memory_space<hbm>> -> memref<1x80x128xi32, #tpu.memory_space<hbm>>
      %dma_wait3A_45 = tpu.memref_squeeze %dma_wait3A_44 : memref<1x80x128xi32, #tpu.memory_space<hbm>> -> memref<80x128xi32, #tpu.memory_space<hbm>>
      tpu.wait_dma2 semaphore(%run_scoped3A : memref<!tpu.dma_semaphore, #tpu.memory_space<semaphore_mem>>) src(%dma_wait3A_45 : memref<80x128xi32, #tpu.memory_space<hbm>>) dst(%arg8 : memref<80x128xi32, #tpu.memory_space<vmem>>)
      tpu.yield
    }) : () -> ()
    "tpu.region"() ({
      %run_scoped3A = tpu.sem_alloc : memref<!tpu.dma_semaphore, #tpu.memory_space<semaphore_mem>>
      %dma_start3A = arith.constant 0 : i32
      %dma_start3A_32 = arith.constant 0 : i32
      %dma_start3A_33 = tpu.memref_slice %arg5[%add3A, %dma_start3A, %dma_start3A_32] : memref<32x80x128xi32, #tpu.memory_space<hbm>> -> memref<1x80x128xi32, #tpu.memory_space<hbm>>
      %dma_start3A_34 = tpu.memref_squeeze %dma_start3A_33 : memref<1x80x128xi32, #tpu.memory_space<hbm>> -> memref<80x128xi32, #tpu.memory_space<hbm>>
      %dma_start3A_35 = arith.constant 0 : i32
      %dma_start3A_36 = arith.constant 0 : i32
      %dma_start3A_37 = tpu.memref_slice %arg5[%add3A, %dma_start3A_35, %dma_start3A_36] : memref<32x80x128xi32, #tpu.memory_space<hbm>> -> memref<1x80x128xi32, #tpu.memory_space<hbm>>
      %dma_start3A_38 = tpu.memref_squeeze %dma_start3A_37 : memref<1x80x128xi32, #tpu.memory_space<hbm>> -> memref<80x128xi32, #tpu.memory_space<hbm>>
      tpu.enqueue_dma source(%dma_start3A_38 : memref<80x128xi32, #tpu.memory_space<hbm>>) target(%arg9 : memref<80x128xi32, #tpu.memory_space<vmem>>) target_semaphore(%run_scoped3A : memref<!tpu.dma_semaphore, #tpu.memory_space<semaphore_mem>>)
      %dma_wait3A = arith.constant 0 : i32
      %dma_wait3A_39 = arith.constant 0 : i32
      %dma_wait3A_40 = tpu.memref_slice %arg5[%add3A, %dma_wait3A, %dma_wait3A_39] : memref<32x80x128xi32, #tpu.memory_space<hbm>> -> memref<1x80x128xi32, #tpu.memory_space<hbm>>
      %dma_wait3A_41 = tpu.memref_squeeze %dma_wait3A_40 : memref<1x80x128xi32, #tpu.memory_space<hbm>> -> memref<80x128xi32, #tpu.memory_space<hbm>>
      %dma_wait3A_42 = arith.constant 0 : i32
      %dma_wait3A_43 = arith.constant 0 : i32
      %dma_wait3A_44 = tpu.memref_slice %arg5[%add3A, %dma_wait3A_42, %dma_wait3A_43] : memref<32x80x128xi32, #tpu.memory_space<hbm>> -> memref<1x80x128xi32, #tpu.memory_space<hbm>>
      %dma_wait3A_45 = tpu.memref_squeeze %dma_wait3A_44 : memref<1x80x128xi32, #tpu.memory_space<hbm>> -> memref<80x128xi32, #tpu.memory_space<hbm>>
      tpu.wait_dma2 semaphore(%run_scoped3A : memref<!tpu.dma_semaphore, #tpu.memory_space<semaphore_mem>>) src(%dma_wait3A_45 : memref<80x128xi32, #tpu.memory_space<hbm>>) dst(%arg9 : memref<80x128xi32, #tpu.memory_space<vmem>>)
      tpu.yield
    }) : () -> ()
    "tpu.region"() ({
      %run_scoped3A = tpu.sem_alloc : memref<!tpu.dma_semaphore, #tpu.memory_space<semaphore_mem>>
      tpu.enqueue_dma source(%arg3 : memref<2x16xf32, #tpu.memory_space<hbm>>) target(%arg12 : memref<2x16xf32, #tpu.memory_space<vmem>>) target_semaphore(%run_scoped3A : memref<!tpu.dma_semaphore, #tpu.memory_space<semaphore_mem>>)
      tpu.wait_dma2 semaphore(%run_scoped3A : memref<!tpu.dma_semaphore, #tpu.memory_space<semaphore_mem>>) src(%arg3 : memref<2x16xf32, #tpu.memory_space<hbm>>) dst(%arg12 : memref<2x16xf32, #tpu.memory_space<vmem>>)
      tpu.yield
    }) : () -> ()
    %scan3A = arith.constant 0 : i32
    %scan3A_1 = arith.constant 0 : i32
    %scan3A_2 = arith.constant 8 : i32
    %scan3A_3 = arith.addi %scan3A_1, %scan3A_2 : i32
    %scan3A_4 = arith.constant 1 : i32
    scf.for %scan3A_32 = %scan3A_1 to %scan3A_3 step %scan3A_4  : i32 {
      %mul3A_33 = arith.constant 16 : i32
      %mul3A_34 = arith.muli %scan3A_32, %mul3A_33 : i32
      %add3A_35 = arith.addi %arg1, %mul3A_34 : i32
      %lt3A = arith.constant 125 : i32
      %lt3A_36 = arith.cmpi slt, %add3A_35, %lt3A : i32
      %convert_element_type3A = arith.extui %lt3A_36 : i1 to i32
      %cond3A = arith.constant 0 : i32
      %cond3A_37 = arith.cmpi ne, %convert_element_type3A, %cond3A : i32
      scf.if %cond3A_37 {
        %mul3A_38 = arith.constant 80 : i32
        %mul3A_39 = arith.muli %add3A_35, %mul3A_38 : i32
        "tpu.region"() ({
          %run_scoped3A = tpu.sem_alloc : memref<!tpu.dma_semaphore, #tpu.memory_space<semaphore_mem>>
          %dma_start3A = arith.constant 0 : i32
          %dma_start3A_48 = tpu.memref_slice %arg2[%mul3A_39, %dma_start3A] : memref<10000x16xf32, #tpu.memory_space<hbm>> -> memref<80x16xf32, #tpu.memory_space<hbm>>
          %dma_start3A_49 = arith.constant 0 : i32
          %dma_start3A_50 = tpu.memref_slice %arg2[%mul3A_39, %dma_start3A_49] : memref<10000x16xf32, #tpu.memory_space<hbm>> -> memref<80x16xf32, #tpu.memory_space<hbm>>
          tpu.enqueue_dma source(%dma_start3A_50 : memref<80x16xf32, #tpu.memory_space<hbm>>) target(%arg11 : memref<80x16xf32, #tpu.memory_space<vmem>>) target_semaphore(%run_scoped3A : memref<!tpu.dma_semaphore, #tpu.memory_space<semaphore_mem>>)
          %dma_wait3A = arith.constant 0 : i32
          %dma_wait3A_51 = tpu.memref_slice %arg2[%mul3A_39, %dma_wait3A] : memref<10000x16xf32, #tpu.memory_space<hbm>> -> memref<80x16xf32, #tpu.memory_space<hbm>>
          %dma_wait3A_52 = arith.constant 0 : i32
          %dma_wait3A_53 = tpu.memref_slice %arg2[%mul3A_39, %dma_wait3A_52] : memref<10000x16xf32, #tpu.memory_space<hbm>> -> memref<80x16xf32, #tpu.memory_space<hbm>>
          tpu.wait_dma2 semaphore(%run_scoped3A : memref<!tpu.dma_semaphore, #tpu.memory_space<semaphore_mem>>) src(%dma_wait3A_53 : memref<80x16xf32, #tpu.memory_space<hbm>>) dst(%arg11 : memref<80x16xf32, #tpu.memory_space<vmem>>)
          tpu.yield
        }) : () -> ()
        %scan3A_40 = arith.constant 0 : i32
        %scan3A_41 = arith.constant 0 : i32
        %scan3A_42 = arith.constant 80 : i32
        %scan3A_43 = arith.addi %scan3A_41, %scan3A_42 : i32
        %scan3A_44 = arith.constant 1 : i32
        scf.for %scan3A_48 = %scan3A_41 to %scan3A_43 step %scan3A_44  : i32 {
          %get3A = arith.index_cast %scan3A_48 : i32 to index
          %get3A_49 = arith.constant 0 : index
          %get3A_50 = tpu.vector_load %arg11[%get3A, %get3A_49] {strides = array<i32>} : memref<80x16xf32, #tpu.memory_space<vmem>>, vector<1x16xf32>,
          %get3A_51 = vector.shape_cast %get3A_50 : vector<1x16xf32> to vector<16xf32>
          %get3A_52 = arith.constant 0 : i32
          %get3A_53 = arith.index_cast %get3A_52 : i32 to index
          %get3A_54 = arith.constant 0 : index
          %get3A_55 = tpu.vector_load %arg12[%get3A_53, %get3A_54] {strides = array<i32>} : memref<2x16xf32, #tpu.memory_space<vmem>>, vector<1x16xf32>,
          %get3A_56 = vector.shape_cast %get3A_55 : vector<1x16xf32> to vector<16xf32>
          %mul3A_57 = arith.mulf %get3A_51, %get3A_56 : vector<16xf32>
          %get3A_58 = arith.constant 1 : i32
          %get3A_59 = arith.index_cast %get3A_58 : i32 to index
          %get3A_60 = arith.constant 0 : index
          %get3A_61 = tpu.vector_load %arg12[%get3A_59, %get3A_60] {strides = array<i32>} : memref<2x16xf32, #tpu.memory_space<vmem>>, vector<1x16xf32>,
          %get3A_62 = vector.shape_cast %get3A_61 : vector<1x16xf32> to vector<16xf32>
          %add3A_63 = arith.addf %mul3A_57, %get3A_62 : vector<16xf32>
          %max3A = arith.constant 0.000000e+00 : f32
          %max3A_64 = vector.broadcast %max3A : f32 to vector<16xf32>
          %max3A_65 = arith.maximumf %add3A_63, %max3A_64 : vector<16xf32>
          %swap3A = arith.index_cast %scan3A_48 : i32 to index
          %swap3A_66 = arith.constant 0 : index
          %swap3A_67 = tpu.vector_load %arg11[%swap3A, %swap3A_66] {strides = array<i32>} : memref<80x16xf32, #tpu.memory_space<vmem>>, vector<1x16xf32>,
          %swap3A_68 = vector.shape_cast %swap3A_67 : vector<1x16xf32> to vector<16xf32>
          %swap3A_69 = vector.shape_cast %max3A_65 : vector<16xf32> to vector<1x16xf32>
          tpu.vector_store %arg11[%swap3A, %swap3A_66], %swap3A_69 {strides = array<i32>} : memref<80x16xf32, #tpu.memory_space<vmem>>, vector<1x16xf32>,
        }
        %scan3A_45 = arith.constant 80 : i32
        %mul3A_46 = arith.constant 80 : i32
        %mul3A_47 = arith.muli %add3A_35, %mul3A_46 : i32
        "tpu.region"() ({
          %run_scoped3A = tpu.sem_alloc : memref<!tpu.dma_semaphore, #tpu.memory_space<semaphore_mem>>
          %dma_start3A = arith.constant 0 : i32
          %dma_start3A_48 = arith.constant 0 : i32
          %dma_start3A_49 = tpu.memref_slice %arg6[%arg0, %dma_start3A, %dma_start3A_48] : memref<2x10000x16xf32, #tpu.memory_space<hbm>> -> memref<1x10000x16xf32, #tpu.memory_space<hbm>>
          %dma_start3A_50 = tpu.memref_squeeze %dma_start3A_49 : memref<1x10000x16xf32, #tpu.memory_space<hbm>> -> memref<10000x16xf32, #tpu.memory_space<hbm>>
          %dma_start3A_51 = arith.constant 0 : i32
          %dma_start3A_52 = tpu.memref_slice %dma_start3A_50[%mul3A_47, %dma_start3A_51] : memref<10000x16xf32, #tpu.memory_space<hbm>> -> memref<80x16xf32, #tpu.memory_space<hbm>>
          %dma_start3A_53 = arith.constant 0 : i32
          %dma_start3A_54 = arith.constant 0 : i32
          %dma_start3A_55 = tpu.memref_slice %arg6[%arg0, %dma_start3A_53, %dma_start3A_54] : memref<2x10000x16xf32, #tpu.memory_space<hbm>> -> memref<1x10000x16xf32, #tpu.memory_space<hbm>>
          %dma_start3A_56 = tpu.memref_squeeze %dma_start3A_55 : memref<1x10000x16xf32, #tpu.memory_space<hbm>> -> memref<10000x16xf32, #tpu.memory_space<hbm>>
          %dma_start3A_57 = arith.constant 0 : i32
          %dma_start3A_58 = tpu.memref_slice %dma_start3A_56[%mul3A_47, %dma_start3A_57] : memref<10000x16xf32, #tpu.memory_space<hbm>> -> memref<80x16xf32, #tpu.memory_space<hbm>>
          tpu.enqueue_dma source(%arg11 : memref<80x16xf32, #tpu.memory_space<vmem>>) target(%dma_start3A_58 : memref<80x16xf32, #tpu.memory_space<hbm>>) target_semaphore(%run_scoped3A : memref<!tpu.dma_semaphore, #tpu.memory_space<semaphore_mem>>)
          %dma_wait3A = arith.constant 0 : i32
          %dma_wait3A_59 = arith.constant 0 : i32
          %dma_wait3A_60 = tpu.memref_slice %arg6[%arg0, %dma_wait3A, %dma_wait3A_59] : memref<2x10000x16xf32, #tpu.memory_space<hbm>> -> memref<1x10000x16xf32, #tpu.memory_space<hbm>>
          %dma_wait3A_61 = tpu.memref_squeeze %dma_wait3A_60 : memref<1x10000x16xf32, #tpu.memory_space<hbm>> -> memref<10000x16xf32, #tpu.memory_space<hbm>>
          %dma_wait3A_62 = arith.constant 0 : i32
          %dma_wait3A_63 = tpu.memref_slice %dma_wait3A_61[%mul3A_47, %dma_wait3A_62] : memref<10000x16xf32, #tpu.memory_space<hbm>> -> memref<80x16xf32, #tpu.memory_space<hbm>>
          %dma_wait3A_64 = arith.constant 0 : i32
          %dma_wait3A_65 = arith.constant 0 : i32
          %dma_wait3A_66 = tpu.memref_slice %arg6[%arg0, %dma_wait3A_64, %dma_wait3A_65] : memref<2x10000x16xf32, #tpu.memory_space<hbm>> -> memref<1x10000x16xf32, #tpu.memory_space<hbm>>
          %dma_wait3A_67 = tpu.memref_squeeze %dma_wait3A_66 : memref<1x10000x16xf32, #tpu.memory_space<hbm>> -> memref<10000x16xf32, #tpu.memory_space<hbm>>
          %dma_wait3A_68 = arith.constant 0 : i32
          %dma_wait3A_69 = tpu.memref_slice %dma_wait3A_67[%mul3A_47, %dma_wait3A_68] : memref<10000x16xf32, #tpu.memory_space<hbm>> -> memref<80x16xf32, #tpu.memory_space<hbm>>
          tpu.wait_dma2 semaphore(%run_scoped3A : memref<!tpu.dma_semaphore, #tpu.memory_space<semaphore_mem>>) src(%arg11 : memref<80x16xf32, #tpu.memory_space<vmem>>) dst(%dma_wait3A_69 : memref<80x16xf32, #tpu.memory_space<hbm>>)
          tpu.yield
        }) : () -> ()
      } else {
      }
    }
    %scan3A_5 = arith.constant 8 : i32
    %broadcast_in_dim3A = arith.constant 0.000000e+00 : f32
    %broadcast_in_dim3A_6 = vector.broadcast %broadcast_in_dim3A : f32 to vector<16xf32>
    %scan3A_7 = arith.constant 0 : i32
    %scan3A_8 = arith.constant 0 : i32
    %scan3A_9 = arith.constant 80 : i32
    %scan3A_10 = arith.addi %scan3A_8, %scan3A_9 : i32
    %scan3A_11 = arith.constant 1 : i32
    scf.for %scan3A_32 = %scan3A_8 to %scan3A_10 step %scan3A_11  : i32 {
      %swap3A = arith.index_cast %scan3A_32 : i32 to index
      %swap3A_33 = arith.constant 0 : index
      %swap3A_34 = tpu.vector_load %arg11[%swap3A, %swap3A_33] {strides = array<i32>} : memref<80x16xf32, #tpu.memory_space<vmem>>, vector<1x16xf32>,
      %swap3A_35 = vector.shape_cast %swap3A_34 : vector<1x16xf32> to vector<16xf32>
      %swap3A_36 = vector.shape_cast %broadcast_in_dim3A_6 : vector<16xf32> to vector<1x16xf32>
      tpu.vector_store %arg11[%swap3A, %swap3A_33], %swap3A_36 {strides = array<i32>} : memref<80x16xf32, #tpu.memory_space<vmem>>, vector<1x16xf32>,
    }
    %scan3A_12 = arith.constant 80 : i32
    %scan3A_13 = arith.constant 0 : i32
    %scan3A_14 = arith.constant 0 : i32
    %scan3A_15 = arith.constant 8 : i32
    %scan3A_16 = arith.addi %scan3A_14, %scan3A_15 : i32
    %scan3A_17 = arith.constant 1 : i32
    scf.for %scan3A_32 = %scan3A_14 to %scan3A_16 step %scan3A_17  : i32 {
      %mul3A_33 = arith.constant 16 : i32
      %mul3A_34 = arith.muli %scan3A_32, %mul3A_33 : i32
      %add3A_35 = arith.addi %arg1, %mul3A_34 : i32
      %lt3A = arith.constant 125 : i32
      %lt3A_36 = arith.cmpi slt, %add3A_35, %lt3A : i32
      %convert_element_type3A = arith.extui %lt3A_36 : i1 to i32
      %cond3A = arith.constant 0 : i32
      %cond3A_37 = arith.cmpi ne, %convert_element_type3A, %cond3A : i32
      scf.if %cond3A_37 {
        %mul3A_38 = arith.constant 80 : i32
        %mul3A_39 = arith.muli %add3A_35, %mul3A_38 : i32
        "tpu.region"() ({
          %run_scoped3A = tpu.sem_alloc : memref<!tpu.dma_semaphore, #tpu.memory_space<semaphore_mem>>
          %dma_start3A = arith.constant 0 : i32
          %dma_start3A_40 = tpu.memref_slice %arg13[%mul3A_39, %dma_start3A] : memref<10512x16xf32, #tpu.memory_space<vmem_shared>> -> memref<80x16xf32, #tpu.memory_space<vmem_shared>>
          %dma_start3A_41 = arith.constant 0 : i32
          %dma_start3A_42 = tpu.memref_slice %arg13[%mul3A_39, %dma_start3A_41] : memref<10512x16xf32, #tpu.memory_space<vmem_shared>> -> memref<80x16xf32, #tpu.memory_space<vmem_shared>>
          tpu.enqueue_dma source(%arg11 : memref<80x16xf32, #tpu.memory_space<vmem>>) target(%dma_start3A_42 : memref<80x16xf32, #tpu.memory_space<vmem_shared>>) target_semaphore(%run_scoped3A : memref<!tpu.dma_semaphore, #tpu.memory_space<semaphore_mem>>)
          %dma_wait3A = arith.constant 0 : i32
          %dma_wait3A_43 = tpu.memref_slice %arg13[%mul3A_39, %dma_wait3A] : memref<10512x16xf32, #tpu.memory_space<vmem_shared>> -> memref<80x16xf32, #tpu.memory_space<vmem_shared>>
          %dma_wait3A_44 = arith.constant 0 : i32
          %dma_wait3A_45 = tpu.memref_slice %arg13[%mul3A_39, %dma_wait3A_44] : memref<10512x16xf32, #tpu.memory_space<vmem_shared>> -> memref<80x16xf32, #tpu.memory_space<vmem_shared>>
          tpu.wait_dma2 semaphore(%run_scoped3A : memref<!tpu.dma_semaphore, #tpu.memory_space<semaphore_mem>>) src(%arg11 : memref<80x16xf32, #tpu.memory_space<vmem>>) dst(%dma_wait3A_45 : memref<80x16xf32, #tpu.memory_space<vmem_shared>>)
          tpu.yield
        }) : () -> ()
      } else {
      }
    }
    %scan3A_18 = arith.constant 8 : i32
    %barrier3A = arith.constant 0 : index
    tpu.barrier barrier_id(%barrier3A)
    %scan3A_19 = arith.constant 0 : i32
    %scan3A_20 = arith.constant 0 : i32
    %scan3A_21 = arith.constant 10 : i32
    %scan3A_22 = arith.addi %scan3A_20, %scan3A_21 : i32
    %scan3A_23 = arith.constant 1 : i32
    scf.for %scan3A_32 = %scan3A_20 to %scan3A_22 step %scan3A_23  : i32 {
      %mul3A_33 = arith.constant 8 : i32
      %mul3A_34 = arith.muli %scan3A_32, %mul3A_33 : i32
      %add3A_35 = arith.constant 0 : i32
      %add3A_36 = arith.addi %mul3A_34, %add3A_35 : i32
      %dma_start3A = arith.constant 0 : i32
      %dma_start3A_37 = arith.constant 0 : i32
      %dma_start3A_38 = arith.constant 0 : i32
      %dma_start3A_39 = tpu.memref_slice %arg10[%dma_start3A, %dma_start3A_37, %dma_start3A_38] : memref<8x128x16xf32, #tpu.memory_space<vmem>> -> memref<1x128x16xf32, #tpu.memory_space<vmem>>
      %dma_start3A_40 = tpu.memref_squeeze %dma_start3A_39 : memref<1x128x16xf32, #tpu.memory_space<vmem>> -> memref<128x16xf32, #tpu.memory_space<vmem>>
      %dma_start3A_41 = arith.constant 0 : i32
      %dma_start3A_42 = tpu.memref_slice %arg8[%add3A_36, %dma_start3A_41] : memref<80x128xi32, #tpu.memory_space<vmem>> -> memref<1x128xi32, #tpu.memory_space<vmem>>
      %dma_start3A_43 = tpu.memref_squeeze %dma_start3A_42 : memref<1x128xi32, #tpu.memory_space<vmem>> -> memref<128xi32, #tpu.memory_space<vmem>>
      %dma_start3A_44 = arith.constant 0 : i32
      %dma_start3A_45 = arith.constant 0 : i32
      %dma_start3A_46 = tpu.memref_slice %arg6[%arg0, %dma_start3A_44, %dma_start3A_45] : memref<2x10000x16xf32, #tpu.memory_space<hbm>> -> memref<1x10000x16xf32, #tpu.memory_space<hbm>>
      %dma_start3A_47 = tpu.memref_squeeze %dma_start3A_46 : memref<1x10000x16xf32, #tpu.memory_space<hbm>> -> memref<10000x16xf32, #tpu.memory_space<hbm>>
      %dma_start3A_48 = arith.constant 0 : i32
      %dma_start3A_49 = arith.constant 0 : i32
      %dma_start3A_50 = tpu.memref_slice %dma_start3A_47[%dma_start3A_48, %dma_start3A_49] : memref<10000x16xf32, #tpu.memory_space<hbm>> -> memref<10000x16xf32, #tpu.memory_space<hbm>>
      tpu.enqueue_indirect_dma source(%dma_start3A_50 : memref<10000x16xf32, #tpu.memory_space<hbm>>) target(%dma_start3A_40 : memref<128x16xf32, #tpu.memory_space<vmem>>) offsets(%dma_start3A_43 : memref<128xi32, #tpu.memory_space<vmem>>) semaphore(%arg14 : memref<!tpu.dma_semaphore, #tpu.memory_space<semaphore_mem>>)
      %mul3A_51 = arith.constant 8 : i32
      %mul3A_52 = arith.muli %scan3A_32, %mul3A_51 : i32
      %add3A_53 = arith.constant 1 : i32
      %add3A_54 = arith.addi %mul3A_52, %add3A_53 : i32
      %dma_start3A_55 = arith.constant 1 : i32
      %dma_start3A_56 = arith.constant 0 : i32
      %dma_start3A_57 = arith.constant 0 : i32
      %dma_start3A_58 = tpu.memref_slice %arg10[%dma_start3A_55, %dma_start3A_56, %dma_start3A_57] : memref<8x128x16xf32, #tpu.memory_space<vmem>> -> memref<1x128x16xf32, #tpu.memory_space<vmem>>
      %dma_start3A_59 = tpu.memref_squeeze %dma_start3A_58 : memref<1x128x16xf32, #tpu.memory_space<vmem>> -> memref<128x16xf32, #tpu.memory_space<vmem>>
      %dma_start3A_60 = arith.constant 0 : i32
      %dma_start3A_61 = tpu.memref_slice %arg8[%add3A_54, %dma_start3A_60] : memref<80x128xi32, #tpu.memory_space<vmem>> -> memref<1x128xi32, #tpu.memory_space<vmem>>
      %dma_start3A_62 = tpu.memref_squeeze %dma_start3A_61 : memref<1x128xi32, #tpu.memory_space<vmem>> -> memref<128xi32, #tpu.memory_space<vmem>>
      %dma_start3A_63 = arith.constant 0 : i32
      %dma_start3A_64 = arith.constant 0 : i32
      %dma_start3A_65 = tpu.memref_slice %arg6[%arg0, %dma_start3A_63, %dma_start3A_64] : memref<2x10000x16xf32, #tpu.memory_space<hbm>> -> memref<1x10000x16xf32, #tpu.memory_space<hbm>>
      %dma_start3A_66 = tpu.memref_squeeze %dma_start3A_65 : memref<1x10000x16xf32, #tpu.memory_space<hbm>> -> memref<10000x16xf32, #tpu.memory_space<hbm>>
      %dma_start3A_67 = arith.constant 0 : i32
      %dma_start3A_68 = arith.constant 0 : i32
      %dma_start3A_69 = tpu.memref_slice %dma_start3A_66[%dma_start3A_67, %dma_start3A_68] : memref<10000x16xf32, #tpu.memory_space<hbm>> -> memref<10000x16xf32, #tpu.memory_space<hbm>>
      tpu.enqueue_indirect_dma source(%dma_start3A_69 : memref<10000x16xf32, #tpu.memory_space<hbm>>) target(%dma_start3A_59 : memref<128x16xf32, #tpu.memory_space<vmem>>) offsets(%dma_start3A_62 : memref<128xi32, #tpu.memory_space<vmem>>) semaphore(%arg14 : memref<!tpu.dma_semaphore, #tpu.memory_space<semaphore_mem>>)
      %mul3A_70 = arith.constant 8 : i32
      %mul3A_71 = arith.muli %scan3A_32, %mul3A_70 : i32
      %add3A_72 = arith.constant 2 : i32
      %add3A_73 = arith.addi %mul3A_71, %add3A_72 : i32
      %dma_start3A_74 = arith.constant 2 : i32
      %dma_start3A_75 = arith.constant 0 : i32
      %dma_start3A_76 = arith.constant 0 : i32
      %dma_start3A_77 = tpu.memref_slice %arg10[%dma_start3A_74, %dma_start3A_75, %dma_start3A_76] : memref<8x128x16xf32, #tpu.memory_space<vmem>> -> memref<1x128x16xf32, #tpu.memory_space<vmem>>
      %dma_start3A_78 = tpu.memref_squeeze %dma_start3A_77 : memref<1x128x16xf32, #tpu.memory_space<vmem>> -> memref<128x16xf32, #tpu.memory_space<vmem>>
      %dma_start3A_79 = arith.constant 0 : i32
      %dma_start3A_80 = tpu.memref_slice %arg8[%add3A_73, %dma_start3A_79] : memref<80x128xi32, #tpu.memory_space<vmem>> -> memref<1x128xi32, #tpu.memory_space<vmem>>
      %dma_start3A_81 = tpu.memref_squeeze %dma_start3A_80 : memref<1x128xi32, #tpu.memory_space<vmem>> -> memref<128xi32, #tpu.memory_space<vmem>>
      %dma_start3A_82 = arith.constant 0 : i32
      %dma_start3A_83 = arith.constant 0 : i32
      %dma_start3A_84 = tpu.memref_slice %arg6[%arg0, %dma_start3A_82, %dma_start3A_83] : memref<2x10000x16xf32, #tpu.memory_space<hbm>> -> memref<1x10000x16xf32, #tpu.memory_space<hbm>>
      %dma_start3A_85 = tpu.memref_squeeze %dma_start3A_84 : memref<1x10000x16xf32, #tpu.memory_space<hbm>> -> memref<10000x16xf32, #tpu.memory_space<hbm>>
      %dma_start3A_86 = arith.constant 0 : i32
      %dma_start3A_87 = arith.constant 0 : i32
      %dma_start3A_88 = tpu.memref_slice %dma_start3A_85[%dma_start3A_86, %dma_start3A_87] : memref<10000x16xf32, #tpu.memory_space<hbm>> -> memref<10000x16xf32, #tpu.memory_space<hbm>>
      tpu.enqueue_indirect_dma source(%dma_start3A_88 : memref<10000x16xf32, #tpu.memory_space<hbm>>) target(%dma_start3A_78 : memref<128x16xf32, #tpu.memory_space<vmem>>) offsets(%dma_start3A_81 : memref<128xi32, #tpu.memory_space<vmem>>) semaphore(%arg14 : memref<!tpu.dma_semaphore, #tpu.memory_space<semaphore_mem>>)
      %mul3A_89 = arith.constant 8 : i32
      %mul3A_90 = arith.muli %scan3A_32, %mul3A_89 : i32
      %add3A_91 = arith.constant 3 : i32
      %add3A_92 = arith.addi %mul3A_90, %add3A_91 : i32
      %dma_start3A_93 = arith.constant 3 : i32
      %dma_start3A_94 = arith.constant 0 : i32
      %dma_start3A_95 = arith.constant 0 : i32
      %dma_start3A_96 = tpu.memref_slice %arg10[%dma_start3A_93, %dma_start3A_94, %dma_start3A_95] : memref<8x128x16xf32, #tpu.memory_space<vmem>> -> memref<1x128x16xf32, #tpu.memory_space<vmem>>
      %dma_start3A_97 = tpu.memref_squeeze %dma_start3A_96 : memref<1x128x16xf32, #tpu.memory_space<vmem>> -> memref<128x16xf32, #tpu.memory_space<vmem>>
      %dma_start3A_98 = arith.constant 0 : i32
      %dma_start3A_99 = tpu.memref_slice %arg8[%add3A_92, %dma_start3A_98] : memref<80x128xi32, #tpu.memory_space<vmem>> -> memref<1x128xi32, #tpu.memory_space<vmem>>
      %dma_start3A_100 = tpu.memref_squeeze %dma_start3A_99 : memref<1x128xi32, #tpu.memory_space<vmem>> -> memref<128xi32, #tpu.memory_space<vmem>>
      %dma_start3A_101 = arith.constant 0 : i32
      %dma_start3A_102 = arith.constant 0 : i32
      %dma_start3A_103 = tpu.memref_slice %arg6[%arg0, %dma_start3A_101, %dma_start3A_102] : memref<2x10000x16xf32, #tpu.memory_space<hbm>> -> memref<1x10000x16xf32, #tpu.memory_space<hbm>>
      %dma_start3A_104 = tpu.memref_squeeze %dma_start3A_103 : memref<1x10000x16xf32, #tpu.memory_space<hbm>> -> memref<10000x16xf32, #tpu.memory_space<hbm>>
      %dma_start3A_105 = arith.constant 0 : i32
      %dma_start3A_106 = arith.constant 0 : i32
      %dma_start3A_107 = tpu.memref_slice %dma_start3A_104[%dma_start3A_105, %dma_start3A_106] : memref<10000x16xf32, #tpu.memory_space<hbm>> -> memref<10000x16xf32, #tpu.memory_space<hbm>>
      tpu.enqueue_indirect_dma source(%dma_start3A_107 : memref<10000x16xf32, #tpu.memory_space<hbm>>) target(%dma_start3A_97 : memref<128x16xf32, #tpu.memory_space<vmem>>) offsets(%dma_start3A_100 : memref<128xi32, #tpu.memory_space<vmem>>) semaphore(%arg14 : memref<!tpu.dma_semaphore, #tpu.memory_space<semaphore_mem>>)
      %mul3A_108 = arith.constant 8 : i32
      %mul3A_109 = arith.muli %scan3A_32, %mul3A_108 : i32
      %add3A_110 = arith.constant 4 : i32
      %add3A_111 = arith.addi %mul3A_109, %add3A_110 : i32
      %dma_start3A_112 = arith.constant 4 : i32
      %dma_start3A_113 = arith.constant 0 : i32
      %dma_start3A_114 = arith.constant 0 : i32
      %dma_start3A_115 = tpu.memref_slice %arg10[%dma_start3A_112, %dma_start3A_113, %dma_start3A_114] : memref<8x128x16xf32, #tpu.memory_space<vmem>> -> memref<1x128x16xf32, #tpu.memory_space<vmem>>
      %dma_start3A_116 = tpu.memref_squeeze %dma_start3A_115 : memref<1x128x16xf32, #tpu.memory_space<vmem>> -> memref<128x16xf32, #tpu.memory_space<vmem>>
      %dma_start3A_117 = arith.constant 0 : i32
      %dma_start3A_118 = tpu.memref_slice %arg8[%add3A_111, %dma_start3A_117] : memref<80x128xi32, #tpu.memory_space<vmem>> -> memref<1x128xi32, #tpu.memory_space<vmem>>
      %dma_start3A_119 = tpu.memref_squeeze %dma_start3A_118 : memref<1x128xi32, #tpu.memory_space<vmem>> -> memref<128xi32, #tpu.memory_space<vmem>>
      %dma_start3A_120 = arith.constant 0 : i32
      %dma_start3A_121 = arith.constant 0 : i32
      %dma_start3A_122 = tpu.memref_slice %arg6[%arg0, %dma_start3A_120, %dma_start3A_121] : memref<2x10000x16xf32, #tpu.memory_space<hbm>> -> memref<1x10000x16xf32, #tpu.memory_space<hbm>>
      %dma_start3A_123 = tpu.memref_squeeze %dma_start3A_122 : memref<1x10000x16xf32, #tpu.memory_space<hbm>> -> memref<10000x16xf32, #tpu.memory_space<hbm>>
      %dma_start3A_124 = arith.constant 0 : i32
      %dma_start3A_125 = arith.constant 0 : i32
      %dma_start3A_126 = tpu.memref_slice %dma_start3A_123[%dma_start3A_124, %dma_start3A_125] : memref<10000x16xf32, #tpu.memory_space<hbm>> -> memref<10000x16xf32, #tpu.memory_space<hbm>>
      tpu.enqueue_indirect_dma source(%dma_start3A_126 : memref<10000x16xf32, #tpu.memory_space<hbm>>) target(%dma_start3A_116 : memref<128x16xf32, #tpu.memory_space<vmem>>) offsets(%dma_start3A_119 : memref<128xi32, #tpu.memory_space<vmem>>) semaphore(%arg14 : memref<!tpu.dma_semaphore, #tpu.memory_space<semaphore_mem>>)
      %mul3A_127 = arith.constant 8 : i32
      %mul3A_128 = arith.muli %scan3A_32, %mul3A_127 : i32
      %add3A_129 = arith.constant 5 : i32
      %add3A_130 = arith.addi %mul3A_128, %add3A_129 : i32
      %dma_start3A_131 = arith.constant 5 : i32
      %dma_start3A_132 = arith.constant 0 : i32
      %dma_start3A_133 = arith.constant 0 : i32
      %dma_start3A_134 = tpu.memref_slice %arg10[%dma_start3A_131, %dma_start3A_132, %dma_start3A_133] : memref<8x128x16xf32, #tpu.memory_space<vmem>> -> memref<1x128x16xf32, #tpu.memory_space<vmem>>
      %dma_start3A_135 = tpu.memref_squeeze %dma_start3A_134 : memref<1x128x16xf32, #tpu.memory_space<vmem>> -> memref<128x16xf32, #tpu.memory_space<vmem>>
      %dma_start3A_136 = arith.constant 0 : i32
      %dma_start3A_137 = tpu.memref_slice %arg8[%add3A_130, %dma_start3A_136] : memref<80x128xi32, #tpu.memory_space<vmem>> -> memref<1x128xi32, #tpu.memory_space<vmem>>
      %dma_start3A_138 = tpu.memref_squeeze %dma_start3A_137 : memref<1x128xi32, #tpu.memory_space<vmem>> -> memref<128xi32, #tpu.memory_space<vmem>>
      %dma_start3A_139 = arith.constant 0 : i32
      %dma_start3A_140 = arith.constant 0 : i32
      %dma_start3A_141 = tpu.memref_slice %arg6[%arg0, %dma_start3A_139, %dma_start3A_140] : memref<2x10000x16xf32, #tpu.memory_space<hbm>> -> memref<1x10000x16xf32, #tpu.memory_space<hbm>>
      %dma_start3A_142 = tpu.memref_squeeze %dma_start3A_141 : memref<1x10000x16xf32, #tpu.memory_space<hbm>> -> memref<10000x16xf32, #tpu.memory_space<hbm>>
      %dma_start3A_143 = arith.constant 0 : i32
      %dma_start3A_144 = arith.constant 0 : i32
      %dma_start3A_145 = tpu.memref_slice %dma_start3A_142[%dma_start3A_143, %dma_start3A_144] : memref<10000x16xf32, #tpu.memory_space<hbm>> -> memref<10000x16xf32, #tpu.memory_space<hbm>>
      tpu.enqueue_indirect_dma source(%dma_start3A_145 : memref<10000x16xf32, #tpu.memory_space<hbm>>) target(%dma_start3A_135 : memref<128x16xf32, #tpu.memory_space<vmem>>) offsets(%dma_start3A_138 : memref<128xi32, #tpu.memory_space<vmem>>) semaphore(%arg14 : memref<!tpu.dma_semaphore, #tpu.memory_space<semaphore_mem>>)
      %mul3A_146 = arith.constant 8 : i32
      %mul3A_147 = arith.muli %scan3A_32, %mul3A_146 : i32
      %add3A_148 = arith.constant 6 : i32
      %add3A_149 = arith.addi %mul3A_147, %add3A_148 : i32
      %dma_start3A_150 = arith.constant 6 : i32
      %dma_start3A_151 = arith.constant 0 : i32
      %dma_start3A_152 = arith.constant 0 : i32
      %dma_start3A_153 = tpu.memref_slice %arg10[%dma_start3A_150, %dma_start3A_151, %dma_start3A_152] : memref<8x128x16xf32, #tpu.memory_space<vmem>> -> memref<1x128x16xf32, #tpu.memory_space<vmem>>
      %dma_start3A_154 = tpu.memref_squeeze %dma_start3A_153 : memref<1x128x16xf32, #tpu.memory_space<vmem>> -> memref<128x16xf32, #tpu.memory_space<vmem>>
      %dma_start3A_155 = arith.constant 0 : i32
      %dma_start3A_156 = tpu.memref_slice %arg8[%add3A_149, %dma_start3A_155] : memref<80x128xi32, #tpu.memory_space<vmem>> -> memref<1x128xi32, #tpu.memory_space<vmem>>
      %dma_start3A_157 = tpu.memref_squeeze %dma_start3A_156 : memref<1x128xi32, #tpu.memory_space<vmem>> -> memref<128xi32, #tpu.memory_space<vmem>>
      %dma_start3A_158 = arith.constant 0 : i32
      %dma_start3A_159 = arith.constant 0 : i32
      %dma_start3A_160 = tpu.memref_slice %arg6[%arg0, %dma_start3A_158, %dma_start3A_159] : memref<2x10000x16xf32, #tpu.memory_space<hbm>> -> memref<1x10000x16xf32, #tpu.memory_space<hbm>>
      %dma_start3A_161 = tpu.memref_squeeze %dma_start3A_160 : memref<1x10000x16xf32, #tpu.memory_space<hbm>> -> memref<10000x16xf32, #tpu.memory_space<hbm>>
      %dma_start3A_162 = arith.constant 0 : i32
      %dma_start3A_163 = arith.constant 0 : i32
      %dma_start3A_164 = tpu.memref_slice %dma_start3A_161[%dma_start3A_162, %dma_start3A_163] : memref<10000x16xf32, #tpu.memory_space<hbm>> -> memref<10000x16xf32, #tpu.memory_space<hbm>>
      tpu.enqueue_indirect_dma source(%dma_start3A_164 : memref<10000x16xf32, #tpu.memory_space<hbm>>) target(%dma_start3A_154 : memref<128x16xf32, #tpu.memory_space<vmem>>) offsets(%dma_start3A_157 : memref<128xi32, #tpu.memory_space<vmem>>) semaphore(%arg14 : memref<!tpu.dma_semaphore, #tpu.memory_space<semaphore_mem>>)
      %mul3A_165 = arith.constant 8 : i32
      %mul3A_166 = arith.muli %scan3A_32, %mul3A_165 : i32
      %add3A_167 = arith.constant 7 : i32
      %add3A_168 = arith.addi %mul3A_166, %add3A_167 : i32
      %dma_start3A_169 = arith.constant 7 : i32
      %dma_start3A_170 = arith.constant 0 : i32
      %dma_start3A_171 = arith.constant 0 : i32
      %dma_start3A_172 = tpu.memref_slice %arg10[%dma_start3A_169, %dma_start3A_170, %dma_start3A_171] : memref<8x128x16xf32, #tpu.memory_space<vmem>> -> memref<1x128x16xf32, #tpu.memory_space<vmem>>
      %dma_start3A_173 = tpu.memref_squeeze %dma_start3A_172 : memref<1x128x16xf32, #tpu.memory_space<vmem>> -> memref<128x16xf32, #tpu.memory_space<vmem>>
      %dma_start3A_174 = arith.constant 0 : i32
      %dma_start3A_175 = tpu.memref_slice %arg8[%add3A_168, %dma_start3A_174] : memref<80x128xi32, #tpu.memory_space<vmem>> -> memref<1x128xi32, #tpu.memory_space<vmem>>
      %dma_start3A_176 = tpu.memref_squeeze %dma_start3A_175 : memref<1x128xi32, #tpu.memory_space<vmem>> -> memref<128xi32, #tpu.memory_space<vmem>>
      %dma_start3A_177 = arith.constant 0 : i32
      %dma_start3A_178 = arith.constant 0 : i32
      %dma_start3A_179 = tpu.memref_slice %arg6[%arg0, %dma_start3A_177, %dma_start3A_178] : memref<2x10000x16xf32, #tpu.memory_space<hbm>> -> memref<1x10000x16xf32, #tpu.memory_space<hbm>>
      %dma_start3A_180 = tpu.memref_squeeze %dma_start3A_179 : memref<1x10000x16xf32, #tpu.memory_space<hbm>> -> memref<10000x16xf32, #tpu.memory_space<hbm>>
      %dma_start3A_181 = arith.constant 0 : i32
      %dma_start3A_182 = arith.constant 0 : i32
      %dma_start3A_183 = tpu.memref_slice %dma_start3A_180[%dma_start3A_181, %dma_start3A_182] : memref<10000x16xf32, #tpu.memory_space<hbm>> -> memref<10000x16xf32, #tpu.memory_space<hbm>>
      tpu.enqueue_indirect_dma source(%dma_start3A_183 : memref<10000x16xf32, #tpu.memory_space<hbm>>) target(%dma_start3A_173 : memref<128x16xf32, #tpu.memory_space<vmem>>) offsets(%dma_start3A_176 : memref<128xi32, #tpu.memory_space<vmem>>) semaphore(%arg14 : memref<!tpu.dma_semaphore, #tpu.memory_space<semaphore_mem>>)
      %dma_wait3A = arith.constant 0 : i32
      %dma_wait3A_184 = arith.constant 0 : i32
      %dma_wait3A_185 = arith.constant 0 : i32
      %dma_wait3A_186 = tpu.memref_slice %arg10[%dma_wait3A, %dma_wait3A_184, %dma_wait3A_185] : memref<8x128x16xf32, #tpu.memory_space<vmem>> -> memref<1x128x16xf32, #tpu.memory_space<vmem>>
      %dma_wait3A_187 = tpu.memref_squeeze %dma_wait3A_186 : memref<1x128x16xf32, #tpu.memory_space<vmem>> -> memref<128x16xf32, #tpu.memory_space<vmem>>
      %dma_wait3A_188 = arith.constant 0 : i32
      %dma_wait3A_189 = tpu.memref_slice %arg8[%add3A_36, %dma_wait3A_188] : memref<80x128xi32, #tpu.memory_space<vmem>> -> memref<1x128xi32, #tpu.memory_space<vmem>>
      %dma_wait3A_190 = tpu.memref_squeeze %dma_wait3A_189 : memref<1x128xi32, #tpu.memory_space<vmem>> -> memref<128xi32, #tpu.memory_space<vmem>>
      %dma_wait3A_191 = arith.constant 0 : i32
      %dma_wait3A_192 = arith.constant 0 : i32
      %dma_wait3A_193 = tpu.memref_slice %arg6[%arg0, %dma_wait3A_191, %dma_wait3A_192] : memref<2x10000x16xf32, #tpu.memory_space<hbm>> -> memref<1x10000x16xf32, #tpu.memory_space<hbm>>
      %dma_wait3A_194 = tpu.memref_squeeze %dma_wait3A_193 : memref<1x10000x16xf32, #tpu.memory_space<hbm>> -> memref<10000x16xf32, #tpu.memory_space<hbm>>
      %dma_wait3A_195 = arith.constant 0 : i32
      %dma_wait3A_196 = arith.constant 0 : i32
      %dma_wait3A_197 = tpu.memref_slice %dma_wait3A_194[%dma_wait3A_195, %dma_wait3A_196] : memref<10000x16xf32, #tpu.memory_space<hbm>> -> memref<10000x16xf32, #tpu.memory_space<hbm>>
      tpu.wait_indirect_dma semaphore(%arg14 : memref<!tpu.dma_semaphore, #tpu.memory_space<semaphore_mem>>) src(%dma_wait3A_197 : memref<10000x16xf32, #tpu.memory_space<hbm>>) dst(%dma_wait3A_187 : memref<128x16xf32, #tpu.memory_space<vmem>>)
      %dma_wait3A_198 = arith.constant 1 : i32
      %dma_wait3A_199 = arith.constant 0 : i32
      %dma_wait3A_200 = arith.constant 0 : i32
      %dma_wait3A_201 = tpu.memref_slice %arg10[%dma_wait3A_198, %dma_wait3A_199, %dma_wait3A_200] : memref<8x128x16xf32, #tpu.memory_space<vmem>> -> memref<1x128x16xf32, #tpu.memory_space<vmem>>
      %dma_wait3A_202 = tpu.memref_squeeze %dma_wait3A_201 : memref<1x128x16xf32, #tpu.memory_space<vmem>> -> memref<128x16xf32, #tpu.memory_space<vmem>>
      %dma_wait3A_203 = arith.constant 0 : i32
      %dma_wait3A_204 = tpu.memref_slice %arg8[%add3A_54, %dma_wait3A_203] : memref<80x128xi32, #tpu.memory_space<vmem>> -> memref<1x128xi32, #tpu.memory_space<vmem>>
      %dma_wait3A_205 = tpu.memref_squeeze %dma_wait3A_204 : memref<1x128xi32, #tpu.memory_space<vmem>> -> memref<128xi32, #tpu.memory_space<vmem>>
      %dma_wait3A_206 = arith.constant 0 : i32
      %dma_wait3A_207 = arith.constant 0 : i32
      %dma_wait3A_208 = tpu.memref_slice %arg6[%arg0, %dma_wait3A_206, %dma_wait3A_207] : memref<2x10000x16xf32, #tpu.memory_space<hbm>> -> memref<1x10000x16xf32, #tpu.memory_space<hbm>>
      %dma_wait3A_209 = tpu.memref_squeeze %dma_wait3A_208 : memref<1x10000x16xf32, #tpu.memory_space<hbm>> -> memref<10000x16xf32, #tpu.memory_space<hbm>>
      %dma_wait3A_210 = arith.constant 0 : i32
      %dma_wait3A_211 = arith.constant 0 : i32
      %dma_wait3A_212 = tpu.memref_slice %dma_wait3A_209[%dma_wait3A_210, %dma_wait3A_211] : memref<10000x16xf32, #tpu.memory_space<hbm>> -> memref<10000x16xf32, #tpu.memory_space<hbm>>
      tpu.wait_indirect_dma semaphore(%arg14 : memref<!tpu.dma_semaphore, #tpu.memory_space<semaphore_mem>>) src(%dma_wait3A_212 : memref<10000x16xf32, #tpu.memory_space<hbm>>) dst(%dma_wait3A_202 : memref<128x16xf32, #tpu.memory_space<vmem>>)
      %dma_wait3A_213 = arith.constant 2 : i32
      %dma_wait3A_214 = arith.constant 0 : i32
      %dma_wait3A_215 = arith.constant 0 : i32
      %dma_wait3A_216 = tpu.memref_slice %arg10[%dma_wait3A_213, %dma_wait3A_214, %dma_wait3A_215] : memref<8x128x16xf32, #tpu.memory_space<vmem>> -> memref<1x128x16xf32, #tpu.memory_space<vmem>>
      %dma_wait3A_217 = tpu.memref_squeeze %dma_wait3A_216 : memref<1x128x16xf32, #tpu.memory_space<vmem>> -> memref<128x16xf32, #tpu.memory_space<vmem>>
      %dma_wait3A_218 = arith.constant 0 : i32
      %dma_wait3A_219 = tpu.memref_slice %arg8[%add3A_73, %dma_wait3A_218] : memref<80x128xi32, #tpu.memory_space<vmem>> -> memref<1x128xi32, #tpu.memory_space<vmem>>
      %dma_wait3A_220 = tpu.memref_squeeze %dma_wait3A_219 : memref<1x128xi32, #tpu.memory_space<vmem>> -> memref<128xi32, #tpu.memory_space<vmem>>
      %dma_wait3A_221 = arith.constant 0 : i32
      %dma_wait3A_222 = arith.constant 0 : i32
      %dma_wait3A_223 = tpu.memref_slice %arg6[%arg0, %dma_wait3A_221, %dma_wait3A_222] : memref<2x10000x16xf32, #tpu.memory_space<hbm>> -> memref<1x10000x16xf32, #tpu.memory_space<hbm>>
      %dma_wait3A_224 = tpu.memref_squeeze %dma_wait3A_223 : memref<1x10000x16xf32, #tpu.memory_space<hbm>> -> memref<10000x16xf32, #tpu.memory_space<hbm>>
      %dma_wait3A_225 = arith.constant 0 : i32
      %dma_wait3A_226 = arith.constant 0 : i32
      %dma_wait3A_227 = tpu.memref_slice %dma_wait3A_224[%dma_wait3A_225, %dma_wait3A_226] : memref<10000x16xf32, #tpu.memory_space<hbm>> -> memref<10000x16xf32, #tpu.memory_space<hbm>>
      tpu.wait_indirect_dma semaphore(%arg14 : memref<!tpu.dma_semaphore, #tpu.memory_space<semaphore_mem>>) src(%dma_wait3A_227 : memref<10000x16xf32, #tpu.memory_space<hbm>>) dst(%dma_wait3A_217 : memref<128x16xf32, #tpu.memory_space<vmem>>)
      %dma_wait3A_228 = arith.constant 3 : i32
      %dma_wait3A_229 = arith.constant 0 : i32
      %dma_wait3A_230 = arith.constant 0 : i32
      %dma_wait3A_231 = tpu.memref_slice %arg10[%dma_wait3A_228, %dma_wait3A_229, %dma_wait3A_230] : memref<8x128x16xf32, #tpu.memory_space<vmem>> -> memref<1x128x16xf32, #tpu.memory_space<vmem>>
      %dma_wait3A_232 = tpu.memref_squeeze %dma_wait3A_231 : memref<1x128x16xf32, #tpu.memory_space<vmem>> -> memref<128x16xf32, #tpu.memory_space<vmem>>
      %dma_wait3A_233 = arith.constant 0 : i32
      %dma_wait3A_234 = tpu.memref_slice %arg8[%add3A_92, %dma_wait3A_233] : memref<80x128xi32, #tpu.memory_space<vmem>> -> memref<1x128xi32, #tpu.memory_space<vmem>>
      %dma_wait3A_235 = tpu.memref_squeeze %dma_wait3A_234 : memref<1x128xi32, #tpu.memory_space<vmem>> -> memref<128xi32, #tpu.memory_space<vmem>>
      %dma_wait3A_236 = arith.constant 0 : i32
      %dma_wait3A_237 = arith.constant 0 : i32
      %dma_wait3A_238 = tpu.memref_slice %arg6[%arg0, %dma_wait3A_236, %dma_wait3A_237] : memref<2x10000x16xf32, #tpu.memory_space<hbm>> -> memref<1x10000x16xf32, #tpu.memory_space<hbm>>
      %dma_wait3A_239 = tpu.memref_squeeze %dma_wait3A_238 : memref<1x10000x16xf32, #tpu.memory_space<hbm>> -> memref<10000x16xf32, #tpu.memory_space<hbm>>
      %dma_wait3A_240 = arith.constant 0 : i32
      %dma_wait3A_241 = arith.constant 0 : i32
      %dma_wait3A_242 = tpu.memref_slice %dma_wait3A_239[%dma_wait3A_240, %dma_wait3A_241] : memref<10000x16xf32, #tpu.memory_space<hbm>> -> memref<10000x16xf32, #tpu.memory_space<hbm>>
      tpu.wait_indirect_dma semaphore(%arg14 : memref<!tpu.dma_semaphore, #tpu.memory_space<semaphore_mem>>) src(%dma_wait3A_242 : memref<10000x16xf32, #tpu.memory_space<hbm>>) dst(%dma_wait3A_232 : memref<128x16xf32, #tpu.memory_space<vmem>>)
      %dma_wait3A_243 = arith.constant 4 : i32
      %dma_wait3A_244 = arith.constant 0 : i32
      %dma_wait3A_245 = arith.constant 0 : i32
      %dma_wait3A_246 = tpu.memref_slice %arg10[%dma_wait3A_243, %dma_wait3A_244, %dma_wait3A_245] : memref<8x128x16xf32, #tpu.memory_space<vmem>> -> memref<1x128x16xf32, #tpu.memory_space<vmem>>
      %dma_wait3A_247 = tpu.memref_squeeze %dma_wait3A_246 : memref<1x128x16xf32, #tpu.memory_space<vmem>> -> memref<128x16xf32, #tpu.memory_space<vmem>>
      %dma_wait3A_248 = arith.constant 0 : i32
      %dma_wait3A_249 = tpu.memref_slice %arg8[%add3A_111, %dma_wait3A_248] : memref<80x128xi32, #tpu.memory_space<vmem>> -> memref<1x128xi32, #tpu.memory_space<vmem>>
      %dma_wait3A_250 = tpu.memref_squeeze %dma_wait3A_249 : memref<1x128xi32, #tpu.memory_space<vmem>> -> memref<128xi32, #tpu.memory_space<vmem>>
      %dma_wait3A_251 = arith.constant 0 : i32
      %dma_wait3A_252 = arith.constant 0 : i32
      %dma_wait3A_253 = tpu.memref_slice %arg6[%arg0, %dma_wait3A_251, %dma_wait3A_252] : memref<2x10000x16xf32, #tpu.memory_space<hbm>> -> memref<1x10000x16xf32, #tpu.memory_space<hbm>>
      %dma_wait3A_254 = tpu.memref_squeeze %dma_wait3A_253 : memref<1x10000x16xf32, #tpu.memory_space<hbm>> -> memref<10000x16xf32, #tpu.memory_space<hbm>>
      %dma_wait3A_255 = arith.constant 0 : i32
      %dma_wait3A_256 = arith.constant 0 : i32
      %dma_wait3A_257 = tpu.memref_slice %dma_wait3A_254[%dma_wait3A_255, %dma_wait3A_256] : memref<10000x16xf32, #tpu.memory_space<hbm>> -> memref<10000x16xf32, #tpu.memory_space<hbm>>
      tpu.wait_indirect_dma semaphore(%arg14 : memref<!tpu.dma_semaphore, #tpu.memory_space<semaphore_mem>>) src(%dma_wait3A_257 : memref<10000x16xf32, #tpu.memory_space<hbm>>) dst(%dma_wait3A_247 : memref<128x16xf32, #tpu.memory_space<vmem>>)
      %dma_wait3A_258 = arith.constant 5 : i32
      %dma_wait3A_259 = arith.constant 0 : i32
      %dma_wait3A_260 = arith.constant 0 : i32
      %dma_wait3A_261 = tpu.memref_slice %arg10[%dma_wait3A_258, %dma_wait3A_259, %dma_wait3A_260] : memref<8x128x16xf32, #tpu.memory_space<vmem>> -> memref<1x128x16xf32, #tpu.memory_space<vmem>>
      %dma_wait3A_262 = tpu.memref_squeeze %dma_wait3A_261 : memref<1x128x16xf32, #tpu.memory_space<vmem>> -> memref<128x16xf32, #tpu.memory_space<vmem>>
      %dma_wait3A_263 = arith.constant 0 : i32
      %dma_wait3A_264 = tpu.memref_slice %arg8[%add3A_130, %dma_wait3A_263] : memref<80x128xi32, #tpu.memory_space<vmem>> -> memref<1x128xi32, #tpu.memory_space<vmem>>
      %dma_wait3A_265 = tpu.memref_squeeze %dma_wait3A_264 : memref<1x128xi32, #tpu.memory_space<vmem>> -> memref<128xi32, #tpu.memory_space<vmem>>
      %dma_wait3A_266 = arith.constant 0 : i32
      %dma_wait3A_267 = arith.constant 0 : i32
      %dma_wait3A_268 = tpu.memref_slice %arg6[%arg0, %dma_wait3A_266, %dma_wait3A_267] : memref<2x10000x16xf32, #tpu.memory_space<hbm>> -> memref<1x10000x16xf32, #tpu.memory_space<hbm>>
      %dma_wait3A_269 = tpu.memref_squeeze %dma_wait3A_268 : memref<1x10000x16xf32, #tpu.memory_space<hbm>> -> memref<10000x16xf32, #tpu.memory_space<hbm>>
      %dma_wait3A_270 = arith.constant 0 : i32
      %dma_wait3A_271 = arith.constant 0 : i32
      %dma_wait3A_272 = tpu.memref_slice %dma_wait3A_269[%dma_wait3A_270, %dma_wait3A_271] : memref<10000x16xf32, #tpu.memory_space<hbm>> -> memref<10000x16xf32, #tpu.memory_space<hbm>>
      tpu.wait_indirect_dma semaphore(%arg14 : memref<!tpu.dma_semaphore, #tpu.memory_space<semaphore_mem>>) src(%dma_wait3A_272 : memref<10000x16xf32, #tpu.memory_space<hbm>>) dst(%dma_wait3A_262 : memref<128x16xf32, #tpu.memory_space<vmem>>)
      %dma_wait3A_273 = arith.constant 6 : i32
      %dma_wait3A_274 = arith.constant 0 : i32
      %dma_wait3A_275 = arith.constant 0 : i32
      %dma_wait3A_276 = tpu.memref_slice %arg10[%dma_wait3A_273, %dma_wait3A_274, %dma_wait3A_275] : memref<8x128x16xf32, #tpu.memory_space<vmem>> -> memref<1x128x16xf32, #tpu.memory_space<vmem>>
      %dma_wait3A_277 = tpu.memref_squeeze %dma_wait3A_276 : memref<1x128x16xf32, #tpu.memory_space<vmem>> -> memref<128x16xf32, #tpu.memory_space<vmem>>
      %dma_wait3A_278 = arith.constant 0 : i32
      %dma_wait3A_279 = tpu.memref_slice %arg8[%add3A_149, %dma_wait3A_278] : memref<80x128xi32, #tpu.memory_space<vmem>> -> memref<1x128xi32, #tpu.memory_space<vmem>>
      %dma_wait3A_280 = tpu.memref_squeeze %dma_wait3A_279 : memref<1x128xi32, #tpu.memory_space<vmem>> -> memref<128xi32, #tpu.memory_space<vmem>>
      %dma_wait3A_281 = arith.constant 0 : i32
      %dma_wait3A_282 = arith.constant 0 : i32
      %dma_wait3A_283 = tpu.memref_slice %arg6[%arg0, %dma_wait3A_281, %dma_wait3A_282] : memref<2x10000x16xf32, #tpu.memory_space<hbm>> -> memref<1x10000x16xf32, #tpu.memory_space<hbm>>
      %dma_wait3A_284 = tpu.memref_squeeze %dma_wait3A_283 : memref<1x10000x16xf32, #tpu.memory_space<hbm>> -> memref<10000x16xf32, #tpu.memory_space<hbm>>
      %dma_wait3A_285 = arith.constant 0 : i32
      %dma_wait3A_286 = arith.constant 0 : i32
      %dma_wait3A_287 = tpu.memref_slice %dma_wait3A_284[%dma_wait3A_285, %dma_wait3A_286] : memref<10000x16xf32, #tpu.memory_space<hbm>> -> memref<10000x16xf32, #tpu.memory_space<hbm>>
      tpu.wait_indirect_dma semaphore(%arg14 : memref<!tpu.dma_semaphore, #tpu.memory_space<semaphore_mem>>) src(%dma_wait3A_287 : memref<10000x16xf32, #tpu.memory_space<hbm>>) dst(%dma_wait3A_277 : memref<128x16xf32, #tpu.memory_space<vmem>>)
      %dma_wait3A_288 = arith.constant 7 : i32
      %dma_wait3A_289 = arith.constant 0 : i32
      %dma_wait3A_290 = arith.constant 0 : i32
      %dma_wait3A_291 = tpu.memref_slice %arg10[%dma_wait3A_288, %dma_wait3A_289, %dma_wait3A_290] : memref<8x128x16xf32, #tpu.memory_space<vmem>> -> memref<1x128x16xf32, #tpu.memory_space<vmem>>
      %dma_wait3A_292 = tpu.memref_squeeze %dma_wait3A_291 : memref<1x128x16xf32, #tpu.memory_space<vmem>> -> memref<128x16xf32, #tpu.memory_space<vmem>>
      %dma_wait3A_293 = arith.constant 0 : i32
      %dma_wait3A_294 = tpu.memref_slice %arg8[%add3A_168, %dma_wait3A_293] : memref<80x128xi32, #tpu.memory_space<vmem>> -> memref<1x128xi32, #tpu.memory_space<vmem>>
      %dma_wait3A_295 = tpu.memref_squeeze %dma_wait3A_294 : memref<1x128xi32, #tpu.memory_space<vmem>> -> memref<128xi32, #tpu.memory_space<vmem>>
      %dma_wait3A_296 = arith.constant 0 : i32
      %dma_wait3A_297 = arith.constant 0 : i32
      %dma_wait3A_298 = tpu.memref_slice %arg6[%arg0, %dma_wait3A_296, %dma_wait3A_297] : memref<2x10000x16xf32, #tpu.memory_space<hbm>> -> memref<1x10000x16xf32, #tpu.memory_space<hbm>>
      %dma_wait3A_299 = tpu.memref_squeeze %dma_wait3A_298 : memref<1x10000x16xf32, #tpu.memory_space<hbm>> -> memref<10000x16xf32, #tpu.memory_space<hbm>>
      %dma_wait3A_300 = arith.constant 0 : i32
      %dma_wait3A_301 = arith.constant 0 : i32
      %dma_wait3A_302 = tpu.memref_slice %dma_wait3A_299[%dma_wait3A_300, %dma_wait3A_301] : memref<10000x16xf32, #tpu.memory_space<hbm>> -> memref<10000x16xf32, #tpu.memory_space<hbm>>
      tpu.wait_indirect_dma semaphore(%arg14 : memref<!tpu.dma_semaphore, #tpu.memory_space<semaphore_mem>>) src(%dma_wait3A_302 : memref<10000x16xf32, #tpu.memory_space<hbm>>) dst(%dma_wait3A_292 : memref<128x16xf32, #tpu.memory_space<vmem>>)
      %mul3A_303 = arith.constant 8 : i32
      %mul3A_304 = arith.muli %scan3A_32, %mul3A_303 : i32
      %add3A_305 = arith.constant 0 : i32
      %add3A_306 = arith.addi %mul3A_304, %add3A_305 : i32
      %dma_start3A_307 = arith.constant 0 : i32
      %dma_start3A_308 = arith.constant 0 : i32
      %dma_start3A_309 = arith.constant 0 : i32
      %dma_start3A_310 = tpu.memref_slice %arg10[%dma_start3A_307, %dma_start3A_308, %dma_start3A_309] : memref<8x128x16xf32, #tpu.memory_space<vmem>> -> memref<1x128x16xf32, #tpu.memory_space<vmem>>
      %dma_start3A_311 = tpu.memref_squeeze %dma_start3A_310 : memref<1x128x16xf32, #tpu.memory_space<vmem>> -> memref<128x16xf32, #tpu.memory_space<vmem>>
      %dma_start3A_312 = arith.constant 0 : i32
      %dma_start3A_313 = tpu.memref_slice %arg9[%add3A_306, %dma_start3A_312] : memref<80x128xi32, #tpu.memory_space<vmem>> -> memref<1x128xi32, #tpu.memory_space<vmem>>
      %dma_start3A_314 = tpu.memref_squeeze %dma_start3A_313 : memref<1x128xi32, #tpu.memory_space<vmem>> -> memref<128xi32, #tpu.memory_space<vmem>>
      %dma_start3A_315 = arith.constant 0 : i32
      %dma_start3A_316 = arith.constant 0 : i32
      %dma_start3A_317 = tpu.memref_slice %arg13[%dma_start3A_315, %dma_start3A_316] : memref<10512x16xf32, #tpu.memory_space<vmem_shared>> -> memref<10512x16xf32, #tpu.memory_space<vmem_shared>>
      tpu.enqueue_indirect_dma source(%dma_start3A_311 : memref<128x16xf32, #tpu.memory_space<vmem>>) target(%dma_start3A_317 : memref<10512x16xf32, #tpu.memory_space<vmem_shared>>) offsets(%dma_start3A_314 : memref<128xi32, #tpu.memory_space<vmem>>) semaphore(%arg15 : memref<!tpu.dma_semaphore, #tpu.memory_space<semaphore_mem>>) {add = true}
      %mul3A_318 = arith.constant 8 : i32
      %mul3A_319 = arith.muli %scan3A_32, %mul3A_318 : i32
      %add3A_320 = arith.constant 1 : i32
      %add3A_321 = arith.addi %mul3A_319, %add3A_320 : i32
      %dma_start3A_322 = arith.constant 1 : i32
      %dma_start3A_323 = arith.constant 0 : i32
      %dma_start3A_324 = arith.constant 0 : i32
      %dma_start3A_325 = tpu.memref_slice %arg10[%dma_start3A_322, %dma_start3A_323, %dma_start3A_324] : memref<8x128x16xf32, #tpu.memory_space<vmem>> -> memref<1x128x16xf32, #tpu.memory_space<vmem>>
      %dma_start3A_326 = tpu.memref_squeeze %dma_start3A_325 : memref<1x128x16xf32, #tpu.memory_space<vmem>> -> memref<128x16xf32, #tpu.memory_space<vmem>>
      %dma_start3A_327 = arith.constant 0 : i32
      %dma_start3A_328 = tpu.memref_slice %arg9[%add3A_321, %dma_start3A_327] : memref<80x128xi32, #tpu.memory_space<vmem>> -> memref<1x128xi32, #tpu.memory_space<vmem>>
      %dma_start3A_329 = tpu.memref_squeeze %dma_start3A_328 : memref<1x128xi32, #tpu.memory_space<vmem>> -> memref<128xi32, #tpu.memory_space<vmem>>
      %dma_start3A_330 = arith.constant 0 : i32
      %dma_start3A_331 = arith.constant 0 : i32
      %dma_start3A_332 = tpu.memref_slice %arg13[%dma_start3A_330, %dma_start3A_331] : memref<10512x16xf32, #tpu.memory_space<vmem_shared>> -> memref<10512x16xf32, #tpu.memory_space<vmem_shared>>
      tpu.enqueue_indirect_dma source(%dma_start3A_326 : memref<128x16xf32, #tpu.memory_space<vmem>>) target(%dma_start3A_332 : memref<10512x16xf32, #tpu.memory_space<vmem_shared>>) offsets(%dma_start3A_329 : memref<128xi32, #tpu.memory_space<vmem>>) semaphore(%arg15 : memref<!tpu.dma_semaphore, #tpu.memory_space<semaphore_mem>>) {add = true}
      %mul3A_333 = arith.constant 8 : i32
      %mul3A_334 = arith.muli %scan3A_32, %mul3A_333 : i32
      %add3A_335 = arith.constant 2 : i32
      %add3A_336 = arith.addi %mul3A_334, %add3A_335 : i32
      %dma_start3A_337 = arith.constant 2 : i32
      %dma_start3A_338 = arith.constant 0 : i32
      %dma_start3A_339 = arith.constant 0 : i32
      %dma_start3A_340 = tpu.memref_slice %arg10[%dma_start3A_337, %dma_start3A_338, %dma_start3A_339] : memref<8x128x16xf32, #tpu.memory_space<vmem>> -> memref<1x128x16xf32, #tpu.memory_space<vmem>>
      %dma_start3A_341 = tpu.memref_squeeze %dma_start3A_340 : memref<1x128x16xf32, #tpu.memory_space<vmem>> -> memref<128x16xf32, #tpu.memory_space<vmem>>
      %dma_start3A_342 = arith.constant 0 : i32
      %dma_start3A_343 = tpu.memref_slice %arg9[%add3A_336, %dma_start3A_342] : memref<80x128xi32, #tpu.memory_space<vmem>> -> memref<1x128xi32, #tpu.memory_space<vmem>>
      %dma_start3A_344 = tpu.memref_squeeze %dma_start3A_343 : memref<1x128xi32, #tpu.memory_space<vmem>> -> memref<128xi32, #tpu.memory_space<vmem>>
      %dma_start3A_345 = arith.constant 0 : i32
      %dma_start3A_346 = arith.constant 0 : i32
      %dma_start3A_347 = tpu.memref_slice %arg13[%dma_start3A_345, %dma_start3A_346] : memref<10512x16xf32, #tpu.memory_space<vmem_shared>> -> memref<10512x16xf32, #tpu.memory_space<vmem_shared>>
      tpu.enqueue_indirect_dma source(%dma_start3A_341 : memref<128x16xf32, #tpu.memory_space<vmem>>) target(%dma_start3A_347 : memref<10512x16xf32, #tpu.memory_space<vmem_shared>>) offsets(%dma_start3A_344 : memref<128xi32, #tpu.memory_space<vmem>>) semaphore(%arg15 : memref<!tpu.dma_semaphore, #tpu.memory_space<semaphore_mem>>) {add = true}
      %mul3A_348 = arith.constant 8 : i32
      %mul3A_349 = arith.muli %scan3A_32, %mul3A_348 : i32
      %add3A_350 = arith.constant 3 : i32
      %add3A_351 = arith.addi %mul3A_349, %add3A_350 : i32
      %dma_start3A_352 = arith.constant 3 : i32
      %dma_start3A_353 = arith.constant 0 : i32
      %dma_start3A_354 = arith.constant 0 : i32
      %dma_start3A_355 = tpu.memref_slice %arg10[%dma_start3A_352, %dma_start3A_353, %dma_start3A_354] : memref<8x128x16xf32, #tpu.memory_space<vmem>> -> memref<1x128x16xf32, #tpu.memory_space<vmem>>
      %dma_start3A_356 = tpu.memref_squeeze %dma_start3A_355 : memref<1x128x16xf32, #tpu.memory_space<vmem>> -> memref<128x16xf32, #tpu.memory_space<vmem>>
      %dma_start3A_357 = arith.constant 0 : i32
      %dma_start3A_358 = tpu.memref_slice %arg9[%add3A_351, %dma_start3A_357] : memref<80x128xi32, #tpu.memory_space<vmem>> -> memref<1x128xi32, #tpu.memory_space<vmem>>
      %dma_start3A_359 = tpu.memref_squeeze %dma_start3A_358 : memref<1x128xi32, #tpu.memory_space<vmem>> -> memref<128xi32, #tpu.memory_space<vmem>>
      %dma_start3A_360 = arith.constant 0 : i32
      %dma_start3A_361 = arith.constant 0 : i32
      %dma_start3A_362 = tpu.memref_slice %arg13[%dma_start3A_360, %dma_start3A_361] : memref<10512x16xf32, #tpu.memory_space<vmem_shared>> -> memref<10512x16xf32, #tpu.memory_space<vmem_shared>>
      tpu.enqueue_indirect_dma source(%dma_start3A_356 : memref<128x16xf32, #tpu.memory_space<vmem>>) target(%dma_start3A_362 : memref<10512x16xf32, #tpu.memory_space<vmem_shared>>) offsets(%dma_start3A_359 : memref<128xi32, #tpu.memory_space<vmem>>) semaphore(%arg15 : memref<!tpu.dma_semaphore, #tpu.memory_space<semaphore_mem>>) {add = true}
      %mul3A_363 = arith.constant 8 : i32
      %mul3A_364 = arith.muli %scan3A_32, %mul3A_363 : i32
      %add3A_365 = arith.constant 4 : i32
      %add3A_366 = arith.addi %mul3A_364, %add3A_365 : i32
      %dma_start3A_367 = arith.constant 4 : i32
      %dma_start3A_368 = arith.constant 0 : i32
      %dma_start3A_369 = arith.constant 0 : i32
      %dma_start3A_370 = tpu.memref_slice %arg10[%dma_start3A_367, %dma_start3A_368, %dma_start3A_369] : memref<8x128x16xf32, #tpu.memory_space<vmem>> -> memref<1x128x16xf32, #tpu.memory_space<vmem>>
      %dma_start3A_371 = tpu.memref_squeeze %dma_start3A_370 : memref<1x128x16xf32, #tpu.memory_space<vmem>> -> memref<128x16xf32, #tpu.memory_space<vmem>>
      %dma_start3A_372 = arith.constant 0 : i32
      %dma_start3A_373 = tpu.memref_slice %arg9[%add3A_366, %dma_start3A_372] : memref<80x128xi32, #tpu.memory_space<vmem>> -> memref<1x128xi32, #tpu.memory_space<vmem>>
      %dma_start3A_374 = tpu.memref_squeeze %dma_start3A_373 : memref<1x128xi32, #tpu.memory_space<vmem>> -> memref<128xi32, #tpu.memory_space<vmem>>
      %dma_start3A_375 = arith.constant 0 : i32
      %dma_start3A_376 = arith.constant 0 : i32
      %dma_start3A_377 = tpu.memref_slice %arg13[%dma_start3A_375, %dma_start3A_376] : memref<10512x16xf32, #tpu.memory_space<vmem_shared>> -> memref<10512x16xf32, #tpu.memory_space<vmem_shared>>
      tpu.enqueue_indirect_dma source(%dma_start3A_371 : memref<128x16xf32, #tpu.memory_space<vmem>>) target(%dma_start3A_377 : memref<10512x16xf32, #tpu.memory_space<vmem_shared>>) offsets(%dma_start3A_374 : memref<128xi32, #tpu.memory_space<vmem>>) semaphore(%arg15 : memref<!tpu.dma_semaphore, #tpu.memory_space<semaphore_mem>>) {add = true}
      %mul3A_378 = arith.constant 8 : i32
      %mul3A_379 = arith.muli %scan3A_32, %mul3A_378 : i32
      %add3A_380 = arith.constant 5 : i32
      %add3A_381 = arith.addi %mul3A_379, %add3A_380 : i32
      %dma_start3A_382 = arith.constant 5 : i32
      %dma_start3A_383 = arith.constant 0 : i32
      %dma_start3A_384 = arith.constant 0 : i32
      %dma_start3A_385 = tpu.memref_slice %arg10[%dma_start3A_382, %dma_start3A_383, %dma_start3A_384] : memref<8x128x16xf32, #tpu.memory_space<vmem>> -> memref<1x128x16xf32, #tpu.memory_space<vmem>>
      %dma_start3A_386 = tpu.memref_squeeze %dma_start3A_385 : memref<1x128x16xf32, #tpu.memory_space<vmem>> -> memref<128x16xf32, #tpu.memory_space<vmem>>
      %dma_start3A_387 = arith.constant 0 : i32
      %dma_start3A_388 = tpu.memref_slice %arg9[%add3A_381, %dma_start3A_387] : memref<80x128xi32, #tpu.memory_space<vmem>> -> memref<1x128xi32, #tpu.memory_space<vmem>>
      %dma_start3A_389 = tpu.memref_squeeze %dma_start3A_388 : memref<1x128xi32, #tpu.memory_space<vmem>> -> memref<128xi32, #tpu.memory_space<vmem>>
      %dma_start3A_390 = arith.constant 0 : i32
      %dma_start3A_391 = arith.constant 0 : i32
      %dma_start3A_392 = tpu.memref_slice %arg13[%dma_start3A_390, %dma_start3A_391] : memref<10512x16xf32, #tpu.memory_space<vmem_shared>> -> memref<10512x16xf32, #tpu.memory_space<vmem_shared>>
      tpu.enqueue_indirect_dma source(%dma_start3A_386 : memref<128x16xf32, #tpu.memory_space<vmem>>) target(%dma_start3A_392 : memref<10512x16xf32, #tpu.memory_space<vmem_shared>>) offsets(%dma_start3A_389 : memref<128xi32, #tpu.memory_space<vmem>>) semaphore(%arg15 : memref<!tpu.dma_semaphore, #tpu.memory_space<semaphore_mem>>) {add = true}
      %mul3A_393 = arith.constant 8 : i32
      %mul3A_394 = arith.muli %scan3A_32, %mul3A_393 : i32
      %add3A_395 = arith.constant 6 : i32
      %add3A_396 = arith.addi %mul3A_394, %add3A_395 : i32
      %dma_start3A_397 = arith.constant 6 : i32
      %dma_start3A_398 = arith.constant 0 : i32
      %dma_start3A_399 = arith.constant 0 : i32
      %dma_start3A_400 = tpu.memref_slice %arg10[%dma_start3A_397, %dma_start3A_398, %dma_start3A_399] : memref<8x128x16xf32, #tpu.memory_space<vmem>> -> memref<1x128x16xf32, #tpu.memory_space<vmem>>
      %dma_start3A_401 = tpu.memref_squeeze %dma_start3A_400 : memref<1x128x16xf32, #tpu.memory_space<vmem>> -> memref<128x16xf32, #tpu.memory_space<vmem>>
      %dma_start3A_402 = arith.constant 0 : i32
      %dma_start3A_403 = tpu.memref_slice %arg9[%add3A_396, %dma_start3A_402] : memref<80x128xi32, #tpu.memory_space<vmem>> -> memref<1x128xi32, #tpu.memory_space<vmem>>
      %dma_start3A_404 = tpu.memref_squeeze %dma_start3A_403 : memref<1x128xi32, #tpu.memory_space<vmem>> -> memref<128xi32, #tpu.memory_space<vmem>>
      %dma_start3A_405 = arith.constant 0 : i32
      %dma_start3A_406 = arith.constant 0 : i32
      %dma_start3A_407 = tpu.memref_slice %arg13[%dma_start3A_405, %dma_start3A_406] : memref<10512x16xf32, #tpu.memory_space<vmem_shared>> -> memref<10512x16xf32, #tpu.memory_space<vmem_shared>>
      tpu.enqueue_indirect_dma source(%dma_start3A_401 : memref<128x16xf32, #tpu.memory_space<vmem>>) target(%dma_start3A_407 : memref<10512x16xf32, #tpu.memory_space<vmem_shared>>) offsets(%dma_start3A_404 : memref<128xi32, #tpu.memory_space<vmem>>) semaphore(%arg15 : memref<!tpu.dma_semaphore, #tpu.memory_space<semaphore_mem>>) {add = true}
      %mul3A_408 = arith.constant 8 : i32
      %mul3A_409 = arith.muli %scan3A_32, %mul3A_408 : i32
      %add3A_410 = arith.constant 7 : i32
      %add3A_411 = arith.addi %mul3A_409, %add3A_410 : i32
      %dma_start3A_412 = arith.constant 7 : i32
      %dma_start3A_413 = arith.constant 0 : i32
      %dma_start3A_414 = arith.constant 0 : i32
      %dma_start3A_415 = tpu.memref_slice %arg10[%dma_start3A_412, %dma_start3A_413, %dma_start3A_414] : memref<8x128x16xf32, #tpu.memory_space<vmem>> -> memref<1x128x16xf32, #tpu.memory_space<vmem>>
      %dma_start3A_416 = tpu.memref_squeeze %dma_start3A_415 : memref<1x128x16xf32, #tpu.memory_space<vmem>> -> memref<128x16xf32, #tpu.memory_space<vmem>>
      %dma_start3A_417 = arith.constant 0 : i32
      %dma_start3A_418 = tpu.memref_slice %arg9[%add3A_411, %dma_start3A_417] : memref<80x128xi32, #tpu.memory_space<vmem>> -> memref<1x128xi32, #tpu.memory_space<vmem>>
      %dma_start3A_419 = tpu.memref_squeeze %dma_start3A_418 : memref<1x128xi32, #tpu.memory_space<vmem>> -> memref<128xi32, #tpu.memory_space<vmem>>
      %dma_start3A_420 = arith.constant 0 : i32
      %dma_start3A_421 = arith.constant 0 : i32
      %dma_start3A_422 = tpu.memref_slice %arg13[%dma_start3A_420, %dma_start3A_421] : memref<10512x16xf32, #tpu.memory_space<vmem_shared>> -> memref<10512x16xf32, #tpu.memory_space<vmem_shared>>
      tpu.enqueue_indirect_dma source(%dma_start3A_416 : memref<128x16xf32, #tpu.memory_space<vmem>>) target(%dma_start3A_422 : memref<10512x16xf32, #tpu.memory_space<vmem_shared>>) offsets(%dma_start3A_419 : memref<128xi32, #tpu.memory_space<vmem>>) semaphore(%arg15 : memref<!tpu.dma_semaphore, #tpu.memory_space<semaphore_mem>>) {add = true}
      %dma_wait3A_423 = arith.constant 0 : i32
      %dma_wait3A_424 = arith.constant 0 : i32
      %dma_wait3A_425 = arith.constant 0 : i32
      %dma_wait3A_426 = tpu.memref_slice %arg10[%dma_wait3A_423, %dma_wait3A_424, %dma_wait3A_425] : memref<8x128x16xf32, #tpu.memory_space<vmem>> -> memref<1x128x16xf32, #tpu.memory_space<vmem>>
      %dma_wait3A_427 = tpu.memref_squeeze %dma_wait3A_426 : memref<1x128x16xf32, #tpu.memory_space<vmem>> -> memref<128x16xf32, #tpu.memory_space<vmem>>
      %dma_wait3A_428 = arith.constant 0 : i32
      %dma_wait3A_429 = tpu.memref_slice %arg9[%add3A_306, %dma_wait3A_428] : memref<80x128xi32, #tpu.memory_space<vmem>> -> memref<1x128xi32, #tpu.memory_space<vmem>>
      %dma_wait3A_430 = tpu.memref_squeeze %dma_wait3A_429 : memref<1x128xi32, #tpu.memory_space<vmem>> -> memref<128xi32, #tpu.memory_space<vmem>>
      %dma_wait3A_431 = arith.constant 0 : i32
      %dma_wait3A_432 = arith.constant 0 : i32
      %dma_wait3A_433 = tpu.memref_slice %arg13[%dma_wait3A_431, %dma_wait3A_432] : memref<10512x16xf32, #tpu.memory_space<vmem_shared>> -> memref<10512x16xf32, #tpu.memory_space<vmem_shared>>
      tpu.wait_indirect_dma semaphore(%arg15 : memref<!tpu.dma_semaphore, #tpu.memory_space<semaphore_mem>>) src(%dma_wait3A_427 : memref<128x16xf32, #tpu.memory_space<vmem>>) dst(%dma_wait3A_433 : memref<10512x16xf32, #tpu.memory_space<vmem_shared>>)
      %dma_wait3A_434 = arith.constant 1 : i32
      %dma_wait3A_435 = arith.constant 0 : i32
      %dma_wait3A_436 = arith.constant 0 : i32
      %dma_wait3A_437 = tpu.memref_slice %arg10[%dma_wait3A_434, %dma_wait3A_435, %dma_wait3A_436] : memref<8x128x16xf32, #tpu.memory_space<vmem>> -> memref<1x128x16xf32, #tpu.memory_space<vmem>>
      %dma_wait3A_438 = tpu.memref_squeeze %dma_wait3A_437 : memref<1x128x16xf32, #tpu.memory_space<vmem>> -> memref<128x16xf32, #tpu.memory_space<vmem>>
      %dma_wait3A_439 = arith.constant 0 : i32
      %dma_wait3A_440 = tpu.memref_slice %arg9[%add3A_321, %dma_wait3A_439] : memref<80x128xi32, #tpu.memory_space<vmem>> -> memref<1x128xi32, #tpu.memory_space<vmem>>
      %dma_wait3A_441 = tpu.memref_squeeze %dma_wait3A_440 : memref<1x128xi32, #tpu.memory_space<vmem>> -> memref<128xi32, #tpu.memory_space<vmem>>
      %dma_wait3A_442 = arith.constant 0 : i32
      %dma_wait3A_443 = arith.constant 0 : i32
      %dma_wait3A_444 = tpu.memref_slice %arg13[%dma_wait3A_442, %dma_wait3A_443] : memref<10512x16xf32, #tpu.memory_space<vmem_shared>> -> memref<10512x16xf32, #tpu.memory_space<vmem_shared>>
      tpu.wait_indirect_dma semaphore(%arg15 : memref<!tpu.dma_semaphore, #tpu.memory_space<semaphore_mem>>) src(%dma_wait3A_438 : memref<128x16xf32, #tpu.memory_space<vmem>>) dst(%dma_wait3A_444 : memref<10512x16xf32, #tpu.memory_space<vmem_shared>>)
      %dma_wait3A_445 = arith.constant 2 : i32
      %dma_wait3A_446 = arith.constant 0 : i32
      %dma_wait3A_447 = arith.constant 0 : i32
      %dma_wait3A_448 = tpu.memref_slice %arg10[%dma_wait3A_445, %dma_wait3A_446, %dma_wait3A_447] : memref<8x128x16xf32, #tpu.memory_space<vmem>> -> memref<1x128x16xf32, #tpu.memory_space<vmem>>
      %dma_wait3A_449 = tpu.memref_squeeze %dma_wait3A_448 : memref<1x128x16xf32, #tpu.memory_space<vmem>> -> memref<128x16xf32, #tpu.memory_space<vmem>>
      %dma_wait3A_450 = arith.constant 0 : i32
      %dma_wait3A_451 = tpu.memref_slice %arg9[%add3A_336, %dma_wait3A_450] : memref<80x128xi32, #tpu.memory_space<vmem>> -> memref<1x128xi32, #tpu.memory_space<vmem>>
      %dma_wait3A_452 = tpu.memref_squeeze %dma_wait3A_451 : memref<1x128xi32, #tpu.memory_space<vmem>> -> memref<128xi32, #tpu.memory_space<vmem>>
      %dma_wait3A_453 = arith.constant 0 : i32
      %dma_wait3A_454 = arith.constant 0 : i32
      %dma_wait3A_455 = tpu.memref_slice %arg13[%dma_wait3A_453, %dma_wait3A_454] : memref<10512x16xf32, #tpu.memory_space<vmem_shared>> -> memref<10512x16xf32, #tpu.memory_space<vmem_shared>>
      tpu.wait_indirect_dma semaphore(%arg15 : memref<!tpu.dma_semaphore, #tpu.memory_space<semaphore_mem>>) src(%dma_wait3A_449 : memref<128x16xf32, #tpu.memory_space<vmem>>) dst(%dma_wait3A_455 : memref<10512x16xf32, #tpu.memory_space<vmem_shared>>)
      %dma_wait3A_456 = arith.constant 3 : i32
      %dma_wait3A_457 = arith.constant 0 : i32
      %dma_wait3A_458 = arith.constant 0 : i32
      %dma_wait3A_459 = tpu.memref_slice %arg10[%dma_wait3A_456, %dma_wait3A_457, %dma_wait3A_458] : memref<8x128x16xf32, #tpu.memory_space<vmem>> -> memref<1x128x16xf32, #tpu.memory_space<vmem>>
      %dma_wait3A_460 = tpu.memref_squeeze %dma_wait3A_459 : memref<1x128x16xf32, #tpu.memory_space<vmem>> -> memref<128x16xf32, #tpu.memory_space<vmem>>
      %dma_wait3A_461 = arith.constant 0 : i32
      %dma_wait3A_462 = tpu.memref_slice %arg9[%add3A_351, %dma_wait3A_461] : memref<80x128xi32, #tpu.memory_space<vmem>> -> memref<1x128xi32, #tpu.memory_space<vmem>>
      %dma_wait3A_463 = tpu.memref_squeeze %dma_wait3A_462 : memref<1x128xi32, #tpu.memory_space<vmem>> -> memref<128xi32, #tpu.memory_space<vmem>>
      %dma_wait3A_464 = arith.constant 0 : i32
      %dma_wait3A_465 = arith.constant 0 : i32
      %dma_wait3A_466 = tpu.memref_slice %arg13[%dma_wait3A_464, %dma_wait3A_465] : memref<10512x16xf32, #tpu.memory_space<vmem_shared>> -> memref<10512x16xf32, #tpu.memory_space<vmem_shared>>
      tpu.wait_indirect_dma semaphore(%arg15 : memref<!tpu.dma_semaphore, #tpu.memory_space<semaphore_mem>>) src(%dma_wait3A_460 : memref<128x16xf32, #tpu.memory_space<vmem>>) dst(%dma_wait3A_466 : memref<10512x16xf32, #tpu.memory_space<vmem_shared>>)
      %dma_wait3A_467 = arith.constant 4 : i32
      %dma_wait3A_468 = arith.constant 0 : i32
      %dma_wait3A_469 = arith.constant 0 : i32
      %dma_wait3A_470 = tpu.memref_slice %arg10[%dma_wait3A_467, %dma_wait3A_468, %dma_wait3A_469] : memref<8x128x16xf32, #tpu.memory_space<vmem>> -> memref<1x128x16xf32, #tpu.memory_space<vmem>>
      %dma_wait3A_471 = tpu.memref_squeeze %dma_wait3A_470 : memref<1x128x16xf32, #tpu.memory_space<vmem>> -> memref<128x16xf32, #tpu.memory_space<vmem>>
      %dma_wait3A_472 = arith.constant 0 : i32
      %dma_wait3A_473 = tpu.memref_slice %arg9[%add3A_366, %dma_wait3A_472] : memref<80x128xi32, #tpu.memory_space<vmem>> -> memref<1x128xi32, #tpu.memory_space<vmem>>
      %dma_wait3A_474 = tpu.memref_squeeze %dma_wait3A_473 : memref<1x128xi32, #tpu.memory_space<vmem>> -> memref<128xi32, #tpu.memory_space<vmem>>
      %dma_wait3A_475 = arith.constant 0 : i32
      %dma_wait3A_476 = arith.constant 0 : i32
      %dma_wait3A_477 = tpu.memref_slice %arg13[%dma_wait3A_475, %dma_wait3A_476] : memref<10512x16xf32, #tpu.memory_space<vmem_shared>> -> memref<10512x16xf32, #tpu.memory_space<vmem_shared>>
      tpu.wait_indirect_dma semaphore(%arg15 : memref<!tpu.dma_semaphore, #tpu.memory_space<semaphore_mem>>) src(%dma_wait3A_471 : memref<128x16xf32, #tpu.memory_space<vmem>>) dst(%dma_wait3A_477 : memref<10512x16xf32, #tpu.memory_space<vmem_shared>>)
      %dma_wait3A_478 = arith.constant 5 : i32
      %dma_wait3A_479 = arith.constant 0 : i32
      %dma_wait3A_480 = arith.constant 0 : i32
      %dma_wait3A_481 = tpu.memref_slice %arg10[%dma_wait3A_478, %dma_wait3A_479, %dma_wait3A_480] : memref<8x128x16xf32, #tpu.memory_space<vmem>> -> memref<1x128x16xf32, #tpu.memory_space<vmem>>
      %dma_wait3A_482 = tpu.memref_squeeze %dma_wait3A_481 : memref<1x128x16xf32, #tpu.memory_space<vmem>> -> memref<128x16xf32, #tpu.memory_space<vmem>>
      %dma_wait3A_483 = arith.constant 0 : i32
      %dma_wait3A_484 = tpu.memref_slice %arg9[%add3A_381, %dma_wait3A_483] : memref<80x128xi32, #tpu.memory_space<vmem>> -> memref<1x128xi32, #tpu.memory_space<vmem>>
      %dma_wait3A_485 = tpu.memref_squeeze %dma_wait3A_484 : memref<1x128xi32, #tpu.memory_space<vmem>> -> memref<128xi32, #tpu.memory_space<vmem>>
      %dma_wait3A_486 = arith.constant 0 : i32
      %dma_wait3A_487 = arith.constant 0 : i32
      %dma_wait3A_488 = tpu.memref_slice %arg13[%dma_wait3A_486, %dma_wait3A_487] : memref<10512x16xf32, #tpu.memory_space<vmem_shared>> -> memref<10512x16xf32, #tpu.memory_space<vmem_shared>>
      tpu.wait_indirect_dma semaphore(%arg15 : memref<!tpu.dma_semaphore, #tpu.memory_space<semaphore_mem>>) src(%dma_wait3A_482 : memref<128x16xf32, #tpu.memory_space<vmem>>) dst(%dma_wait3A_488 : memref<10512x16xf32, #tpu.memory_space<vmem_shared>>)
      %dma_wait3A_489 = arith.constant 6 : i32
      %dma_wait3A_490 = arith.constant 0 : i32
      %dma_wait3A_491 = arith.constant 0 : i32
      %dma_wait3A_492 = tpu.memref_slice %arg10[%dma_wait3A_489, %dma_wait3A_490, %dma_wait3A_491] : memref<8x128x16xf32, #tpu.memory_space<vmem>> -> memref<1x128x16xf32, #tpu.memory_space<vmem>>
      %dma_wait3A_493 = tpu.memref_squeeze %dma_wait3A_492 : memref<1x128x16xf32, #tpu.memory_space<vmem>> -> memref<128x16xf32, #tpu.memory_space<vmem>>
      %dma_wait3A_494 = arith.constant 0 : i32
      %dma_wait3A_495 = tpu.memref_slice %arg9[%add3A_396, %dma_wait3A_494] : memref<80x128xi32, #tpu.memory_space<vmem>> -> memref<1x128xi32, #tpu.memory_space<vmem>>
      %dma_wait3A_496 = tpu.memref_squeeze %dma_wait3A_495 : memref<1x128xi32, #tpu.memory_space<vmem>> -> memref<128xi32, #tpu.memory_space<vmem>>
      %dma_wait3A_497 = arith.constant 0 : i32
      %dma_wait3A_498 = arith.constant 0 : i32
      %dma_wait3A_499 = tpu.memref_slice %arg13[%dma_wait3A_497, %dma_wait3A_498] : memref<10512x16xf32, #tpu.memory_space<vmem_shared>> -> memref<10512x16xf32, #tpu.memory_space<vmem_shared>>
      tpu.wait_indirect_dma semaphore(%arg15 : memref<!tpu.dma_semaphore, #tpu.memory_space<semaphore_mem>>) src(%dma_wait3A_493 : memref<128x16xf32, #tpu.memory_space<vmem>>) dst(%dma_wait3A_499 : memref<10512x16xf32, #tpu.memory_space<vmem_shared>>)
      %dma_wait3A_500 = arith.constant 7 : i32
      %dma_wait3A_501 = arith.constant 0 : i32
      %dma_wait3A_502 = arith.constant 0 : i32
      %dma_wait3A_503 = tpu.memref_slice %arg10[%dma_wait3A_500, %dma_wait3A_501, %dma_wait3A_502] : memref<8x128x16xf32, #tpu.memory_space<vmem>> -> memref<1x128x16xf32, #tpu.memory_space<vmem>>
      %dma_wait3A_504 = tpu.memref_squeeze %dma_wait3A_503 : memref<1x128x16xf32, #tpu.memory_space<vmem>> -> memref<128x16xf32, #tpu.memory_space<vmem>>
      %dma_wait3A_505 = arith.constant 0 : i32
      %dma_wait3A_506 = tpu.memref_slice %arg9[%add3A_411, %dma_wait3A_505] : memref<80x128xi32, #tpu.memory_space<vmem>> -> memref<1x128xi32, #tpu.memory_space<vmem>>
      %dma_wait3A_507 = tpu.memref_squeeze %dma_wait3A_506 : memref<1x128xi32, #tpu.memory_space<vmem>> -> memref<128xi32, #tpu.memory_space<vmem>>
      %dma_wait3A_508 = arith.constant 0 : i32
      %dma_wait3A_509 = arith.constant 0 : i32
      %dma_wait3A_510 = tpu.memref_slice %arg13[%dma_wait3A_508, %dma_wait3A_509] : memref<10512x16xf32, #tpu.memory_space<vmem_shared>> -> memref<10512x16xf32, #tpu.memory_space<vmem_shared>>
      tpu.wait_indirect_dma semaphore(%arg15 : memref<!tpu.dma_semaphore, #tpu.memory_space<semaphore_mem>>) src(%dma_wait3A_504 : memref<128x16xf32, #tpu.memory_space<vmem>>) dst(%dma_wait3A_510 : memref<10512x16xf32, #tpu.memory_space<vmem_shared>>)
    }
    %scan3A_24 = arith.constant 10 : i32
    %barrier3A_25 = arith.constant 0 : index
    tpu.barrier barrier_id(%barrier3A_25)
    %scan3A_26 = arith.constant 0 : i32
    %scan3A_27 = arith.constant 0 : i32
    %scan3A_28 = arith.constant 8 : i32
    %scan3A_29 = arith.addi %scan3A_27, %scan3A_28 : i32
    %scan3A_30 = arith.constant 1 : i32
    scf.for %scan3A_32 = %scan3A_27 to %scan3A_29 step %scan3A_30  : i32 {
      %mul3A_33 = arith.constant 16 : i32
      %mul3A_34 = arith.muli %scan3A_32, %mul3A_33 : i32
      %add3A_35 = arith.addi %arg1, %mul3A_34 : i32
      %lt3A = arith.constant 125 : i32
      %lt3A_36 = arith.cmpi slt, %add3A_35, %lt3A : i32
      %convert_element_type3A = arith.extui %lt3A_36 : i1 to i32
      %cond3A = arith.constant 0 : i32
      %cond3A_37 = arith.cmpi ne, %convert_element_type3A, %cond3A : i32
      scf.if %cond3A_37 {
        %mul3A_38 = arith.constant 80 : i32
        %mul3A_39 = arith.muli %add3A_35, %mul3A_38 : i32
        %mul3A_40 = arith.constant 80 : i32
        %mul3A_41 = arith.muli %add3A_35, %mul3A_40 : i32
        "tpu.region"() ({
          %run_scoped3A = tpu.sem_alloc : memref<!tpu.dma_semaphore, #tpu.memory_space<semaphore_mem>>
          %dma_start3A = arith.constant 0 : i32
          %dma_start3A_42 = arith.constant 0 : i32
          %dma_start3A_43 = tpu.memref_slice %arg7[%arg0, %dma_start3A, %dma_start3A_42] : memref<2x10000x16xf32, #tpu.memory_space<hbm>> -> memref<1x10000x16xf32, #tpu.memory_space<hbm>>
          %dma_start3A_44 = tpu.memref_squeeze %dma_start3A_43 : memref<1x10000x16xf32, #tpu.memory_space<hbm>> -> memref<10000x16xf32, #tpu.memory_space<hbm>>
          %dma_start3A_45 = arith.constant 0 : i32
          %dma_start3A_46 = tpu.memref_slice %dma_start3A_44[%mul3A_41, %dma_start3A_45] : memref<10000x16xf32, #tpu.memory_space<hbm>> -> memref<80x16xf32, #tpu.memory_space<hbm>>
          %dma_start3A_47 = arith.constant 0 : i32
          %dma_start3A_48 = tpu.memref_slice %arg13[%mul3A_39, %dma_start3A_47] : memref<10512x16xf32, #tpu.memory_space<vmem_shared>> -> memref<80x16xf32, #tpu.memory_space<vmem_shared>>
          tpu.enqueue_dma source(%dma_start3A_48 : memref<80x16xf32, #tpu.memory_space<vmem_shared>>) target(%dma_start3A_46 : memref<80x16xf32, #tpu.memory_space<hbm>>) target_semaphore(%run_scoped3A : memref<!tpu.dma_semaphore, #tpu.memory_space<semaphore_mem>>)
          %dma_wait3A = arith.constant 0 : i32
          %dma_wait3A_49 = arith.constant 0 : i32
          %dma_wait3A_50 = tpu.memref_slice %arg7[%arg0, %dma_wait3A, %dma_wait3A_49] : memref<2x10000x16xf32, #tpu.memory_space<hbm>> -> memref<1x10000x16xf32, #tpu.memory_space<hbm>>
          %dma_wait3A_51 = tpu.memref_squeeze %dma_wait3A_50 : memref<1x10000x16xf32, #tpu.memory_space<hbm>> -> memref<10000x16xf32, #tpu.memory_space<hbm>>
          %dma_wait3A_52 = arith.constant 0 : i32
          %dma_wait3A_53 = tpu.memref_slice %dma_wait3A_51[%mul3A_41, %dma_wait3A_52] : memref<10000x16xf32, #tpu.memory_space<hbm>> -> memref<80x16xf32, #tpu.memory_space<hbm>>
          %dma_wait3A_54 = arith.constant 0 : i32
          %dma_wait3A_55 = tpu.memref_slice %arg13[%mul3A_39, %dma_wait3A_54] : memref<10512x16xf32, #tpu.memory_space<vmem_shared>> -> memref<80x16xf32, #tpu.memory_space<vmem_shared>>
          tpu.wait_dma2 semaphore(%run_scoped3A : memref<!tpu.dma_semaphore, #tpu.memory_space<semaphore_mem>>) src(%dma_wait3A_55 : memref<80x16xf32, #tpu.memory_space<vmem_shared>>) dst(%dma_wait3A_53 : memref<80x16xf32, #tpu.memory_space<hbm>>)
          tpu.yield
        }) : () -> ()
      } else {
      }
    }
    %scan3A_31 = arith.constant 8 : i32
    return
  }
}

module attributes {stable_mosaic.version = 14 : i64} {
  func.func @body(%arg0: i32, %arg1: memref<1000x128xf32, #tpu.memory_space<vmem>>, %arg2: memref<2x1000x128xf32, #tpu.memory_space<vmem>>, %arg3: memref<1x1xf32, #tpu.memory_space<vmem>>, %arg4: memref<128x16xf32, #tpu.memory_space<vmem>>, %arg5: memref<1x16xf32, #tpu.memory_space<vmem>>, %arg6: memref<16x16xf32, #tpu.memory_space<vmem>>, %arg7: memref<1x16xf32, #tpu.memory_space<vmem>>, %arg8: memref<1x16xf32, #tpu.memory_space<vmem>>, %arg9: memref<1x16xf32, #tpu.memory_space<vmem>>, %arg10: memref<1000x16xf32, #tpu.memory_space<vmem>>, %arg11: memref<2x16xf32, #tpu.memory_space<vmem>>, %arg12: memref<2x16xf32, #tpu.memory_space<vmem>>) attributes {dimension_semantics = [#tpu.dimension_semantics<arbitrary>], iteration_bounds = array<i64: 10>, scalar_prefetch = 0 : i64, scratch_operands = 1 : i64, tpu.core_type = #tpu.core_type<tc>, window_params = [{transform_indices = @transform_0, window_bounds = array<i64: 1000, 128>}, {transform_indices = @transform_1, window_bounds = array<i64: 2, 1000, 128>}, {pipeline_mode = #tpu.pipeline_mode<synchronous>, transform_indices = @transform_2, window_bounds = array<i64: 1, 1>}, {pipeline_mode = #tpu.pipeline_mode<synchronous>, transform_indices = @transform_3, window_bounds = array<i64: 128, 16>}, {pipeline_mode = #tpu.pipeline_mode<synchronous>, transform_indices = @transform_4, window_bounds = array<i64: 1, 16>}, {pipeline_mode = #tpu.pipeline_mode<synchronous>, transform_indices = @transform_5, window_bounds = array<i64: 16, 16>}, {pipeline_mode = #tpu.pipeline_mode<synchronous>, transform_indices = @transform_6, window_bounds = array<i64: 1, 16>}, {pipeline_mode = #tpu.pipeline_mode<synchronous>, transform_indices = @transform_7, window_bounds = array<i64: 1, 16>}, {pipeline_mode = #tpu.pipeline_mode<synchronous>, transform_indices = @transform_8, window_bounds = array<i64: 1, 16>}, {transform_indices = @transform_9, window_bounds = array<i64: 1000, 16>}, {pipeline_mode = #tpu.pipeline_mode<synchronous>, transform_indices = @transform_10, window_bounds = array<i64: 2, 16>}]} {
    %get3A = arith.constant 0 : index
    %get3A_0 = arith.constant 0 : index
    %get3A_1 = vector.load %arg3[%get3A, %get3A_0] : memref<1x1xf32, #tpu.memory_space<vmem>>, vector<1x1xf32>
    %get3A_2 = vector.extract %get3A_1[0, 0] : f32 from vector<1x1xf32>
    %add3A = arith.constant 1.000000e+00 : f32
    %add3A_3 = arith.addf %add3A, %get3A_2 : f32
    %get3A_4 = arith.constant 0 : index
    %get3A_5 = arith.constant 0 : index
    %get3A_6 = vector.load %arg1[%get3A_4, %get3A_5] : memref<1000x128xf32, #tpu.memory_space<vmem>>, vector<1000x128xf32>
    %mul3A = vector.broadcast %add3A_3 : f32 to vector<1000x128xf32>
    %mul3A_7 = arith.mulf %mul3A, %get3A_6 : vector<1000x128xf32>
    %get3A_8 = arith.constant 0 : index
    %get3A_9 = arith.constant 0 : index
    %get3A_10 = arith.constant 0 : index
    %get3A_11 = vector.load %arg2[%get3A_8, %get3A_9, %get3A_10] : memref<2x1000x128xf32, #tpu.memory_space<vmem>>, vector<2x1000x128xf32>
    %reduce_sum3A = arith.constant dense<0.000000e+00> : vector<1000x128xf32>
    %reduce_sum3A_12 = vector.multi_reduction <add>, %get3A_11, %reduce_sum3A [0] : vector<2x1000x128xf32> to vector<1000x128xf32>
    %add3A_13 = arith.addf %mul3A_7, %reduce_sum3A_12 : vector<1000x128xf32>
    %get3A_14 = arith.constant 0 : index
    %get3A_15 = arith.constant 0 : index
    %get3A_16 = vector.load %arg4[%get3A_14, %get3A_15] : memref<128x16xf32, #tpu.memory_space<vmem>>, vector<128x16xf32>
    %dot_general3A = arith.constant dense<0.000000e+00> : vector<1000x16xf32>
    %dot_general3A_17 = tpu.matmul %add3A_13, %get3A_16, %dot_general3A {dimension_numbers = #tpu.dot_dimension_numbers<[1], [0], [0], [1], [0, 0, 1, 1], [], []>, transpose_lhs_hint = false} : vector<1000x128xf32>, vector<128x16xf32>, vector<1000x16xf32> -> vector<1000x16xf32>
    %get3A_18 = arith.constant 0 : index
    %get3A_19 = arith.constant 0 : index
    %get3A_20 = vector.load %arg5[%get3A_18, %get3A_19] : memref<1x16xf32, #tpu.memory_space<vmem>>, vector<1x16xf32>
    %add3A_21 = vector.broadcast %get3A_20 : vector<1x16xf32> to vector<1000x16xf32>
    %add3A_22 = arith.addf %dot_general3A_17, %add3A_21 : vector<1000x16xf32>
    %max3A = arith.constant 0.000000e+00 : f32
    %max3A_23 = vector.broadcast %max3A : f32 to vector<1000x16xf32>
    %max3A_24 = arith.maximumf %add3A_22, %max3A_23 : vector<1000x16xf32>
    %get3A_25 = arith.constant 0 : index
    %get3A_26 = arith.constant 0 : index
    %get3A_27 = vector.load %arg6[%get3A_25, %get3A_26] : memref<16x16xf32, #tpu.memory_space<vmem>>, vector<16x16xf32>
    %dot_general3A_28 = arith.constant dense<0.000000e+00> : vector<1000x16xf32>
    %dot_general3A_29 = tpu.matmul %max3A_24, %get3A_27, %dot_general3A_28 {dimension_numbers = #tpu.dot_dimension_numbers<[1], [0], [0], [1], [0, 0, 1, 1], [], []>, transpose_lhs_hint = false} : vector<1000x16xf32>, vector<16x16xf32>, vector<1000x16xf32> -> vector<1000x16xf32>
    %get3A_30 = arith.constant 0 : index
    %get3A_31 = arith.constant 0 : index
    %get3A_32 = vector.load %arg7[%get3A_30, %get3A_31] : memref<1x16xf32, #tpu.memory_space<vmem>>, vector<1x16xf32>
    %add3A_33 = vector.broadcast %get3A_32 : vector<1x16xf32> to vector<1000x16xf32>
    %add3A_34 = arith.addf %dot_general3A_29, %add3A_33 : vector<1000x16xf32>
    %swap3A = arith.constant 0 : index
    %swap3A_35 = arith.constant 0 : index
    %swap3A_36 = vector.load %arg10[%swap3A, %swap3A_35] : memref<1000x16xf32, #tpu.memory_space<vmem>>, vector<1000x16xf32>
    tpu.vector_store %arg10[%swap3A, %swap3A_35], %add3A_34 {strides = array<i32>} : memref<1000x16xf32, #tpu.memory_space<vmem>>, vector<1000x16xf32>,
    %reduce_sum3A_37 = arith.constant dense<0.000000e+00> : vector<16xf32>
    %reduce_sum3A_38 = vector.multi_reduction <add>, %add3A_34, %reduce_sum3A_37 [0] : vector<1000x16xf32> to vector<16xf32>
    %broadcast_in_dim3A = vector.shape_cast %reduce_sum3A_38 : vector<16xf32> to vector<1x16xf32>
    %mul3A_39 = arith.mulf %add3A_34, %add3A_34 : vector<1000x16xf32>
    %reduce_sum3A_40 = arith.constant dense<0.000000e+00> : vector<16xf32>
    %reduce_sum3A_41 = vector.multi_reduction <add>, %mul3A_39, %reduce_sum3A_40 [0] : vector<1000x16xf32> to vector<16xf32>
    %broadcast_in_dim3A_42 = vector.shape_cast %reduce_sum3A_41 : vector<16xf32> to vector<1x16xf32>
    %concatenate3A = tpu.concatenate %broadcast_in_dim3A, %broadcast_in_dim3A_42 in 0 : vector<1x16xf32>, vector<1x16xf32> -> vector<2x16xf32>
    %eq3A = arith.constant 0 : i32
    %eq3A_43 = arith.cmpi eq, %arg0, %eq3A : i32
    %convert_element_type3A = arith.extui %eq3A_43 : i1 to i32
    %cond3A = arith.constant 0 : i32
    %cond3A_44 = arith.cmpi ne, %convert_element_type3A, %cond3A : i32
    scf.if %cond3A_44 {
      %swap3A_54 = arith.constant 0 : index
      %swap3A_55 = arith.constant 0 : index
      %swap3A_56 = vector.load %arg12[%swap3A_54, %swap3A_55] : memref<2x16xf32, #tpu.memory_space<vmem>>, vector<2x16xf32>
      tpu.vector_store %arg12[%swap3A_54, %swap3A_55], %concatenate3A {strides = array<i32>} : memref<2x16xf32, #tpu.memory_space<vmem>>, vector<2x16xf32>,
    } else {
    }
    %gt3A = arith.constant 0 : i32
    %gt3A_45 = arith.cmpi sgt, %arg0, %gt3A : i32
    %convert_element_type3A_46 = arith.extui %gt3A_45 : i1 to i32
    %cond3A_47 = arith.constant 0 : i32
    %cond3A_48 = arith.cmpi ne, %convert_element_type3A_46, %cond3A_47 : i32
    scf.if %cond3A_48 {
      %get3A_54 = arith.constant 0 : index
      %get3A_55 = arith.constant 0 : index
      %get3A_56 = vector.load %arg12[%get3A_54, %get3A_55] : memref<2x16xf32, #tpu.memory_space<vmem>>, vector<2x16xf32>
      %add3A_57 = arith.addf %get3A_56, %concatenate3A : vector<2x16xf32>
      %swap3A_58 = arith.constant 0 : index
      %swap3A_59 = arith.constant 0 : index
      %swap3A_60 = vector.load %arg12[%swap3A_58, %swap3A_59] : memref<2x16xf32, #tpu.memory_space<vmem>>, vector<2x16xf32>
      tpu.vector_store %arg12[%swap3A_58, %swap3A_59], %add3A_57 {strides = array<i32>} : memref<2x16xf32, #tpu.memory_space<vmem>>, vector<2x16xf32>,
    } else {
    }
    %eq3A_49 = arith.constant 9 : i32
    %eq3A_50 = arith.cmpi eq, %arg0, %eq3A_49 : i32
    %convert_element_type3A_51 = arith.extui %eq3A_50 : i1 to i32
    %cond3A_52 = arith.constant 0 : i32
    %cond3A_53 = arith.cmpi ne, %convert_element_type3A_51, %cond3A_52 : i32
    scf.if %cond3A_53 {
      %get3A_54 = arith.constant 0 : index
      %get3A_55 = arith.constant 0 : index
      %get3A_56 = vector.load %arg12[%get3A_54, %get3A_55] : memref<2x16xf32, #tpu.memory_space<vmem>>, vector<1x16xf32>
      %mul3A_57 = arith.constant 9.99999974E-5 : f32
      %mul3A_58 = vector.broadcast %mul3A_57 : f32 to vector<1x16xf32>
      %mul3A_59 = arith.mulf %get3A_56, %mul3A_58 : vector<1x16xf32>
      %get3A_60 = arith.constant 1 : index
      %get3A_61 = arith.constant 0 : index
      %get3A_62 = vector.load %arg12[%get3A_60, %get3A_61] : memref<2x16xf32, #tpu.memory_space<vmem>>, vector<1x16xf32>
      %mul3A_63 = arith.constant 9.99999974E-5 : f32
      %mul3A_64 = vector.broadcast %mul3A_63 : f32 to vector<1x16xf32>
      %mul3A_65 = arith.mulf %get3A_62, %mul3A_64 : vector<1x16xf32>
      %mul3A_66 = arith.mulf %mul3A_59, %mul3A_59 : vector<1x16xf32>
      %sub3A = arith.subf %mul3A_65, %mul3A_66 : vector<1x16xf32>
      %add3A_67 = arith.constant 9.99999974E-6 : f32
      %add3A_68 = vector.broadcast %add3A_67 : f32 to vector<1x16xf32>
      %add3A_69 = arith.addf %sub3A, %add3A_68 : vector<1x16xf32>
      %rsqrt3A = math.rsqrt %add3A_69 : vector<1x16xf32>
      %get3A_70 = arith.constant 0 : index
      %get3A_71 = arith.constant 0 : index
      %get3A_72 = vector.load %arg8[%get3A_70, %get3A_71] : memref<1x16xf32, #tpu.memory_space<vmem>>, vector<1x16xf32>
      %mul3A_73 = arith.mulf %rsqrt3A, %get3A_72 : vector<1x16xf32>
      %get3A_74 = arith.constant 0 : index
      %get3A_75 = arith.constant 0 : index
      %get3A_76 = vector.load %arg9[%get3A_74, %get3A_75] : memref<1x16xf32, #tpu.memory_space<vmem>>, vector<1x16xf32>
      %mul3A_77 = arith.mulf %mul3A_59, %mul3A_73 : vector<1x16xf32>
      %sub3A_78 = arith.subf %get3A_76, %mul3A_77 : vector<1x16xf32>
      %concatenate3A_79 = tpu.concatenate %mul3A_73, %sub3A_78 in 0 : vector<1x16xf32>, vector<1x16xf32> -> vector<2x16xf32>
      %swap3A_80 = arith.constant 0 : index
      %swap3A_81 = arith.constant 0 : index
      %swap3A_82 = vector.load %arg11[%swap3A_80, %swap3A_81] : memref<2x16xf32, #tpu.memory_space<vmem>>, vector<2x16xf32>
      tpu.vector_store %arg11[%swap3A_80, %swap3A_81], %concatenate3A_79 {strides = array<i32>} : memref<2x16xf32, #tpu.memory_space<vmem>>, vector<2x16xf32>,
    } else {
    }
    return
  }
  func.func @transform_0(%arg0: i32) -> (i32, i32) {
    %c0_i32 = arith.constant 0 : i32
    %c0_i32_0 = arith.constant 0 : i32
    return %arg0, %c0_i32 : i32, i32
  }
  func.func @transform_1(%arg0: i32) -> (i32, i32, i32) {
    %c0_i32 = arith.constant 0 : i32
    %c0_i32_0 = arith.constant 0 : i32
    %c0_i32_1 = arith.constant 0 : i32
    return %c0_i32, %arg0, %c0_i32_0 : i32, i32, i32
  }
  func.func @transform_2(%arg0: i32) -> (i32, i32) {
    %c0_i32 = arith.constant 0 : i32
    %c0_i32_0 = arith.constant 0 : i32
    %c0_i32_1 = arith.constant 0 : i32
    return %c0_i32, %c0_i32_0 : i32, i32
  }
  func.func @transform_3(%arg0: i32) -> (i32, i32) {
    %c0_i32 = arith.constant 0 : i32
    %c0_i32_0 = arith.constant 0 : i32
    %c0_i32_1 = arith.constant 0 : i32
    return %c0_i32, %c0_i32_0 : i32, i32
  }
  func.func @transform_4(%arg0: i32) -> (i32, i32) {
    %c0_i32 = arith.constant 0 : i32
    %c0_i32_0 = arith.constant 0 : i32
    %c0_i32_1 = arith.constant 0 : i32
    return %c0_i32, %c0_i32_0 : i32, i32
  }
  func.func @transform_5(%arg0: i32) -> (i32, i32) {
    %c0_i32 = arith.constant 0 : i32
    %c0_i32_0 = arith.constant 0 : i32
    %c0_i32_1 = arith.constant 0 : i32
    return %c0_i32, %c0_i32_0 : i32, i32
  }
  func.func @transform_6(%arg0: i32) -> (i32, i32) {
    %c0_i32 = arith.constant 0 : i32
    %c0_i32_0 = arith.constant 0 : i32
    %c0_i32_1 = arith.constant 0 : i32
    return %c0_i32, %c0_i32_0 : i32, i32
  }
  func.func @transform_7(%arg0: i32) -> (i32, i32) {
    %c0_i32 = arith.constant 0 : i32
    %c0_i32_0 = arith.constant 0 : i32
    %c0_i32_1 = arith.constant 0 : i32
    return %c0_i32, %c0_i32_0 : i32, i32
  }
  func.func @transform_8(%arg0: i32) -> (i32, i32) {
    %c0_i32 = arith.constant 0 : i32
    %c0_i32_0 = arith.constant 0 : i32
    %c0_i32_1 = arith.constant 0 : i32
    return %c0_i32, %c0_i32_0 : i32, i32
  }
  func.func @transform_9(%arg0: i32) -> (i32, i32) {
    %c0_i32 = arith.constant 0 : i32
    %c0_i32_0 = arith.constant 0 : i32
    return %arg0, %c0_i32 : i32, i32
  }
  func.func @transform_10(%arg0: i32) -> (i32, i32) {
    %c0_i32 = arith.constant 0 : i32
    %c0_i32_0 = arith.constant 0 : i32
    %c0_i32_1 = arith.constant 0 : i32
    return %c0_i32, %c0_i32_0 : i32, i32
  }
}

module attributes {stable_mosaic.version = 14 : i64} {
  func.func @body(%arg0: i32, %arg1: memref<1000x16xf32, #tpu.memory_space<vmem>>, %arg2: memref<2x1000x16xf32, #tpu.memory_space<vmem>>, %arg3: memref<1x1xf32, #tpu.memory_space<vmem>>, %arg4: memref<16x32xf32, #tpu.memory_space<vmem>>, %arg5: memref<1x32xf32, #tpu.memory_space<vmem>>, %arg6: memref<32x32xf32, #tpu.memory_space<vmem>>, %arg7: memref<1x32xf32, #tpu.memory_space<vmem>>, %arg8: memref<1x32xf32, #tpu.memory_space<vmem>>, %arg9: memref<1x32xf32, #tpu.memory_space<vmem>>, %arg10: memref<1000x32xf32, #tpu.memory_space<vmem>>, %arg11: memref<2x32xf32, #tpu.memory_space<vmem>>, %arg12: memref<2x32xf32, #tpu.memory_space<vmem>>) attributes {dimension_semantics = [#tpu.dimension_semantics<arbitrary>], iteration_bounds = array<i64: 10>, scalar_prefetch = 0 : i64, scratch_operands = 1 : i64, tpu.core_type = #tpu.core_type<tc>, window_params = [{transform_indices = @transform_0, window_bounds = array<i64: 1000, 16>}, {transform_indices = @transform_1, window_bounds = array<i64: 2, 1000, 16>}, {pipeline_mode = #tpu.pipeline_mode<synchronous>, transform_indices = @transform_2, window_bounds = array<i64: 1, 1>}, {pipeline_mode = #tpu.pipeline_mode<synchronous>, transform_indices = @transform_3, window_bounds = array<i64: 16, 32>}, {pipeline_mode = #tpu.pipeline_mode<synchronous>, transform_indices = @transform_4, window_bounds = array<i64: 1, 32>}, {pipeline_mode = #tpu.pipeline_mode<synchronous>, transform_indices = @transform_5, window_bounds = array<i64: 32, 32>}, {pipeline_mode = #tpu.pipeline_mode<synchronous>, transform_indices = @transform_6, window_bounds = array<i64: 1, 32>}, {pipeline_mode = #tpu.pipeline_mode<synchronous>, transform_indices = @transform_7, window_bounds = array<i64: 1, 32>}, {pipeline_mode = #tpu.pipeline_mode<synchronous>, transform_indices = @transform_8, window_bounds = array<i64: 1, 32>}, {transform_indices = @transform_9, window_bounds = array<i64: 1000, 32>}, {pipeline_mode = #tpu.pipeline_mode<synchronous>, transform_indices = @transform_10, window_bounds = array<i64: 2, 32>}]} {
    %get3A = arith.constant 0 : index
    %get3A_0 = arith.constant 0 : index
    %get3A_1 = vector.load %arg3[%get3A, %get3A_0] : memref<1x1xf32, #tpu.memory_space<vmem>>, vector<1x1xf32>
    %get3A_2 = vector.extract %get3A_1[0, 0] : f32 from vector<1x1xf32>
    %add3A = arith.constant 1.000000e+00 : f32
    %add3A_3 = arith.addf %add3A, %get3A_2 : f32
    %get3A_4 = arith.constant 0 : index
    %get3A_5 = arith.constant 0 : index
    %get3A_6 = vector.load %arg1[%get3A_4, %get3A_5] : memref<1000x16xf32, #tpu.memory_space<vmem>>, vector<1000x16xf32>
    %mul3A = vector.broadcast %add3A_3 : f32 to vector<1000x16xf32>
    %mul3A_7 = arith.mulf %mul3A, %get3A_6 : vector<1000x16xf32>
    %get3A_8 = arith.constant 0 : index
    %get3A_9 = arith.constant 0 : index
    %get3A_10 = arith.constant 0 : index
    %get3A_11 = vector.load %arg2[%get3A_8, %get3A_9, %get3A_10] : memref<2x1000x16xf32, #tpu.memory_space<vmem>>, vector<2x1000x16xf32>
    %reduce_sum3A = arith.constant dense<0.000000e+00> : vector<1000x16xf32>
    %reduce_sum3A_12 = vector.multi_reduction <add>, %get3A_11, %reduce_sum3A [0] : vector<2x1000x16xf32> to vector<1000x16xf32>
    %add3A_13 = arith.addf %mul3A_7, %reduce_sum3A_12 : vector<1000x16xf32>
    %get3A_14 = arith.constant 0 : index
    %get3A_15 = arith.constant 0 : index
    %get3A_16 = vector.load %arg4[%get3A_14, %get3A_15] : memref<16x32xf32, #tpu.memory_space<vmem>>, vector<16x32xf32>
    %dot_general3A = arith.constant dense<0.000000e+00> : vector<1000x32xf32>
    %dot_general3A_17 = tpu.matmul %add3A_13, %get3A_16, %dot_general3A {dimension_numbers = #tpu.dot_dimension_numbers<[1], [0], [0], [1], [0, 0, 1, 1], [], []>, transpose_lhs_hint = false} : vector<1000x16xf32>, vector<16x32xf32>, vector<1000x32xf32> -> vector<1000x32xf32>
    %get3A_18 = arith.constant 0 : index
    %get3A_19 = arith.constant 0 : index
    %get3A_20 = vector.load %arg5[%get3A_18, %get3A_19] : memref<1x32xf32, #tpu.memory_space<vmem>>, vector<1x32xf32>
    %add3A_21 = vector.broadcast %get3A_20 : vector<1x32xf32> to vector<1000x32xf32>
    %add3A_22 = arith.addf %dot_general3A_17, %add3A_21 : vector<1000x32xf32>
    %max3A = arith.constant 0.000000e+00 : f32
    %max3A_23 = vector.broadcast %max3A : f32 to vector<1000x32xf32>
    %max3A_24 = arith.maximumf %add3A_22, %max3A_23 : vector<1000x32xf32>
    %get3A_25 = arith.constant 0 : index
    %get3A_26 = arith.constant 0 : index
    %get3A_27 = vector.load %arg6[%get3A_25, %get3A_26] : memref<32x32xf32, #tpu.memory_space<vmem>>, vector<32x32xf32>
    %dot_general3A_28 = arith.constant dense<0.000000e+00> : vector<1000x32xf32>
    %dot_general3A_29 = tpu.matmul %max3A_24, %get3A_27, %dot_general3A_28 {dimension_numbers = #tpu.dot_dimension_numbers<[1], [0], [0], [1], [0, 0, 1, 1], [], []>, transpose_lhs_hint = false} : vector<1000x32xf32>, vector<32x32xf32>, vector<1000x32xf32> -> vector<1000x32xf32>
    %get3A_30 = arith.constant 0 : index
    %get3A_31 = arith.constant 0 : index
    %get3A_32 = vector.load %arg7[%get3A_30, %get3A_31] : memref<1x32xf32, #tpu.memory_space<vmem>>, vector<1x32xf32>
    %add3A_33 = vector.broadcast %get3A_32 : vector<1x32xf32> to vector<1000x32xf32>
    %add3A_34 = arith.addf %dot_general3A_29, %add3A_33 : vector<1000x32xf32>
    %swap3A = arith.constant 0 : index
    %swap3A_35 = arith.constant 0 : index
    %swap3A_36 = vector.load %arg10[%swap3A, %swap3A_35] : memref<1000x32xf32, #tpu.memory_space<vmem>>, vector<1000x32xf32>
    tpu.vector_store %arg10[%swap3A, %swap3A_35], %add3A_34 {strides = array<i32>} : memref<1000x32xf32, #tpu.memory_space<vmem>>, vector<1000x32xf32>,
    %reduce_sum3A_37 = arith.constant dense<0.000000e+00> : vector<32xf32>
    %reduce_sum3A_38 = vector.multi_reduction <add>, %add3A_34, %reduce_sum3A_37 [0] : vector<1000x32xf32> to vector<32xf32>
    %broadcast_in_dim3A = vector.shape_cast %reduce_sum3A_38 : vector<32xf32> to vector<1x32xf32>
    %mul3A_39 = arith.mulf %add3A_34, %add3A_34 : vector<1000x32xf32>
    %reduce_sum3A_40 = arith.constant dense<0.000000e+00> : vector<32xf32>
    %reduce_sum3A_41 = vector.multi_reduction <add>, %mul3A_39, %reduce_sum3A_40 [0] : vector<1000x32xf32> to vector<32xf32>
    %broadcast_in_dim3A_42 = vector.shape_cast %reduce_sum3A_41 : vector<32xf32> to vector<1x32xf32>
    %concatenate3A = tpu.concatenate %broadcast_in_dim3A, %broadcast_in_dim3A_42 in 0 : vector<1x32xf32>, vector<1x32xf32> -> vector<2x32xf32>
    %eq3A = arith.constant 0 : i32
    %eq3A_43 = arith.cmpi eq, %arg0, %eq3A : i32
    %convert_element_type3A = arith.extui %eq3A_43 : i1 to i32
    %cond3A = arith.constant 0 : i32
    %cond3A_44 = arith.cmpi ne, %convert_element_type3A, %cond3A : i32
    scf.if %cond3A_44 {
      %swap3A_54 = arith.constant 0 : index
      %swap3A_55 = arith.constant 0 : index
      %swap3A_56 = vector.load %arg12[%swap3A_54, %swap3A_55] : memref<2x32xf32, #tpu.memory_space<vmem>>, vector<2x32xf32>
      tpu.vector_store %arg12[%swap3A_54, %swap3A_55], %concatenate3A {strides = array<i32>} : memref<2x32xf32, #tpu.memory_space<vmem>>, vector<2x32xf32>,
    } else {
    }
    %gt3A = arith.constant 0 : i32
    %gt3A_45 = arith.cmpi sgt, %arg0, %gt3A : i32
    %convert_element_type3A_46 = arith.extui %gt3A_45 : i1 to i32
    %cond3A_47 = arith.constant 0 : i32
    %cond3A_48 = arith.cmpi ne, %convert_element_type3A_46, %cond3A_47 : i32
    scf.if %cond3A_48 {
      %get3A_54 = arith.constant 0 : index
      %get3A_55 = arith.constant 0 : index
      %get3A_56 = vector.load %arg12[%get3A_54, %get3A_55] : memref<2x32xf32, #tpu.memory_space<vmem>>, vector<2x32xf32>
      %add3A_57 = arith.addf %get3A_56, %concatenate3A : vector<2x32xf32>
      %swap3A_58 = arith.constant 0 : index
      %swap3A_59 = arith.constant 0 : index
      %swap3A_60 = vector.load %arg12[%swap3A_58, %swap3A_59] : memref<2x32xf32, #tpu.memory_space<vmem>>, vector<2x32xf32>
      tpu.vector_store %arg12[%swap3A_58, %swap3A_59], %add3A_57 {strides = array<i32>} : memref<2x32xf32, #tpu.memory_space<vmem>>, vector<2x32xf32>,
    } else {
    }
    %eq3A_49 = arith.constant 9 : i32
    %eq3A_50 = arith.cmpi eq, %arg0, %eq3A_49 : i32
    %convert_element_type3A_51 = arith.extui %eq3A_50 : i1 to i32
    %cond3A_52 = arith.constant 0 : i32
    %cond3A_53 = arith.cmpi ne, %convert_element_type3A_51, %cond3A_52 : i32
    scf.if %cond3A_53 {
      %get3A_54 = arith.constant 0 : index
      %get3A_55 = arith.constant 0 : index
      %get3A_56 = vector.load %arg12[%get3A_54, %get3A_55] : memref<2x32xf32, #tpu.memory_space<vmem>>, vector<1x32xf32>
      %mul3A_57 = arith.constant 9.99999974E-5 : f32
      %mul3A_58 = vector.broadcast %mul3A_57 : f32 to vector<1x32xf32>
      %mul3A_59 = arith.mulf %get3A_56, %mul3A_58 : vector<1x32xf32>
      %get3A_60 = arith.constant 1 : index
      %get3A_61 = arith.constant 0 : index
      %get3A_62 = vector.load %arg12[%get3A_60, %get3A_61] : memref<2x32xf32, #tpu.memory_space<vmem>>, vector<1x32xf32>
      %mul3A_63 = arith.constant 9.99999974E-5 : f32
      %mul3A_64 = vector.broadcast %mul3A_63 : f32 to vector<1x32xf32>
      %mul3A_65 = arith.mulf %get3A_62, %mul3A_64 : vector<1x32xf32>
      %mul3A_66 = arith.mulf %mul3A_59, %mul3A_59 : vector<1x32xf32>
      %sub3A = arith.subf %mul3A_65, %mul3A_66 : vector<1x32xf32>
      %add3A_67 = arith.constant 9.99999974E-6 : f32
      %add3A_68 = vector.broadcast %add3A_67 : f32 to vector<1x32xf32>
      %add3A_69 = arith.addf %sub3A, %add3A_68 : vector<1x32xf32>
      %rsqrt3A = math.rsqrt %add3A_69 : vector<1x32xf32>
      %get3A_70 = arith.constant 0 : index
      %get3A_71 = arith.constant 0 : index
      %get3A_72 = vector.load %arg8[%get3A_70, %get3A_71] : memref<1x32xf32, #tpu.memory_space<vmem>>, vector<1x32xf32>
      %mul3A_73 = arith.mulf %rsqrt3A, %get3A_72 : vector<1x32xf32>
      %get3A_74 = arith.constant 0 : index
      %get3A_75 = arith.constant 0 : index
      %get3A_76 = vector.load %arg9[%get3A_74, %get3A_75] : memref<1x32xf32, #tpu.memory_space<vmem>>, vector<1x32xf32>
      %mul3A_77 = arith.mulf %mul3A_59, %mul3A_73 : vector<1x32xf32>
      %sub3A_78 = arith.subf %get3A_76, %mul3A_77 : vector<1x32xf32>
      %concatenate3A_79 = tpu.concatenate %mul3A_73, %sub3A_78 in 0 : vector<1x32xf32>, vector<1x32xf32> -> vector<2x32xf32>
      %swap3A_80 = arith.constant 0 : index
      %swap3A_81 = arith.constant 0 : index
      %swap3A_82 = vector.load %arg11[%swap3A_80, %swap3A_81] : memref<2x32xf32, #tpu.memory_space<vmem>>, vector<2x32xf32>
      tpu.vector_store %arg11[%swap3A_80, %swap3A_81], %concatenate3A_79 {strides = array<i32>} : memref<2x32xf32, #tpu.memory_space<vmem>>, vector<2x32xf32>,
    } else {
    }
    return
  }
  func.func @transform_0(%arg0: i32) -> (i32, i32) {
    %c0_i32 = arith.constant 0 : i32
    %c0_i32_0 = arith.constant 0 : i32
    return %arg0, %c0_i32 : i32, i32
  }
  func.func @transform_1(%arg0: i32) -> (i32, i32, i32) {
    %c0_i32 = arith.constant 0 : i32
    %c0_i32_0 = arith.constant 0 : i32
    %c0_i32_1 = arith.constant 0 : i32
    return %c0_i32, %arg0, %c0_i32_0 : i32, i32, i32
  }
  func.func @transform_2(%arg0: i32) -> (i32, i32) {
    %c0_i32 = arith.constant 0 : i32
    %c0_i32_0 = arith.constant 0 : i32
    %c0_i32_1 = arith.constant 0 : i32
    return %c0_i32, %c0_i32_0 : i32, i32
  }
  func.func @transform_3(%arg0: i32) -> (i32, i32) {
    %c0_i32 = arith.constant 0 : i32
    %c0_i32_0 = arith.constant 0 : i32
    %c0_i32_1 = arith.constant 0 : i32
    return %c0_i32, %c0_i32_0 : i32, i32
  }
  func.func @transform_4(%arg0: i32) -> (i32, i32) {
    %c0_i32 = arith.constant 0 : i32
    %c0_i32_0 = arith.constant 0 : i32
    %c0_i32_1 = arith.constant 0 : i32
    return %c0_i32, %c0_i32_0 : i32, i32
  }
  func.func @transform_5(%arg0: i32) -> (i32, i32) {
    %c0_i32 = arith.constant 0 : i32
    %c0_i32_0 = arith.constant 0 : i32
    %c0_i32_1 = arith.constant 0 : i32
    return %c0_i32, %c0_i32_0 : i32, i32
  }
  func.func @transform_6(%arg0: i32) -> (i32, i32) {
    %c0_i32 = arith.constant 0 : i32
    %c0_i32_0 = arith.constant 0 : i32
    %c0_i32_1 = arith.constant 0 : i32
    return %c0_i32, %c0_i32_0 : i32, i32
  }
  func.func @transform_7(%arg0: i32) -> (i32, i32) {
    %c0_i32 = arith.constant 0 : i32
    %c0_i32_0 = arith.constant 0 : i32
    %c0_i32_1 = arith.constant 0 : i32
    return %c0_i32, %c0_i32_0 : i32, i32
  }
  func.func @transform_8(%arg0: i32) -> (i32, i32) {
    %c0_i32 = arith.constant 0 : i32
    %c0_i32_0 = arith.constant 0 : i32
    %c0_i32_1 = arith.constant 0 : i32
    return %c0_i32, %c0_i32_0 : i32, i32
  }
  func.func @transform_9(%arg0: i32) -> (i32, i32) {
    %c0_i32 = arith.constant 0 : i32
    %c0_i32_0 = arith.constant 0 : i32
    return %arg0, %c0_i32 : i32, i32
  }
  func.func @transform_10(%arg0: i32) -> (i32, i32) {
    %c0_i32 = arith.constant 0 : i32
    %c0_i32_0 = arith.constant 0 : i32
    %c0_i32_1 = arith.constant 0 : i32
    return %c0_i32, %c0_i32_0 : i32, i32
  }
}

module attributes {stable_mosaic.version = 14 : i64} {
  func.func @body(%arg0: i32, %arg1: memref<1000x32xf32, #tpu.memory_space<vmem>>, %arg2: memref<2x32xf32, #tpu.memory_space<vmem>>, %arg3: memref<1x1x1000xi32, #tpu.memory_space<vmem>>, %arg4: memref<32x32xf32, #tpu.memory_space<vmem>>, %arg5: memref<1x32xf32, #tpu.memory_space<vmem>>, %arg6: memref<32x1xf32, #tpu.memory_space<vmem>>, %arg7: memref<1x1xf32, #tpu.memory_space<vmem>>, %arg8: memref<64x1xf32, #tpu.memory_space<vmem>>, %arg9: memref<64x32xf32, #tpu.memory_space<vmem>>, %arg10: memref<64x1xf32, #tpu.memory_space<vmem>>) attributes {dimension_semantics = [#tpu.dimension_semantics<arbitrary>], iteration_bounds = array<i64: 10>, scalar_prefetch = 0 : i64, scratch_operands = 2 : i64, tpu.core_type = #tpu.core_type<tc>, window_params = [{transform_indices = @transform_0, window_bounds = array<i64: 1000, 32>}, {pipeline_mode = #tpu.pipeline_mode<synchronous>, transform_indices = @transform_1, window_bounds = array<i64: 2, 32>}, {transform_indices = @transform_2, window_bounds = array<i64: 1, 1, 1000>}, {pipeline_mode = #tpu.pipeline_mode<synchronous>, transform_indices = @transform_3, window_bounds = array<i64: 32, 32>}, {pipeline_mode = #tpu.pipeline_mode<synchronous>, transform_indices = @transform_4, window_bounds = array<i64: 1, 32>}, {pipeline_mode = #tpu.pipeline_mode<synchronous>, transform_indices = @transform_5, window_bounds = array<i64: 32, 1>}, {pipeline_mode = #tpu.pipeline_mode<synchronous>, transform_indices = @transform_6, window_bounds = array<i64: 1, 1>}, {pipeline_mode = #tpu.pipeline_mode<synchronous>, transform_indices = @transform_7, window_bounds = array<i64: 64, 1>}]} {
    %get3A = arith.constant 0 : index
    %get3A_0 = arith.constant 0 : index
    %get3A_1 = vector.load %arg1[%get3A, %get3A_0] : memref<1000x32xf32, #tpu.memory_space<vmem>>, vector<1000x32xf32>
    %get3A_2 = arith.constant 0 : index
    %get3A_3 = arith.constant 0 : index
    %get3A_4 = vector.load %arg2[%get3A_2, %get3A_3] : memref<2x32xf32, #tpu.memory_space<vmem>>, vector<1x32xf32>
    %mul3A = vector.broadcast %get3A_4 : vector<1x32xf32> to vector<1000x32xf32>
    %mul3A_5 = arith.mulf %get3A_1, %mul3A : vector<1000x32xf32>
    %get3A_6 = arith.constant 1 : index
    %get3A_7 = arith.constant 0 : index
    %get3A_8 = vector.load %arg2[%get3A_6, %get3A_7] : memref<2x32xf32, #tpu.memory_space<vmem>>, vector<1x32xf32>
    %add3A = vector.broadcast %get3A_8 : vector<1x32xf32> to vector<1000x32xf32>
    %add3A_9 = arith.addf %mul3A_5, %add3A : vector<1000x32xf32>
    %max3A = arith.constant 0.000000e+00 : f32
    %max3A_10 = vector.broadcast %max3A : f32 to vector<1000x32xf32>
    %max3A_11 = arith.maximumf %add3A_9, %max3A_10 : vector<1000x32xf32>
    %iota3A = tpu.iota {dimensions = array<i32: 0>} : vector<64x1000xi32>
    %get3A_12 = arith.constant 0 : index
    %get3A_13 = arith.constant 0 : index
    %get3A_14 = arith.constant 0 : index
    %get3A_15 = vector.load %arg3[%get3A_12, %get3A_13, %get3A_14] : memref<1x1x1000xi32, #tpu.memory_space<vmem>>, vector<1x1x1000xi32>
    %get3A_16 = vector.shape_cast %get3A_15 : vector<1x1x1000xi32> to vector<1x1000xi32>
    %eq3A = vector.broadcast %get3A_16 : vector<1x1000xi32> to vector<64x1000xi32>
    %eq3A_17 = arith.cmpi eq, %iota3A, %eq3A : vector<64x1000xi32>
    %convert_element_type3A = arith.extui %eq3A_17 : vector<64x1000xi1> to vector<64x1000xi32>
    %convert_element_type3A_18 = arith.sitofp %convert_element_type3A : vector<64x1000xi32> to vector<64x1000xf32>
    %dot_general3A = arith.constant dense<0.000000e+00> : vector<64x32xf32>
    %dot_general3A_19 = tpu.matmul %convert_element_type3A_18, %max3A_11, %dot_general3A {dimension_numbers = #tpu.dot_dimension_numbers<[1], [0], [0], [1], [0, 0, 1, 1], [], []>, precision = #tpu.contract_precision<fp32>, transpose_lhs_hint = false} : vector<64x1000xf32>, vector<1000x32xf32>, vector<64x32xf32> -> vector<64x32xf32>
    %reduce_sum3A = arith.constant dense<0.000000e+00> : vector<64xf32>
    %reduce_sum3A_20 = vector.multi_reduction <add>, %convert_element_type3A_18, %reduce_sum3A [1] : vector<64x1000xf32> to vector<64xf32>
    %broadcast_in_dim3A = vector.shape_cast %reduce_sum3A_20 : vector<64xf32> to vector<64x1xf32>
    %eq3A_21 = arith.constant 0 : i32
    %eq3A_22 = arith.cmpi eq, %arg0, %eq3A_21 : i32
    %convert_element_type3A_23 = arith.extui %eq3A_22 : i1 to i32
    %cond3A = arith.constant 0 : i32
    %cond3A_24 = arith.cmpi ne, %convert_element_type3A_23, %cond3A : i32
    scf.if %cond3A_24 {
      %swap3A = arith.constant 0 : index
      %swap3A_34 = arith.constant 0 : index
      %swap3A_35 = vector.load %arg9[%swap3A, %swap3A_34] : memref<64x32xf32, #tpu.memory_space<vmem>>, vector<64x32xf32>
      tpu.vector_store %arg9[%swap3A, %swap3A_34], %dot_general3A_19 {strides = array<i32>} : memref<64x32xf32, #tpu.memory_space<vmem>>, vector<64x32xf32>,
      %swap3A_36 = arith.constant 0 : index
      %swap3A_37 = arith.constant 0 : index
      %swap3A_38 = vector.load %arg10[%swap3A_36, %swap3A_37] : memref<64x1xf32, #tpu.memory_space<vmem>>, vector<64x1xf32>
      tpu.vector_store %arg10[%swap3A_36, %swap3A_37], %broadcast_in_dim3A {strides = array<i32>} : memref<64x1xf32, #tpu.memory_space<vmem>>, vector<64x1xf32>,
    } else {
    }
    %gt3A = arith.constant 0 : i32
    %gt3A_25 = arith.cmpi sgt, %arg0, %gt3A : i32
    %convert_element_type3A_26 = arith.extui %gt3A_25 : i1 to i32
    %cond3A_27 = arith.constant 0 : i32
    %cond3A_28 = arith.cmpi ne, %convert_element_type3A_26, %cond3A_27 : i32
    scf.if %cond3A_28 {
      %get3A_34 = arith.constant 0 : index
      %get3A_35 = arith.constant 0 : index
      %get3A_36 = vector.load %arg9[%get3A_34, %get3A_35] : memref<64x32xf32, #tpu.memory_space<vmem>>, vector<64x32xf32>
      %add3A_37 = arith.addf %get3A_36, %dot_general3A_19 : vector<64x32xf32>
      %swap3A = arith.constant 0 : index
      %swap3A_38 = arith.constant 0 : index
      %swap3A_39 = vector.load %arg9[%swap3A, %swap3A_38] : memref<64x32xf32, #tpu.memory_space<vmem>>, vector<64x32xf32>
      tpu.vector_store %arg9[%swap3A, %swap3A_38], %add3A_37 {strides = array<i32>} : memref<64x32xf32, #tpu.memory_space<vmem>>, vector<64x32xf32>,
      %get3A_40 = arith.constant 0 : index
      %get3A_41 = arith.constant 0 : index
      %get3A_42 = vector.load %arg10[%get3A_40, %get3A_41] : memref<64x1xf32, #tpu.memory_space<vmem>>, vector<64x1xf32>
      %add3A_43 = arith.addf %get3A_42, %broadcast_in_dim3A : vector<64x1xf32>
      %swap3A_44 = arith.constant 0 : index
      %swap3A_45 = arith.constant 0 : index
      %swap3A_46 = vector.load %arg10[%swap3A_44, %swap3A_45] : memref<64x1xf32, #tpu.memory_space<vmem>>, vector<64x1xf32>
      tpu.vector_store %arg10[%swap3A_44, %swap3A_45], %add3A_43 {strides = array<i32>} : memref<64x1xf32, #tpu.memory_space<vmem>>, vector<64x1xf32>,
    } else {
    }
    %eq3A_29 = arith.constant 9 : i32
    %eq3A_30 = arith.cmpi eq, %arg0, %eq3A_29 : i32
    %convert_element_type3A_31 = arith.extui %eq3A_30 : i1 to i32
    %cond3A_32 = arith.constant 0 : i32
    %cond3A_33 = arith.cmpi ne, %convert_element_type3A_31, %cond3A_32 : i32
    scf.if %cond3A_33 {
      %get3A_34 = arith.constant 0 : index
      %get3A_35 = arith.constant 0 : index
      %get3A_36 = vector.load %arg9[%get3A_34, %get3A_35] : memref<64x32xf32, #tpu.memory_space<vmem>>, vector<64x32xf32>
      %get3A_37 = arith.constant 0 : index
      %get3A_38 = arith.constant 0 : index
      %get3A_39 = vector.load %arg10[%get3A_37, %get3A_38] : memref<64x1xf32, #tpu.memory_space<vmem>>, vector<64x1xf32>
      %max3A_40 = arith.constant 1.000000e+00 : f32
      %max3A_41 = vector.broadcast %max3A_40 : f32 to vector<64x1xf32>
      %max3A_42 = arith.maximumf %get3A_39, %max3A_41 : vector<64x1xf32>
      %div3A = vector.broadcast %max3A_42 : vector<64x1xf32> to vector<64x32xf32>
      %div3A_43 = arith.divf %get3A_36, %div3A : vector<64x32xf32>
      %get3A_44 = arith.constant 0 : index
      %get3A_45 = arith.constant 0 : index
      %get3A_46 = vector.load %arg4[%get3A_44, %get3A_45] : memref<32x32xf32, #tpu.memory_space<vmem>>, vector<32x32xf32>
      %dot_general3A_47 = arith.constant dense<0.000000e+00> : vector<64x32xf32>
      %dot_general3A_48 = tpu.matmul %div3A_43, %get3A_46, %dot_general3A_47 {dimension_numbers = #tpu.dot_dimension_numbers<[1], [0], [0], [1], [0, 0, 1, 1], [], []>, transpose_lhs_hint = false} : vector<64x32xf32>, vector<32x32xf32>, vector<64x32xf32> -> vector<64x32xf32>
      %get3A_49 = arith.constant 0 : index
      %get3A_50 = arith.constant 0 : index
      %get3A_51 = vector.load %arg5[%get3A_49, %get3A_50] : memref<1x32xf32, #tpu.memory_space<vmem>>, vector<1x32xf32>
      %add3A_52 = vector.broadcast %get3A_51 : vector<1x32xf32> to vector<64x32xf32>
      %add3A_53 = arith.addf %dot_general3A_48, %add3A_52 : vector<64x32xf32>
      %max3A_54 = arith.constant 0.000000e+00 : f32
      %max3A_55 = vector.broadcast %max3A_54 : f32 to vector<64x32xf32>
      %max3A_56 = arith.maximumf %add3A_53, %max3A_55 : vector<64x32xf32>
      %add3A_57 = arith.addf %max3A_56, %div3A_43 : vector<64x32xf32>
      %get3A_58 = arith.constant 0 : index
      %get3A_59 = arith.constant 0 : index
      %get3A_60 = vector.load %arg6[%get3A_58, %get3A_59] : memref<32x1xf32, #tpu.memory_space<vmem>>, vector<32x1xf32>
      %dot_general3A_61 = arith.constant dense<0.000000e+00> : vector<64x1xf32>
      %dot_general3A_62 = tpu.matmul %add3A_57, %get3A_60, %dot_general3A_61 {dimension_numbers = #tpu.dot_dimension_numbers<[1], [0], [0], [1], [0, 0, 1, 1], [], []>, transpose_lhs_hint = false} : vector<64x32xf32>, vector<32x1xf32>, vector<64x1xf32> -> vector<64x1xf32>
      %get3A_63 = arith.constant 0 : index
      %get3A_64 = arith.constant 0 : index
      %get3A_65 = vector.load %arg7[%get3A_63, %get3A_64] : memref<1x1xf32, #tpu.memory_space<vmem>>, vector<1x1xf32>
      %add3A_66 = vector.broadcast %get3A_65 : vector<1x1xf32> to vector<64x1xf32>
      %add3A_67 = arith.addf %dot_general3A_62, %add3A_66 : vector<64x1xf32>
      %swap3A = arith.constant 0 : index
      %swap3A_68 = arith.constant 0 : index
      %swap3A_69 = vector.load %arg8[%swap3A, %swap3A_68] : memref<64x1xf32, #tpu.memory_space<vmem>>, vector<64x1xf32>
      tpu.vector_store %arg8[%swap3A, %swap3A_68], %add3A_67 {strides = array<i32>} : memref<64x1xf32, #tpu.memory_space<vmem>>, vector<64x1xf32>,
    } else {
    }
    return
  }
  func.func @transform_0(%arg0: i32) -> (i32, i32) {
    %c0_i32 = arith.constant 0 : i32
    %c0_i32_0 = arith.constant 0 : i32
    return %arg0, %c0_i32 : i32, i32
  }
  func.func @transform_1(%arg0: i32) -> (i32, i32) {
    %c0_i32 = arith.constant 0 : i32
    %c0_i32_0 = arith.constant 0 : i32
    %c0_i32_1 = arith.constant 0 : i32
    return %c0_i32, %c0_i32_0 : i32, i32
  }
  func.func @transform_2(%arg0: i32) -> (i32, i32, i32) {
    %c0_i32 = arith.constant 0 : i32
    %c0_i32_0 = arith.constant 0 : i32
    %c0_i32_1 = arith.constant 0 : i32
    return %arg0, %c0_i32, %c0_i32_0 : i32, i32, i32
  }
  func.func @transform_3(%arg0: i32) -> (i32, i32) {
    %c0_i32 = arith.constant 0 : i32
    %c0_i32_0 = arith.constant 0 : i32
    %c0_i32_1 = arith.constant 0 : i32
    return %c0_i32, %c0_i32_0 : i32, i32
  }
  func.func @transform_4(%arg0: i32) -> (i32, i32) {
    %c0_i32 = arith.constant 0 : i32
    %c0_i32_0 = arith.constant 0 : i32
    %c0_i32_1 = arith.constant 0 : i32
    return %c0_i32, %c0_i32_0 : i32, i32
  }
  func.func @transform_5(%arg0: i32) -> (i32, i32) {
    %c0_i32 = arith.constant 0 : i32
    %c0_i32_0 = arith.constant 0 : i32
    %c0_i32_1 = arith.constant 0 : i32
    return %c0_i32, %c0_i32_0 : i32, i32
  }
  func.func @transform_6(%arg0: i32) -> (i32, i32) {
    %c0_i32 = arith.constant 0 : i32
    %c0_i32_0 = arith.constant 0 : i32
    %c0_i32_1 = arith.constant 0 : i32
    return %c0_i32, %c0_i32_0 : i32, i32
  }
  func.func @transform_7(%arg0: i32) -> (i32, i32) {
    %c0_i32 = arith.constant 0 : i32
    %c0_i32_0 = arith.constant 0 : i32
    %c0_i32_1 = arith.constant 0 : i32
    return %c0_i32, %c0_i32_0 : i32, i32
  }
}

</mosaic_0001>

<sc_bundles>
// kernel: kernel.10.cloned.1.call-start
scs
__scs_entry_jumppad:
0x0: {  	(pc) =	sbr.rel $0x88, $3  }
0x1: {  	(tag) =	ssettag $0x0;
	lr =	simm.s32 $0x1  }
0x2: {  	[smem:$0x3F8C] =	sst lr;
	_ =	strace $0xD0000000  }
0x3: {  	_ = 	snop  }
0x4: {  	_ = 	snop  }
0x5: {  	_ = 	snop  }
0x6: {  	_ = 	snop  }
0x7: {  	_ = 	snop  }
__scs_overlays_trampoline_lowered:
0x8: {  	[smem:$0x3F9B] =	sst s0  }
0x9: {  	[smem:$0x3F9C] =	sst s1  }
0xa: {  	[smem:$0x3F9D] =	sst s2  }
0xb: {  	[smem:$0x3F9E] =	sst s3  }
0xc: {  	[smem:$0x3F9F] =	sst s4  }
0xd: {  	[smem:$0x3FA0] =	sst s5  }
0xe: {  	[smem:$0x3FA1] =	sst s6  }
0xf: {  	[smem:$0x3FA2] =	sst s7  }
0x10: {  	[smem:$0x3FA3] =	sst s8  }
0x11: {  	[smem:$0x3FA4] =	sst s9;
	s0 =	simm.s32 @!p0 $0x0  }
0x12: {  	s1 =	sld [smem:$0x3F8A];
	s0 =	simm.s32 @p0 $0x1  }
0x13: {  	[smem:$0x3FA5] =	sst s0;
	s0 =	simm.s32 @!p1 $0x0  }
0x14: {  	s2 =	sld [smem:$0x3F89];
	s0 =	simm.s32 @p1 $0x1  }
0x15: {  	[smem:$0x3FA6] =	sst s0;
	s0 =	simm.s32 @!p2 $0x0  }
0x16: {  	s3 =	sld [smem:$0x3FDB];
	s0 =	simm.s32 @p2 $0x1  }
0x17: {  	s4 =	simm.s32 $0x1BF5;
	[smem:$0x3FA8] =	sst s0  }
0x18: {  	s0 =	sld [smem:$0x3F8B];
	_ =	swait.ge [sflag:s4], $0x0  }
0x19: {  	s7 =	sld [smem:$0x3F8C]  }
0x1a: {  	s8 =	sadd.s32 $0xFFFFE003, lr  }
0x1b: {  	s9 =	sadd.s32 $0xFFFFFEF7, lr;
	s5 =	simm.s32 $0xFFFFFFFF;
	p2 =	slt.u32 s8, $0xFFFFF086  }
0x1c: {  	p1 =	slt.u32 s9, $0xF7A;
	s5 =	simm.s32 @!p2 $0x0  }
0x1d: {  	s5 =	simm.s32 @p1 $0x1;
	p0 =	seq.s32 s7, s2  }
0x1e: {  	s7 =	smul.u32 @!p0 $0xF7A, s2;
	p2 =	seq.s32 @!p0 s5, $0x0  }
0x1f: {  	s9 =	smul.u32 $0xF7A, s1;
	s8 =	simm.s32 @!p0 $0x1BF5;
	p2 =	por !p2, p0  }
0x20: {  	[sflag:s8] =	ssyncset.s32 @!p0 $0xFFFFF086;
	s6 =	sadd.s32 @!p0 s3, s7;
	s7 =	simm.s32 @!p0 $0x108  }
0x21: {  	s3 =	sadd.s32 s3, s9;
	s6 =	sadd.s32 @!p0 $0x88, s6;
	s7 =	simm.s32 @p2 $0x1082  }
0x22: {  	[simem:s7], [sflag:s8] =	dma.local @!p0 [hbm:s6], $0xF7A  }
0x23: {  	s9 =	sor.u32 $0xD0000000, s2;
	s6 =	simm.s32 $0x108;
	_ =	swait.ge @!p0 [sflag:s8], $0x0  }
0x24: {  	s3 =	sadd.s32 $0x88, s3;
	s6 =	simm.s32 @!p1 $0x1082;
	[sflag:s4] =	ssyncset.s32 $0xFFFFF086  }
0x25: {  	[simem:s6], [sflag:s4] =	dma.local [hbm:s3], $0xF7A  }
0x26: {  	[smem:$0x3F8C] =	sst s1;
	(tag) =	ssettag s2;
	_ =	strace s9  }
0x27: {  	s1 =	sld [smem:$0x3F9C]  }
0x28: {  	s2 =	sld [smem:$0x3F9D]  }
0x29: {  	s4 =	sld [smem:$0x3F9F]  }
0x2a: {  	p0 =	seq.s32 s5, $0x0;
	s5 =	sld [smem:$0x3FA0]  }
0x2b: {  	s6 =	sld [smem:$0x3FA1]  }
0x2c: {  	s7 =	sld [smem:$0x3FA2]  }
0x2d: {  	s3 =	simm.s32 $0x108;
	s8 =	sld [smem:$0x3FA3]  }
0x2e: {  	s3 =	simm.s32 @!p0 $0x1082;
	s9 =	sld [smem:$0x3FA4]  }
0x2f: {  	lr =	sadd.s32 s0, s3;
	s0 =	sld [smem:$0x3F9B]  }
0x30: {  	s3 =	sld [smem:$0x3F9E]  }
0x31: {  	[smem:$0x3FA7] =	sst s10  }
0x32: {  	s10 =	sld [smem:$0x3FA5];
	_ =	sdelay $0x3  }
0x33: {  	p0 =	seq.s32 s10, $0x1;
	s10 =	sld [smem:$0x3FA7];
	_ =	sdelay $0x3  }
0x34: {  	[smem:$0x3FA7] =	sst s10  }
0x35: {  	s10 =	sld [smem:$0x3FA6];
	_ =	sdelay $0x3  }
0x36: {  	p1 =	seq.s32 s10, $0x1;
	s10 =	sld [smem:$0x3FA7];
	_ =	sdelay $0x3  }
0x37: {  	[smem:$0x3FA7] =	sst s10  }
0x38: {  	s10 =	sld [smem:$0x3FA8]  }
0x39: {  	_ = 	snop;
	(pc) =	sbr.ind lr, $3  }
0x3a: {  	_ = 	snop  }
0x3b: {  	_ = 	snop  }
0x3c: {  	p2 =	seq.s32 s10, $0x1;
	s10 =	sld [smem:$0x3FA7]  }
0x3d: {  	_ =	shalt  }
0x3e: {  	_ =	shalt  }
0x3f: {  	_ =	shalt  }
0x40: {  	_ =	shalt  }
0x41: {  	_ =	shalt  }
0x42: {  	_ =	shalt  }
0x43: {  	_ =	shalt  }
0x44: {  	_ =	shalt  }
0x45: {  	_ =	shalt  }
0x46: {  	_ =	shalt  }
0x47: {  	_ =	shalt  }
0x48: {  	_ =	shalt  }
0x49: {  	_ =	shalt  }
0x4a: {  	_ =	shalt  }
0x4b: {  	_ =	shalt  }
0x4c: {  	_ =	shalt  }
0x4d: {  	_ =	shalt  }
0x4e: {  	_ =	shalt  }
0x4f: {  	_ =	shalt  }
0x50: {  	_ =	shalt  }
0x51: {  	_ =	shalt  }
0x52: {  	_ =	shalt  }
0x53: {  	_ =	shalt  }
0x54: {  	_ =	shalt  }
0x55: {  	_ =	shalt  }
0x56: {  	_ =	shalt  }
0x57: {  	_ =	shalt  }
0x58: {  	_ =	shalt  }
0x59: {  	_ =	shalt  }
0x5a: {  	_ =	shalt  }
0x5b: {  	_ =	shalt  }
0x5c: {  	_ =	shalt  }
0x5d: {  	_ =	shalt  }
0x5e: {  	_ =	shalt  }
0x5f: {  	_ =	shalt  }
0x60: {  	_ =	shalt  }
0x61: {  	_ =	shalt  }
0x62: {  	_ =	shalt  }
0x63: {  	_ =	shalt  }
0x64: {  	_ =	shalt  }
0x65: {  	_ =	shalt  }
0x66: {  	_ =	shalt  }
0x67: {  	_ =	shalt  }
0x68: {  	_ =	shalt  }
0x69: {  	_ =	shalt  }
0x6a: {  	_ =	shalt  }
0x6b: {  	_ =	shalt  }
0x6c: {  	_ =	shalt  }
0x6d: {  	_ =	shalt  }
0x6e: {  	_ =	shalt  }
0x6f: {  	_ =	shalt  }
0x70: {  	_ =	shalt  }
0x71: {  	_ =	shalt  }
0x72: {  	_ =	shalt  }
0x73: {  	_ =	shalt  }
0x74: {  	_ =	shalt  }
0x75: {  	_ =	shalt  }
0x76: {  	_ =	shalt  }
0x77: {  	_ =	shalt  }
0x78: {  	_ =	shalt  }
0x79: {  	_ =	shalt  }
0x7a: {  	_ =	shalt  }
0x7b: {  	_ =	shalt  }
0x7c: {  	_ =	shalt  }
0x7d: {  	_ =	shalt  }
0x7e: {  	_ =	shalt  }
0x7f: {  	_ =	shalt  }
0x80: {  	_ =	shalt  }
0x81: {  	_ =	shalt  }
0x82: {  	_ =	shalt  }
0x83: {  	_ =	shalt  }
0x84: {  	_ =	shalt  }
0x85: {  	_ =	shalt  }
0x86: {  	_ =	shalt  }
0x87: {  	_ =	shalt  }
.Lfunc_end0:
.L_simem_size_0:
called_computation.1_lowered:
.L_overlay_start_0:
0x88: {  	s2 =	sld [smem:$0x3FD9]  }
0x89: {  	s3 =	sld [smem:$0x3FFE];
	_ =	sdelay $0x1  }
0x8a: {  	s1 =	srdreg.scid  }
0x8b: {  	s0 =	sand.u32 $0x1, s1  }
0x8c: {  	s17 =	sshll.u32 s0, $0xA;
	s2 =	sadd.s32 s3, s2  }
0x8d: {  	s2 =	sadd.s32 s2, s17  }
0x8e: {  	[smem:$0x3FB3] =	sst s2  }
0x8f: {  	_ = 	snop  }
0x90: {  	s2 =	sld [smem:$0x3FD0];
	(tm) =	ssettm $0x1  }
0x91: {  	s18 =	sld [smem:$0x3FFB];
	_ =	sdelay $0x3  }
0x92: {  	_ =	strace s18  }
0x93: {  	s3 =	sld [smem:$0x3FFC];
	_ =	sdelay $0x3  }
0x94: {  	_ =	strace s3  }
0x95: {  	s3 =	sld [smem:$0x3FFD];
	_ =	sdelay $0x3  }
0x96: {  	_ =	strace s3  }
0x97: {  	_ =	strace $0x8FFFFFFF  }
0x98: {  	s19 =	sld [smem:$0x3FDB];
	_ =	sdelay $0x1  }
0x99: {  	s4 =	simm.s32 $_scs_section_size  }
0x9a: {  	s5 =	simm.s32 $_size__tile_overlayer_lowered;
	s6 =	simm.s32 $_tile_overlayer_lowered  }
0x9b: {  	s22 =	simm.s32 $0x1BFF;
	s21 =	sshll.u32 s6, $0x1;
	s3 =	sadd.s32 s4, s19  }
0x9c: {  	s7 =	simm.s32 $0x0;
	s20 =	sshll.u32 s5, $0x1;
	s5 =	sadd.s32 s21, s3  }
0x9d: {  	[timem:s7], [sflag:s22] =	dma.local [hbm:s5], s20  }
0x9e: {  	_ =	swait.ge [sflag:s22], s20  }
0x9f: {  	s4 =	ssub.s32 $0x0, s20;
	[sflag:s22] =	ssyncset.done $0x0  }
0xa0: {  	[sflag:s22] =	ssyncadd.s32 s4;
	_ =	sdelay $0x1  }
0xa1: {  	s23 =	simm.s32 $0x1B8B  }
0xa2: {  	_ =	swait.ge [sflag:s23], $0x1  }
0xa3: {  	[sflag:s23] =	ssyncset.done $0x0  }
0xa4: {  	s25 =	simm.s32 $0x1B8E;
	s24 =	sld [smem:$0x3FFE];
	[sflag:s23] =	ssyncadd.s32 $0xFFFFFFFF  }
0xa5: {  	s26 =	simm.s32 $execute0_lowered;
	[smem:$0x3FD2] =	sst s25  }
0xa6: {  	s5 =	sshll.u32 s26, $0x1;
	_ =	strace $0x80000049;
	[dreg:$0x1] =	wrdreg $0xFFFFFFFF  }
0xa7: {  	s28 =	simm.s32 $_size_execute0_lowered;
	s3 =	sadd.s32 s3, s5;
	[dreg:$0x0] =	wrdreg $0x0  }
0xa8: {  	s5 =	sshll.u32 s28, $0x1;
	[dreg:$0x2] =	wrdreg s3  }
0xa9: {  	[dreg:$0x3] =	wrdreg s5  }
0xaa: {  	[dreg:$0x4] =	wrdreg $0xC0  }
0xab: {  	_ =	task [dreg:s7], $0x5FFFF  }
0xac: {  	[dreg:$0x1] =	wrdreg $0xFFFFFFFF  }
0xad: {  	[dreg:$0x0] =	wrdreg $0x60  }
0xae: {  	[dreg:$0x2] =	wrdreg s24  }
0xaf: {  	[dreg:$0x3] =	wrdreg s2  }
0xb0: {  	[dreg:$0x4] =	wrdreg $0x95200  }
0xb1: {  	[dreg:$0x5] =	wrdreg $0x9  }
0xb2: {  	_ =	task.clear_ibuf [dreg:s7], $0x6FFFF;
	_ =	strace $0x90000049  }
0xb3: {  	s29 =	simm.s32 $0x9;
	_ =	strace $0x8000004B  }
0xb4: {  	_ =	swait.ge [sflag:s29], $0x1  }
0xb5: {  	[sflag:s29] =	ssyncadd.s32 $0xFFFFFFFF  }
0xb6: {  	_ =	strace $0x9000004B  }
0xb7: {  	_ =	sfence  }
0xb8: {  	s30 =	sld [smem:$0x0];
	_ =	sdelay $0x2  }
0xb9: {  	s31 =	sshll.u32 s1, $0xD;
	s1 =	sshrl.u32 s1, $0x2  }
0xba: {  	s3 =	sand.u32 $0x4000, s31;
	s1 =	sadd.s32 s1, s30  }
0xbb: {  	s0 =	sor.u32 s3, s0;
	s1 =	sshll.u32 s1, $0x11  }
0xbc: {  	s0 =	sor.u32 s1, s0  }
0xbd: {  	s0 =	sadd.s32 $0x8F2B, s0  }
0xbe: {  	[sflag:s0] =	ssyncadd.remote.s32 $0x1  }
0xbf: {  	_ =	sfence.sel $0xFFFF  }
0xc0: {  	[dreg:$0x0] =	wrdreg $0xFFFFFFFF;
	(pc) =	sbr.abs _section_cstart, $3  }
0xc1: {  	[dreg:$0x1] =	wrdreg $0xFFFFFFFF  }
0xc2: {  	_ =	task.clear_ibuf [dreg:s7], $0x2FFFF;
	_ =	strace $0x9FFFFFFF  }
0xc3: {  	(tm) =	ssettm $0x7FFFFFFF  }
tec
execute0_lowered:
.L_overlay_start_1:
0x0: {  	(tag) =	ssettag $0x1  }
0x1: {  	s0 =	srdreg.scid  }
0x2: {  	s2 =	sand.u32 $0x1, s0  }
0x3: {  	s0 =	stileid.u32;
	s3 =	sshll.u32 s2, $0x4;
	s4 =	smul.u32 $0x4E20, s2  }
0x4: {  	s11 =	ssub.s32 $0x2, s2;
	s2 =	smul.u32 $0x500, s0;
	s14 =	sor.u32 $0x30, s0  }
0x5: {  	s15 =	sor.u32 $0x40, s0;
	s18 =	smul.u32 $0x500, s14  }
0x6: {  	s5 =	rddreg [dreg:$0x0];
	s17 =	sor.u32 $0x50, s0;
	s21 =	smul.u32 $0x500, s15  }
0x7: {  	s1 =	simm.s32 $0x0;
	s19 =	sor.u32 $0x60, s0;
	s24 =	smul.u32 $0x500, s17  }
0x8: {  	[smem:$0x7FF] =	sst s1;
	s3 =	sor.u32 s0, s3;
	s25 =	smul.u32 $0x500, s19  }
0x9: {  	s8 =	sor.u32 $0x10, s0;
	s10 =	sor.u32 $0x20, s0;
	s6 =	smul.u32 $0x500, s3  }
0xa: {  	s20 =	sor.u32 $0x70, s0;
	s12 =	sshrl.u32 s11, $0x1;
	s3 =	smul.u32 $0x500, s8  }
0xb: {  	p0 =	sgt.u32 s20, $0x7C;
	s7 =	sadd.s32 s4, s5;
	s4 =	smul.u32 $0x500, s10  }
0xc: {  	s9 =	ssub.s32 s11, s12;
	s11 =	sshrl.u32 s2, $0x3;
	s8 =	smul.u32 $0x1400, s8  }
0xd: {  	s10 =	smul.u32 $0x1400, s10;
	s12 =	sadd.s32 $0x25C00, s7;
	s22 =	sshrl.u32 s18, $0x3  }
0xe: {  	s23 =	sshrl.u32 s21, $0x3;
	s26 =	sshrl.u32 s24, $0x3;
	s9 =	smax.u32 s9, $0x1  }
0xf: {  	s13 =	sshrl.u32 s3, $0x3;
	s16 =	sshrl.u32 s4, $0x3;
	s11 =	sadd.s32 s11, s12  }
0x10: {  	s22 =	sadd.s32 s22, s12;
	s23 =	sadd.s32 s23, s12;
	[dreg:$0x4] =	wrdreg s11  }
0x11: {  	s6 =	sadd.s32 s6, s5;
	s13 =	sadd.s32 s13, s12;
	[dreg:$0x7] =	wrdreg s22  }
0x12: {  	s16 =	sadd.s32 s16, s12;
	[dreg:$0x8] =	wrdreg s23;
	s22 =	smul.u32 $0x500, s20  }
0x13: {  	s11 =	sadd.s32 s26, s12;
	s23 =	smul.u32 $0x1400, s0;
	[dreg:$0x5] =	wrdreg s13  }
0x14: {  	s26 =	smul.u32 $0x1400, s14;
	[dreg:$0x6] =	wrdreg s16;
	s13 =	sshrl.u32 s25, $0x3  }
0x15: {  	s14 =	sshrl.u32 s8, $0x2;
	[dreg:$0x9] =	wrdreg s11;
	s11 =	sadd.s32 s13, s12  }
0x16: {  	s16 =	sadd.s32 $0xCE00, s6;
	s13 =	sshrl.u32 s22, $0x3;
	[dreg:$0xa] =	wrdreg s11  }
0x17: {  	s6 =	sadd.s32 $0x2E00, s6;
	s11 =	rddreg [dreg:$0x2];
	s12 =	sadd.s32 @!p0 s13, s12  }
0x18: {  	s13 =	sadd.s32 $0x16E00, s5;
	s5 =	sshrl.u32 s23, $0x2;
	s23 =	smul.u32 $0x1400, s19  }
0x19: {  	[dreg:$0xb] =	wrdreg s12;
	s12 =	smul.u32 $0x1400, s15;
	s5 =	sadd.s32 s5, s11  }
0x1a: {  	s15 =	smul.u32 $0x1400, s17;
	s17 =	sshrl.u32 s10, $0x2;
	s2 =	sadd.s32 s2, s11  }
0x1b: {  	s3 =	sadd.s32 s3, s11;
	_ =	strace $0x8000004A;
	[dreg:$0xc] =	wrdreg s16  }
0x1c: {  	s4 =	sadd.s32 s4, s11;
	s24 =	sadd.s32 s24, s11;
	[dreg:$0xd] =	wrdreg s6  }
0x1d: {  	s10 =	sadd.s32 s22, s11;
	s22 =	simm.s32 $0x0;
	[dreg:$0xe] =	wrdreg s9  }
0x1e: {  	s16 =	sadd.s32 $0x1BE00, s7;
	[dreg:$0xf] =	wrdreg s5;
	s5 =	sadd.s32 s14, s11  }
0x1f: {  	s6 =	sshrl.u32 s26, $0x2;
	s26 =	smul.u32 $0x1400, s20;
	s14 =	sshrl.u32 s23, $0x2  }
0x20: {  	s20 =	sadd.s32 s18, s11;
	s23 =	sadd.s32 s21, s11;
	s2 =	sshrl.u32 s2, $0x3  }
0x21: {  	s28 =	sshrl.u32 s3, $0x3;
	s29 =	sshrl.u32 s4, $0x3;
	s9 =	sshrl.u32 s24, $0x3  }
0x22: {  	s3 =	simm.s32 $0x3;
	s4 =	simm.s32 $0x9000;
	s18 =	simm.s32 $0x8000  }
0x23: {  	s21 =	simm.s32 $0x2;
	[dreg:$0x10] =	wrdreg s5;
	s7 =	sshrl.u32 s12, $0x2  }
0x24: {  	s5 =	sadd.s32 s17, s11;
	s6 =	sadd.s32 s6, s11;
	s12 =	sshrl.u32 s15, $0x2  }
0x25: {  	s17 =	sadd.s32 s14, s11;
	[dreg:$0x17] =	wrdreg s2;
	s30 =	sshrl.u32 s20, $0x3  }
0x26: {  	s31 =	sshrl.u32 s23, $0x3;
	s2 =	sshrl.u32 @!p0 s10, $0x3;
	s10 =	simm.s32 $0x5800  }
0x27: {  	s14 =	simm.s32 $0x6800;
	s20 =	simm.s32 $0x1;
	[dreg:$0x11] =	wrdreg s5  }
0x28: {  	[dreg:$0x12] =	wrdreg s6;
	s7 =	sadd.s32 s7, s11;
	s15 =	sshrl.u32 s26, $0x2  }
0x29: {  	s5 =	sadd.s32 s12, s11;
	[dreg:$0x15] =	wrdreg s17;
	s26 =	sadd.s32 s25, s11  }
0x2a: {  	s6 =	simm.s32 $0x80;
	s12 =	simm.s32 $0x6000;
	[dreg:$0x13] =	wrdreg s7  }
0x2b: {  	s17 =	simm.s32 $0x7800;
	[dreg:$0x14] =	wrdreg s5;
	s19 =	sadd.s32 s15, s11  }
0x2c: {  	s8 =	sshrl.u32 s26, $0x3;
	s5 =	simm.s32 $0x4;
	s7 =	simm.s32 $0x5000  }
0x2d: {  	v0 =	vimm.f32 $0.0e+00;
	s15 =	simm.s32 $0x7000;
	[dreg:$0x16] =	wrdreg s19;
	s19 =	simm.s32 $0x8800  }
.LBB2_1:
0x2e: {  	s23 =	rddreg [dreg:$0xc]  }
0x2f: {  	[tilespmem:s1], [sflag:$0x3] =	stream.linear.gather [hbm4b:s23+s1], $0x2800, $0x38;
	[tilespmem:$0xBE30] =	vst v63  }
0x30: {  	_ =	swait.ge [sflag:s3], $0x2800  }
0x31: {  	[sflag:s3] =	ssyncset.done $0x0  }
0x32: {  	s24 =	simm.s32 $0x2800;
	s26 =	rddreg [dreg:$0xd];
	[sflag:s3] =	ssyncadd.s32 $0xFFFFD800  }
0x33: {  	[tilespmem:s24], [sflag:$0x3] =	stream.linear.gather [hbm4b:s26+s1], $0x2800, $0x38;
	[tilespmem:$0xBE30] =	vst v63  }
0x34: {  	_ =	swait.ge [sflag:s3], $0x2800  }
0x35: {  	[sflag:s3] =	ssyncset.done $0x0  }
0x36: {  	[sflag:s3] =	ssyncadd.s32 $0xFFFFD800  }
.Ltmp0:
0x37: {  	s26 =	simm.s32 $0x9500;
	s25 =	rddreg [dreg:$0x1];
	(pc) =	sbr.rel .LBB2_2-.Ltmp0, $4  }
0x38: {  	[tilespmem:s26], [sflag:$0x3] =	stream.linear.gather [hbm4b:s25+s1], $0x20, $0x38;
	[tilespmem:$0xBE30] =	vst v63  }
0x39: {  	_ =	swait.ge [sflag:s3], $0x20  }
0x3a: {  	[sflag:s3] =	ssyncset.done $0x0  }
0x3b: {  	s23 =	simm.s32 $0x0;
	[sflag:s3] =	ssyncadd.s32 $0xFFFFFFE0  }
.LBB2_6:
0x3c: {  	s23 =	sadd.s32 $0x1, s23  }
0x3d: {  	p1 =	sne.s32 s23, $0x8  }
.Ltmp1:
0x3e: {  	_ = 	snop;
	(pc) =	sbr.rel @!p1 .LBB2_7-.Ltmp1, $1  }
0x3f: {  	_ =	sdelay $0x3  }
.LBB2_2:
0x40: {  	s24 =	sshll.u32 s23, $0x4  }
0x41: {  	s24 =	sor.u32 s0, s24  }
0x42: {  	p1 =	sgt.u32 s24, $0x7C  }
.Ltmp2:
0x43: {  	_ = 	snop;
	(pc) =	sbr.rel @p1 .LBB2_6-.Ltmp2, $1  }
0x44: {  	_ =	sdelay $0x3  }
0x45: {  	s24 =	smul.u32 $0xA0, s24;
	_ =	sdelay $0x1  }
0x46: {  	s26 =	simm.s32 $0x0;
	s25 =	sadd.s32 s13, s24  }
0x47: {  	[tilespmem:s4], [sflag:$0x4] =	stream.linear.gather [hbm4b:s25+s26], $0x500, $0x38;
	[tilespmem:$0xBE30] =	vst v63  }
0x48: {  	_ =	swait.ge [sflag:s5], $0x500  }
0x49: {  	[sflag:s5] =	ssyncset.done $0x0  }
0x4a: {  	[sflag:s5] =	ssyncadd.s32 $0xFFFFFB00  }
0x4b: {  	s25 =	simm.s32 $0x0;
	s26 =	simm.s32 $0x40;
	v1 =	vld [tilespmem:$0x9500]  }
.LBB2_4:
0x4c: {  	p1 =	sne.s32 s26, $0x13C0;
	v2 =	vld [tilespmem:s25+$0x9000];
	_ =	sdelay $0x1  }
0x4d: {  	v3 =	vld [tilespmem:$0x9510];
	_ =	sdelay $0x2  }
0x4e: {  	v1 =	vmul.f32 v1, v2;
	_ =	sdelay $0x1  }
.Ltmp3:
0x4f: {  	v1 =	vadd.f32 v3, v1;
	(pc) =	sbr.rel @p1 .LBB2_4-.Ltmp3, $4  }
0x50: {  	_ = 	snop  }
0x51: {  	v1 =	vmax.f32 v1, $0.0e+00  }
0x52: {  	[tilespmem:s25+$0x9000] =	vst v1  }
0x53: {  	s25 =	sshra.s32 s26, $0x2;
	s26 =	sadd.s32 $0x40, s26;
	v1 =	vld [tilespmem:$0x9500]  }
0x54: {  	v2 =	vld [tilespmem:s25+$0x9000];
	_ =	sdelay $0x1  }
0x55: {  	v3 =	vld [tilespmem:$0x9510];
	_ =	sdelay $0x2  }
0x56: {  	v1 =	vmul.f32 v1, v2;
	_ =	sdelay $0x1  }
0x57: {  	v1 =	vadd.f32 v3, v1;
	_ =	sdelay $0x1  }
0x58: {  	v1 =	vmax.f32 v1, $0.0e+00  }
.Ltmp4:
0x59: {  	s24 =	sadd.s32 s24, s16;
	[tilespmem:s25+$0x9000] =	vst v1;
	(pc) =	sbr.rel .LBB2_6-.Ltmp4, $4  }
0x5a: {  	[hbm4b:s24+s1] =	stream.linear.scatter [tilespmem:s4], [sflag:$0x3], $0x500, $0x38;
	[tilespmem:$0xBE30] =	vst v63  }
0x5b: {  	_ =	swait.ge [sflag:s3], $0x500  }
0x5c: {  	[sflag:s3] =	ssyncset.done $0x0  }
0x5d: {  	[sflag:s3] =	ssyncadd.s32 $0xFFFFFB00  }
.LBB2_7:
0x5e: {  	s23 =	simm.s32 $0x40;
	s24 =	simm.s32 $0x0  }
.LBB2_8:
0x5f: {  	p1 =	sne.s32 s23, $0x13C0;
	[tilespmem:s24+$0x9000] =	vst v0;
	s24 =	smov.u32 s23;
	s23 =	sadd.s32 $0x40, s23  }
.Ltmp5:
0x60: {  	(pc) =	sbr.rel @p1 .LBB2_8-.Ltmp5, $2  }
0x61: {  	_ =	sdelay $0x2  }
0x62: {  	s24 =	sshra.s32 s24, $0x2  }
0x63: {  	[tilespmem:s24+$0x9000] =	vst v0;
	s23 =	rddreg [dreg:$0xf]  }
0x64: {  	[spmem:s23] =	stream.linear.scatter [tilespmem:s4], [sflag:$0x3], $0x500, $0x38;
	[tilespmem:$0xBE30] =	vst v63  }
0x65: {  	_ =	swait.ge [sflag:s3], $0x500  }
0x66: {  	[sflag:s3] =	ssyncset.done $0x0  }
0x67: {  	s26 =	rddreg [dreg:$0x10];
	[sflag:s3] =	ssyncadd.s32 $0xFFFFFB00  }
0x68: {  	[spmem:s26] =	stream.linear.scatter [tilespmem:s4], [sflag:$0x3], $0x500, $0x38;
	[tilespmem:$0xBE30] =	vst v63  }
0x69: {  	_ =	swait.ge [sflag:s3], $0x500  }
0x6a: {  	[sflag:s3] =	ssyncset.done $0x0  }
0x6b: {  	s24 =	rddreg [dreg:$0x11];
	[sflag:s3] =	ssyncadd.s32 $0xFFFFFB00  }
0x6c: {  	[spmem:s24] =	stream.linear.scatter [tilespmem:s4], [sflag:$0x3], $0x500, $0x38;
	[tilespmem:$0xBE30] =	vst v63  }
0x6d: {  	_ =	swait.ge [sflag:s3], $0x500  }
0x6e: {  	[sflag:s3] =	ssyncset.done $0x0  }
0x6f: {  	s25 =	rddreg [dreg:$0x12];
	[sflag:s3] =	ssyncadd.s32 $0xFFFFFB00  }
0x70: {  	[spmem:s25] =	stream.linear.scatter [tilespmem:s4], [sflag:$0x3], $0x500, $0x38;
	[tilespmem:$0xBE30] =	vst v63  }
0x71: {  	_ =	swait.ge [sflag:s3], $0x500  }
0x72: {  	[sflag:s3] =	ssyncset.done $0x0  }
0x73: {  	s26 =	rddreg [dreg:$0x13];
	[sflag:s3] =	ssyncadd.s32 $0xFFFFFB00  }
0x74: {  	[spmem:s26] =	stream.linear.scatter [tilespmem:s4], [sflag:$0x3], $0x500, $0x38;
	[tilespmem:$0xBE30] =	vst v63  }
0x75: {  	_ =	swait.ge [sflag:s3], $0x500  }
0x76: {  	[sflag:s3] =	ssyncset.done $0x0  }
0x77: {  	s24 =	rddreg [dreg:$0x14];
	[sflag:s3] =	ssyncadd.s32 $0xFFFFFB00  }
0x78: {  	[spmem:s24] =	stream.linear.scatter [tilespmem:s4], [sflag:$0x3], $0x500, $0x38;
	[tilespmem:$0xBE30] =	vst v63  }
0x79: {  	_ =	swait.ge [sflag:s3], $0x500  }
0x7a: {  	[sflag:s3] =	ssyncset.done $0x0  }
0x7b: {  	s25 =	rddreg [dreg:$0x15];
	[sflag:s3] =	ssyncadd.s32 $0xFFFFFB00  }
0x7c: {  	[spmem:s25] =	stream.linear.scatter [tilespmem:s4], [sflag:$0x3], $0x500, $0x38;
	[tilespmem:$0xBE30] =	vst v63  }
0x7d: {  	_ =	swait.ge [sflag:s3], $0x500  }
0x7e: {  	[sflag:s3] =	ssyncset.done $0x0  }
0x7f: {  	s23 =	simm.s32 @!p0 $0x9000;
	s24 =	rddreg [dreg:$0x16];
	[sflag:s3] =	ssyncadd.s32 $0xFFFFFB00  }
0x80: {  	[spmem:s24] =	stream.linear.scatter @!p0 [tilespmem:s23], [sflag:$0x3], $0x500, $0x38;
	[tilespmem:$0xBE30] =	vst v63  }
0x81: {  	s23 =	simm.s32 @!p0 $0x3  }
0x82: {  	_ =	swait.ge @!p0 [sflag:s23], $0x500  }
0x83: {  	[sflag:s23] =	ssyncset.done @!p0 $0x0  }
0x84: {  	[sflag:s23] =	ssyncadd.s32 @!p0 $0xFFFFFB00  }
0x85: {  	s26 =	simm.s32 $0x0;
	[bflag:$0x0] =	sbarrier.arrive $0xFFFF  }
0x86: {  	[tilespmem:s7], [sflag:$0x1] =	stream.indirect.gather [hbm4b:s16+s6], $0x10, s26, s6, $0xb8;
	[tilespmem:$0xBE30] =	vst v63  }
0x87: {  	s24 =	simm.s32 $0x80  }
0x88: {  	[tilespmem:s10], [sflag:$0x1] =	stream.indirect.gather [hbm4b:s16+s6], $0x10, s24, s6, $0xb8;
	[tilespmem:$0xBE30] =	vst v63  }
0x89: {  	s25 =	simm.s32 $0x100  }
0x8a: {  	[tilespmem:s12], [sflag:$0x1] =	stream.indirect.gather [hbm4b:s16+s6], $0x10, s25, s6, $0xb8;
	[tilespmem:$0xBE30] =	vst v63  }
0x8b: {  	s26 =	simm.s32 $0x180  }
0x8c: {  	[tilespmem:s14], [sflag:$0x1] =	stream.indirect.gather [hbm4b:s16+s6], $0x10, s26, s6, $0xb8;
	[tilespmem:$0xBE30] =	vst v63  }
0x8d: {  	s24 =	simm.s32 $0x200  }
0x8e: {  	[tilespmem:s15], [sflag:$0x1] =	stream.indirect.gather [hbm4b:s16+s6], $0x10, s24, s6, $0xb8;
	[tilespmem:$0xBE30] =	vst v63  }
0x8f: {  	s25 =	simm.s32 $0x280  }
0x90: {  	[tilespmem:s17], [sflag:$0x1] =	stream.indirect.gather [hbm4b:s16+s6], $0x10, s25, s6, $0xb8;
	[tilespmem:$0xBE30] =	vst v63  }
0x91: {  	s26 =	simm.s32 $0x300  }
0x92: {  	[tilespmem:s18], [sflag:$0x1] =	stream.indirect.gather [hbm4b:s16+s6], $0x10, s26, s6, $0xb8;
	[tilespmem:$0xBE30] =	vst v63  }
0x93: {  	s24 =	simm.s32 $0x380  }
0x94: {  	[tilespmem:s19], [sflag:$0x1] =	stream.indirect.gather [hbm4b:s16+s6], $0x10, s24, s6, $0xb8;
	[tilespmem:$0xBE30] =	vst v63  }
0x95: {  	_ =	swait.ge [sflag:s20], $0x800  }
0x96: {  	[sflag:s20] =	ssyncset.done $0x0  }
0x97: {  	[sflag:s20] =	ssyncadd.s32 $0xFFFFF800  }
0x98: {  	_ =	swait.ge [sflag:s20], $0x800  }
0x99: {  	[sflag:s20] =	ssyncset.done $0x0  }
0x9a: {  	[sflag:s20] =	ssyncadd.s32 $0xFFFFF800  }
0x9b: {  	_ =	swait.ge [sflag:s20], $0x800  }
0x9c: {  	[sflag:s20] =	ssyncset.done $0x0  }
0x9d: {  	[sflag:s20] =	ssyncadd.s32 $0xFFFFF800  }
0x9e: {  	_ =	swait.ge [sflag:s20], $0x800  }
0x9f: {  	[sflag:s20] =	ssyncset.done $0x0  }
0xa0: {  	[sflag:s20] =	ssyncadd.s32 $0xFFFFF800  }
0xa1: {  	_ =	swait.ge [sflag:s20], $0x800  }
0xa2: {  	[sflag:s20] =	ssyncset.done $0x0  }
0xa3: {  	[sflag:s20] =	ssyncadd.s32 $0xFFFFF800  }
0xa4: {  	_ =	swait.ge [sflag:s20], $0x800  }
0xa5: {  	[sflag:s20] =	ssyncset.done $0x0  }
0xa6: {  	[sflag:s20] =	ssyncadd.s32 $0xFFFFF800  }
0xa7: {  	_ =	swait.ge [sflag:s20], $0x800  }
0xa8: {  	[sflag:s20] =	ssyncset.done $0x0  }
0xa9: {  	[sflag:s20] =	ssyncadd.s32 $0xFFFFF800  }
0xaa: {  	_ =	swait.ge [sflag:s20], $0x800  }
0xab: {  	[sflag:s20] =	ssyncset.done $0x0  }
0xac: {  	s25 =	simm.s32 $0x2800;
	[sflag:s20] =	ssyncadd.s32 $0xFFFFF800  }
0xad: {  	[spmem:s11] =	stream.indirect.scatter.add.f32 [tilespmem:s7], [sflag:$0x2], $0x10, s25, s6, $0xb8;
	[tilespmem:$0xBE30] =	vst v63  }
0xae: {  	s26 =	simm.s32 $0x2880  }
0xaf: {  	[spmem:s11] =	stream.indirect.scatter.add.f32 [tilespmem:s10], [sflag:$0x2], $0x10, s26, s6, $0xb8;
	[tilespmem:$0xBE30] =	vst v63  }
0xb0: {  	s24 =	simm.s32 $0x2900  }
0xb1: {  	[spmem:s11] =	stream.indirect.scatter.add.f32 [tilespmem:s12], [sflag:$0x2], $0x10, s24, s6, $0xb8;
	[tilespmem:$0xBE30] =	vst v63  }
0xb2: {  	s25 =	simm.s32 $0x2980  }
0xb3: {  	[spmem:s11] =	stream.indirect.scatter.add.f32 [tilespmem:s14], [sflag:$0x2], $0x10, s25, s6, $0xb8;
	[tilespmem:$0xBE30] =	vst v63  }
0xb4: {  	s26 =	simm.s32 $0x2A00  }
0xb5: {  	[spmem:s11] =	stream.indirect.scatter.add.f32 [tilespmem:s15], [sflag:$0x2], $0x10, s26, s6, $0xb8;
	[tilespmem:$0xBE30] =	vst v63  }
0xb6: {  	s24 =	simm.s32 $0x2A80  }
0xb7: {  	[spmem:s11] =	stream.indirect.scatter.add.f32 [tilespmem:s17], [sflag:$0x2], $0x10, s24, s6, $0xb8;
	[tilespmem:$0xBE30] =	vst v63  }
0xb8: {  	s25 =	simm.s32 $0x2B00  }
0xb9: {  	[spmem:s11] =	stream.indirect.scatter.add.f32 [tilespmem:s18], [sflag:$0x2], $0x10, s25, s6, $0xb8;
	[tilespmem:$0xBE30] =	vst v63  }
0xba: {  	s26 =	simm.s32 $0x2B80  }
0xbb: {  	[spmem:s11] =	stream.indirect.scatter.add.f32 [tilespmem:s19], [sflag:$0x2], $0x10, s26, s6, $0xb8;
	[tilespmem:$0xBE30] =	vst v63  }
0xbc: {  	_ =	swait.ge [sflag:s21], $0x800  }
0xbd: {  	[sflag:s21] =	ssyncset.done $0x0  }
0xbe: {  	[sflag:s21] =	ssyncadd.s32 $0xFFFFF800  }
0xbf: {  	_ =	swait.ge [sflag:s21], $0x800  }
0xc0: {  	[sflag:s21] =	ssyncset.done $0x0  }
0xc1: {  	[sflag:s21] =	ssyncadd.s32 $0xFFFFF800  }
0xc2: {  	_ =	swait.ge [sflag:s21], $0x800  }
0xc3: {  	[sflag:s21] =	ssyncset.done $0x0  }
0xc4: {  	[sflag:s21] =	ssyncadd.s32 $0xFFFFF800  }
0xc5: {  	_ =	swait.ge [sflag:s21], $0x800  }
0xc6: {  	[sflag:s21] =	ssyncset.done $0x0  }
0xc7: {  	[sflag:s21] =	ssyncadd.s32 $0xFFFFF800  }
0xc8: {  	_ =	swait.ge [sflag:s21], $0x800  }
0xc9: {  	[sflag:s21] =	ssyncset.done $0x0  }
0xca: {  	[sflag:s21] =	ssyncadd.s32 $0xFFFFF800  }
0xcb: {  	_ =	swait.ge [sflag:s21], $0x800  }
0xcc: {  	[sflag:s21] =	ssyncset.done $0x0  }
0xcd: {  	[sflag:s21] =	ssyncadd.s32 $0xFFFFF800  }
0xce: {  	_ =	swait.ge [sflag:s21], $0x800  }
0xcf: {  	[sflag:s21] =	ssyncset.done $0x0  }
0xd0: {  	[sflag:s21] =	ssyncadd.s32 $0xFFFFF800  }
0xd1: {  	_ =	swait.ge [sflag:s21], $0x800  }
0xd2: {  	s23 =	simm.s32 $0x1000;
	s26 =	simm.s32 $0x2000;
	[sflag:s21] =	ssyncset.done $0x0  }
.LBB2_10:
0xd3: {  	s25 =	sshra.s32 s23, $0x2  }
0xd4: {  	[sflag:s21] =	ssyncadd.s32 $0xFFFFF800;
	s23 =	smov.u32 s26;
	s24 =	sadd.s32 $0x1000, s26  }
0xd5: {  	[tilespmem:s7], [sflag:$0x1] =	stream.indirect.gather [hbm4b:s16+s6], $0x10, s25, s6, $0xb8;
	[tilespmem:$0xBE30] =	vst v63  }
0xd6: {  	p1 =	sne.s32 s26, $0x9000;
	s26 =	sadd.s32 $0x80, s25  }
0xd7: {  	[tilespmem:s10], [sflag:$0x1] =	stream.indirect.gather [hbm4b:s16+s6], $0x10, s26, s6, $0xb8;
	[tilespmem:$0xBE30] =	vst v63  }
0xd8: {  	s26 =	sadd.s32 $0x100, s25  }
0xd9: {  	[tilespmem:s12], [sflag:$0x1] =	stream.indirect.gather [hbm4b:s16+s6], $0x10, s26, s6, $0xb8;
	[tilespmem:$0xBE30] =	vst v63  }
0xda: {  	s26 =	sadd.s32 $0x180, s25  }
0xdb: {  	[tilespmem:s14], [sflag:$0x1] =	stream.indirect.gather [hbm4b:s16+s6], $0x10, s26, s6, $0xb8;
	[tilespmem:$0xBE30] =	vst v63  }
0xdc: {  	s26 =	sadd.s32 $0x200, s25  }
0xdd: {  	[tilespmem:s15], [sflag:$0x1] =	stream.indirect.gather [hbm4b:s16+s6], $0x10, s26, s6, $0xb8;
	[tilespmem:$0xBE30] =	vst v63  }
0xde: {  	s26 =	sadd.s32 $0x280, s25  }
0xdf: {  	[tilespmem:s17], [sflag:$0x1] =	stream.indirect.gather [hbm4b:s16+s6], $0x10, s26, s6, $0xb8;
	[tilespmem:$0xBE30] =	vst v63  }
0xe0: {  	s26 =	sadd.s32 $0x300, s25  }
0xe1: {  	[tilespmem:s18], [sflag:$0x1] =	stream.indirect.gather [hbm4b:s16+s6], $0x10, s26, s6, $0xb8;
	[tilespmem:$0xBE30] =	vst v63  }
0xe2: {  	s26 =	sadd.s32 $0x380, s25  }
0xe3: {  	[tilespmem:s19], [sflag:$0x1] =	stream.indirect.gather [hbm4b:s16+s6], $0x10, s26, s6, $0xb8;
	[tilespmem:$0xBE30] =	vst v63  }
0xe4: {  	_ =	swait.ge [sflag:s20], $0x800  }
0xe5: {  	[sflag:s20] =	ssyncset.done $0x0  }
0xe6: {  	[sflag:s20] =	ssyncadd.s32 $0xFFFFF800  }
0xe7: {  	_ =	swait.ge [sflag:s20], $0x800  }
0xe8: {  	[sflag:s20] =	ssyncset.done $0x0  }
0xe9: {  	[sflag:s20] =	ssyncadd.s32 $0xFFFFF800  }
0xea: {  	_ =	swait.ge [sflag:s20], $0x800  }
0xeb: {  	[sflag:s20] =	ssyncset.done $0x0  }
0xec: {  	[sflag:s20] =	ssyncadd.s32 $0xFFFFF800  }
0xed: {  	_ =	swait.ge [sflag:s20], $0x800  }
0xee: {  	[sflag:s20] =	ssyncset.done $0x0  }
0xef: {  	[sflag:s20] =	ssyncadd.s32 $0xFFFFF800  }
0xf0: {  	_ =	swait.ge [sflag:s20], $0x800  }
0xf1: {  	[sflag:s20] =	ssyncset.done $0x0  }
0xf2: {  	[sflag:s20] =	ssyncadd.s32 $0xFFFFF800  }
0xf3: {  	_ =	swait.ge [sflag:s20], $0x800  }
0xf4: {  	[sflag:s20] =	ssyncset.done $0x0  }
0xf5: {  	[sflag:s20] =	ssyncadd.s32 $0xFFFFF800  }
0xf6: {  	_ =	swait.ge [sflag:s20], $0x800  }
0xf7: {  	[sflag:s20] =	ssyncset.done $0x0  }
0xf8: {  	[sflag:s20] =	ssyncadd.s32 $0xFFFFF800  }
0xf9: {  	_ =	swait.ge [sflag:s20], $0x800  }
0xfa: {  	[sflag:s20] =	ssyncset.done $0x0  }
0xfb: {  	s26 =	sadd.s32 $0x2800, s25;
	[sflag:s20] =	ssyncadd.s32 $0xFFFFF800  }
0xfc: {  	[spmem:s11] =	stream.indirect.scatter.add.f32 [tilespmem:s7], [sflag:$0x2], $0x10, s26, s6, $0xb8;
	[tilespmem:$0xBE30] =	vst v63  }
0xfd: {  	s26 =	sadd.s32 $0x2880, s25  }
0xfe: {  	[spmem:s11] =	stream.indirect.scatter.add.f32 [tilespmem:s10], [sflag:$0x2], $0x10, s26, s6, $0xb8;
	[tilespmem:$0xBE30] =	vst v63  }
0xff: {  	s26 =	sadd.s32 $0x2900, s25  }
0x100: {  	[spmem:s11] =	stream.indirect.scatter.add.f32 [tilespmem:s12], [sflag:$0x2], $0x10, s26, s6, $0xb8;
	[tilespmem:$0xBE30] =	vst v63  }
0x101: {  	s26 =	sadd.s32 $0x2980, s25  }
0x102: {  	[spmem:s11] =	stream.indirect.scatter.add.f32 [tilespmem:s14], [sflag:$0x2], $0x10, s26, s6, $0xb8;
	[tilespmem:$0xBE30] =	vst v63  }
0x103: {  	s26 =	sadd.s32 $0x2A00, s25  }
0x104: {  	[spmem:s11] =	stream.indirect.scatter.add.f32 [tilespmem:s15], [sflag:$0x2], $0x10, s26, s6, $0xb8;
	[tilespmem:$0xBE30] =	vst v63  }
0x105: {  	s26 =	sadd.s32 $0x2A80, s25  }
0x106: {  	[spmem:s11] =	stream.indirect.scatter.add.f32 [tilespmem:s17], [sflag:$0x2], $0x10, s26, s6, $0xb8;
	[tilespmem:$0xBE30] =	vst v63  }
0x107: {  	s26 =	sadd.s32 $0x2B00, s25  }
0x108: {  	[spmem:s11] =	stream.indirect.scatter.add.f32 [tilespmem:s18], [sflag:$0x2], $0x10, s26, s6, $0xb8;
	[tilespmem:$0xBE30] =	vst v63  }
0x109: {  	s25 =	sadd.s32 $0x2B80, s25  }
0x10a: {  	[spmem:s11] =	stream.indirect.scatter.add.f32 [tilespmem:s19], [sflag:$0x2], $0x10, s25, s6, $0xb8;
	[tilespmem:$0xBE30] =	vst v63  }
0x10b: {  	_ =	swait.ge [sflag:s21], $0x800  }
0x10c: {  	[sflag:s21] =	ssyncset.done $0x0  }
0x10d: {  	[sflag:s21] =	ssyncadd.s32 $0xFFFFF800  }
0x10e: {  	_ =	swait.ge [sflag:s21], $0x800  }
0x10f: {  	[sflag:s21] =	ssyncset.done $0x0  }
0x110: {  	[sflag:s21] =	ssyncadd.s32 $0xFFFFF800  }
0x111: {  	_ =	swait.ge [sflag:s21], $0x800  }
0x112: {  	[sflag:s21] =	ssyncset.done $0x0  }
0x113: {  	[sflag:s21] =	ssyncadd.s32 $0xFFFFF800  }
0x114: {  	_ =	swait.ge [sflag:s21], $0x800  }
0x115: {  	[sflag:s21] =	ssyncset.done $0x0  }
0x116: {  	[sflag:s21] =	ssyncadd.s32 $0xFFFFF800  }
0x117: {  	_ =	swait.ge [sflag:s21], $0x800  }
0x118: {  	[sflag:s21] =	ssyncset.done $0x0  }
0x119: {  	[sflag:s21] =	ssyncadd.s32 $0xFFFFF800  }
0x11a: {  	_ =	swait.ge [sflag:s21], $0x800  }
0x11b: {  	[sflag:s21] =	ssyncset.done $0x0  }
0x11c: {  	[sflag:s21] =	ssyncadd.s32 $0xFFFFF800  }
.Ltmp6:
0x11d: {  	_ =	swait.ge [sflag:s21], $0x800;
	(pc) =	sbr.rel @p1 .LBB2_10-.Ltmp6, $4  }
0x11e: {  	[sflag:s21] =	ssyncset.done $0x0  }
0x11f: {  	[sflag:s21] =	ssyncadd.s32 $0xFFFFF800  }
0x120: {  	_ =	swait.ge [sflag:s21], $0x800  }
0x121: {  	s26 =	smov.u32 s24;
	[sflag:s21] =	ssyncset.done $0x0  }
0x122: {  	s23 =	sshra.s32 s23, $0x2;
	[sflag:s21] =	ssyncadd.s32 $0xFFFFF800  }
0x123: {  	[tilespmem:s7], [sflag:$0x1] =	stream.indirect.gather [hbm4b:s16+s6], $0x10, s23, s6, $0xb8;
	[tilespmem:$0xBE30] =	vst v63  }
0x124: {  	s24 =	sadd.s32 $0x80, s23  }
0x125: {  	[tilespmem:s10], [sflag:$0x1] =	stream.indirect.gather [hbm4b:s16+s6], $0x10, s24, s6, $0xb8;
	[tilespmem:$0xBE30] =	vst v63  }
0x126: {  	s26 =	sadd.s32 $0x100, s23  }
0x127: {  	[tilespmem:s12], [sflag:$0x1] =	stream.indirect.gather [hbm4b:s16+s6], $0x10, s26, s6, $0xb8;
	[tilespmem:$0xBE30] =	vst v63  }
0x128: {  	s25 =	sadd.s32 $0x180, s23  }
0x129: {  	[tilespmem:s14], [sflag:$0x1] =	stream.indirect.gather [hbm4b:s16+s6], $0x10, s25, s6, $0xb8;
	[tilespmem:$0xBE30] =	vst v63  }
0x12a: {  	s26 =	sadd.s32 $0x200, s23  }
0x12b: {  	[tilespmem:s15], [sflag:$0x1] =	stream.indirect.gather [hbm4b:s16+s6], $0x10, s26, s6, $0xb8;
	[tilespmem:$0xBE30] =	vst v63  }
0x12c: {  	s25 =	sadd.s32 $0x280, s23  }
0x12d: {  	[tilespmem:s17], [sflag:$0x1] =	stream.indirect.gather [hbm4b:s16+s6], $0x10, s25, s6, $0xb8;
	[tilespmem:$0xBE30] =	vst v63  }
0x12e: {  	s26 =	sadd.s32 $0x300, s23  }
0x12f: {  	[tilespmem:s18], [sflag:$0x1] =	stream.indirect.gather [hbm4b:s16+s6], $0x10, s26, s6, $0xb8;
	[tilespmem:$0xBE30] =	vst v63  }
0x130: {  	s25 =	sadd.s32 $0x380, s23  }
0x131: {  	[tilespmem:s19], [sflag:$0x1] =	stream.indirect.gather [hbm4b:s16+s6], $0x10, s25, s6, $0xb8;
	[tilespmem:$0xBE30] =	vst v63  }
0x132: {  	_ =	swait.ge [sflag:s20], $0x800  }
0x133: {  	[sflag:s20] =	ssyncset.done $0x0  }
0x134: {  	[sflag:s20] =	ssyncadd.s32 $0xFFFFF800  }
0x135: {  	_ =	swait.ge [sflag:s20], $0x800  }
0x136: {  	[sflag:s20] =	ssyncset.done $0x0  }
0x137: {  	[sflag:s20] =	ssyncadd.s32 $0xFFFFF800  }
0x138: {  	_ =	swait.ge [sflag:s20], $0x800  }
0x139: {  	[sflag:s20] =	ssyncset.done $0x0  }
0x13a: {  	[sflag:s20] =	ssyncadd.s32 $0xFFFFF800  }
0x13b: {  	_ =	swait.ge [sflag:s20], $0x800  }
0x13c: {  	[sflag:s20] =	ssyncset.done $0x0  }
0x13d: {  	[sflag:s20] =	ssyncadd.s32 $0xFFFFF800  }
0x13e: {  	_ =	swait.ge [sflag:s20], $0x800  }
0x13f: {  	[sflag:s20] =	ssyncset.done $0x0  }
0x140: {  	[sflag:s20] =	ssyncadd.s32 $0xFFFFF800  }
0x141: {  	_ =	swait.ge [sflag:s20], $0x800  }
0x142: {  	[sflag:s20] =	ssyncset.done $0x0  }
0x143: {  	[sflag:s20] =	ssyncadd.s32 $0xFFFFF800  }
0x144: {  	_ =	swait.ge [sflag:s20], $0x800  }
0x145: {  	[sflag:s20] =	ssyncset.done $0x0  }
0x146: {  	[sflag:s20] =	ssyncadd.s32 $0xFFFFF800  }
0x147: {  	_ =	swait.ge [sflag:s20], $0x800  }
0x148: {  	[sflag:s20] =	ssyncset.done $0x0  }
0x149: {  	s26 =	sadd.s32 $0x2800, s23;
	[sflag:s20] =	ssyncadd.s32 $0xFFFFF800  }
0x14a: {  	[spmem:s11] =	stream.indirect.scatter.add.f32 [tilespmem:s7], [sflag:$0x2], $0x10, s26, s6, $0xb8;
	[tilespmem:$0xBE30] =	vst v63  }
0x14b: {  	s25 =	sadd.s32 $0x2880, s23  }
0x14c: {  	[spmem:s11] =	stream.indirect.scatter.add.f32 [tilespmem:s10], [sflag:$0x2], $0x10, s25, s6, $0xb8;
	[tilespmem:$0xBE30] =	vst v63  }
0x14d: {  	s26 =	sadd.s32 $0x2900, s23  }
0x14e: {  	[spmem:s11] =	stream.indirect.scatter.add.f32 [tilespmem:s12], [sflag:$0x2], $0x10, s26, s6, $0xb8;
	[tilespmem:$0xBE30] =	vst v63  }
0x14f: {  	s25 =	sadd.s32 $0x2980, s23  }
0x150: {  	[spmem:s11] =	stream.indirect.scatter.add.f32 [tilespmem:s14], [sflag:$0x2], $0x10, s25, s6, $0xb8;
	[tilespmem:$0xBE30] =	vst v63  }
0x151: {  	s26 =	sadd.s32 $0x2A00, s23  }
0x152: {  	[spmem:s11] =	stream.indirect.scatter.add.f32 [tilespmem:s15], [sflag:$0x2], $0x10, s26, s6, $0xb8;
	[tilespmem:$0xBE30] =	vst v63  }
0x153: {  	s25 =	sadd.s32 $0x2A80, s23  }
0x154: {  	[spmem:s11] =	stream.indirect.scatter.add.f32 [tilespmem:s17], [sflag:$0x2], $0x10, s25, s6, $0xb8;
	[tilespmem:$0xBE30] =	vst v63  }
0x155: {  	s26 =	sadd.s32 $0x2B00, s23  }
0x156: {  	[spmem:s11] =	stream.indirect.scatter.add.f32 [tilespmem:s18], [sflag:$0x2], $0x10, s26, s6, $0xb8;
	[tilespmem:$0xBE30] =	vst v63  }
0x157: {  	s23 =	sadd.s32 $0x2B80, s23  }
0x158: {  	[spmem:s11] =	stream.indirect.scatter.add.f32 [tilespmem:s19], [sflag:$0x2], $0x10, s23, s6, $0xb8;
	[tilespmem:$0xBE30] =	vst v63  }
0x159: {  	_ =	swait.ge [sflag:s21], $0x800  }
0x15a: {  	[sflag:s21] =	ssyncset.done $0x0  }
0x15b: {  	[sflag:s21] =	ssyncadd.s32 $0xFFFFF800  }
0x15c: {  	_ =	swait.ge [sflag:s21], $0x800  }
0x15d: {  	[sflag:s21] =	ssyncset.done $0x0  }
0x15e: {  	[sflag:s21] =	ssyncadd.s32 $0xFFFFF800  }
0x15f: {  	_ =	swait.ge [sflag:s21], $0x800  }
0x160: {  	[sflag:s21] =	ssyncset.done $0x0  }
0x161: {  	[sflag:s21] =	ssyncadd.s32 $0xFFFFF800  }
0x162: {  	_ =	swait.ge [sflag:s21], $0x800  }
0x163: {  	[sflag:s21] =	ssyncset.done $0x0  }
0x164: {  	[sflag:s21] =	ssyncadd.s32 $0xFFFFF800  }
0x165: {  	_ =	swait.ge [sflag:s21], $0x800  }
0x166: {  	[sflag:s21] =	ssyncset.done $0x0  }
0x167: {  	[sflag:s21] =	ssyncadd.s32 $0xFFFFF800  }
0x168: {  	_ =	swait.ge [sflag:s21], $0x800  }
0x169: {  	[sflag:s21] =	ssyncset.done $0x0  }
0x16a: {  	[sflag:s21] =	ssyncadd.s32 $0xFFFFF800  }
0x16b: {  	_ =	swait.ge [sflag:s21], $0x800  }
0x16c: {  	[sflag:s21] =	ssyncset.done $0x0  }
0x16d: {  	[sflag:s21] =	ssyncadd.s32 $0xFFFFF800  }
0x16e: {  	_ =	swait.ge [sflag:s21], $0x800  }
0x16f: {  	[sflag:s21] =	ssyncset.done $0x0  }
0x170: {  	[sflag:s21] =	ssyncadd.s32 $0xFFFFF800  }
0x171: {  	[bflag:$0x0] =	sbarrier.arrive $0xFFFF  }
0x172: {  	s25 =	sshll.u32 s0, $0x6;
	s26 =	rddreg [dreg:$0x4]  }
0x173: {  	s23 =	sor.u32 $0x1C03, s25;
	s25 =	rddreg [dreg:$0x17]  }
0x174: {  	[hbm:s26], [sflag:s23] =	dma.local [spmem:s25], $0xA0  }
0x175: {  	_ =	swait.ge [sflag:s3], $0xA0  }
0x176: {  	[sflag:s3] =	ssyncset.done $0x0  }
0x177: {  	s26 =	rddreg [dreg:$0x5];
	[sflag:s3] =	ssyncadd.s32 $0xFFFFFF60  }
0x178: {  	[hbm:s26], [sflag:s23] =	dma.local [spmem:s28], $0xA0  }
0x179: {  	_ =	swait.ge [sflag:s3], $0xA0  }
0x17a: {  	[sflag:s3] =	ssyncset.done $0x0  }
0x17b: {  	s25 =	rddreg [dreg:$0x6];
	[sflag:s3] =	ssyncadd.s32 $0xFFFFFF60  }
0x17c: {  	[hbm:s25], [sflag:s23] =	dma.local [spmem:s29], $0xA0  }
0x17d: {  	_ =	swait.ge [sflag:s3], $0xA0  }
0x17e: {  	[sflag:s3] =	ssyncset.done $0x0  }
0x17f: {  	s26 =	rddreg [dreg:$0x7];
	[sflag:s3] =	ssyncadd.s32 $0xFFFFFF60  }
0x180: {  	[hbm:s26], [sflag:s23] =	dma.local [spmem:s30], $0xA0  }
0x181: {  	_ =	swait.ge [sflag:s3], $0xA0  }
0x182: {  	[sflag:s3] =	ssyncset.done $0x0  }
0x183: {  	s25 =	rddreg [dreg:$0x8];
	[sflag:s3] =	ssyncadd.s32 $0xFFFFFF60  }
0x184: {  	[hbm:s25], [sflag:s23] =	dma.local [spmem:s31], $0xA0  }
0x185: {  	_ =	swait.ge [sflag:s3], $0xA0  }
0x186: {  	[sflag:s3] =	ssyncset.done $0x0  }
0x187: {  	s26 =	rddreg [dreg:$0x9];
	[sflag:s3] =	ssyncadd.s32 $0xFFFFFF60  }
0x188: {  	[hbm:s26], [sflag:s23] =	dma.local [spmem:s9], $0xA0  }
0x189: {  	_ =	swait.ge [sflag:s3], $0xA0  }
0x18a: {  	[sflag:s3] =	ssyncset.done $0x0  }
0x18b: {  	s25 =	rddreg [dreg:$0xa];
	[sflag:s3] =	ssyncadd.s32 $0xFFFFFF60  }
0x18c: {  	[hbm:s25], [sflag:s23] =	dma.local [spmem:s8], $0xA0  }
0x18d: {  	_ =	swait.ge [sflag:s3], $0xA0  }
0x18e: {  	[sflag:s3] =	ssyncset.done $0x0  }
0x18f: {  	s24 =	rddreg [dreg:$0xb];
	[sflag:s3] =	ssyncadd.s32 $0xFFFFFF60  }
0x190: {  	[hbm:s24], [sflag:s23] =	dma.local @!p0 [spmem:s2], $0xA0  }
0x191: {  	s23 =	simm.s32 @!p0 $0x3  }
0x192: {  	_ =	swait.ge @!p0 [sflag:s23], $0xA0  }
0x193: {  	s22 =	sadd.s32 $0x1, s22;
	s26 =	rddreg [dreg:$0xe]  }
0x194: {  	p1 =	sne.s32 s22, s26  }
.Ltmp7:
0x195: {  	_ = 	snop;
	(pc) =	sbr.rel @p1 .LBB2_1-.Ltmp7, $3  }
0x196: {  	_ =	sdelay $0x1  }
0x197: {  	[sflag:s23] =	ssyncset.done @!p0 $0x0  }
0x198: {  	[sflag:s23] =	ssyncadd.s32 @!p0 $0xFFFFFF60  }
0x199: {  	_ =	sfence.sel $0x180000  }
0x19a: {  	[bflag:$0x0] =	sbarrier.arrive $0xFFFF  }
0x19b: {  	_ =	strace $0x9000004A  }
0x19c: {  	[bflag:$0x2] =	sbarrier.arrive $0xFFFF  }
0x19d: {  	p0 =	sne.s32 s0, $0x0;
	s0 =	rddreg [dreg:$0x3]  }
0x19e: {  	s0 =	sadd.s32 @!p0 $0x100000, s0  }
0x19f: {  	[sflag:s0] =	ssyncadd.tile.s32 @!p0 $0x1;
	_ =	shalt  }
.Lfunc_end2:
_tile_overlayer_lowered:
.L_overlay_start_2:
0x1a0: {  	(tag) =	ssettag $0x2  }
0x1a1: {  	s0 =	rddreg [dreg:$0x0];
	s2 =	stileid.u32  }
0x1a2: {  	s1 =	rddreg [dreg:$0x1];
	p0 =	sne.s32 s2, $0x0  }
0x1a3: {  	s3 =	rddreg [dreg:$0x2];
	[bflag:$0x3] =	sbarrier.arrive $0xFFFF;
	s2 =	simm.s32 @!p0 $0x1C03  }
0x1a4: {  	[timem:s3], [sflag:s2] =	dma.local @!p0 [hbm:s0], s1  }
0x1a5: {  	s0 =	simm.s32 @!p0 $0x3  }
0x1a6: {  	_ =	swait.ge @!p0 [sflag:s0], s1  }
0x1a7: {  	s1 =	ssub.s32 @!p0 $0x0, s1;
	[sflag:s0] =	ssyncset.done @!p0 $0x0  }
0x1a8: {  	[sflag:s0] =	ssyncadd.s32 @!p0 s1  }
0x1a9: {  	[bflag:$0x3] =	sbarrier.arrive $0xFFFF  }
0x1aa: {  	_ =	shalt  }

// kernel: kernel.7.cloned.1.call-start
scs
__scs_entry_jumppad:
0x0: {  	(pc) =	sbr.rel $0x88, $3  }
0x1: {  	(tag) =	ssettag $0x0;
	lr =	simm.s32 $0x1  }
0x2: {  	[smem:$0x3F8C] =	sst lr;
	_ =	strace $0xD0000000  }
0x3: {  	_ = 	snop  }
0x4: {  	_ = 	snop  }
0x5: {  	_ = 	snop  }
0x6: {  	_ = 	snop  }
0x7: {  	_ = 	snop  }
__scs_overlays_trampoline_lowered:
0x8: {  	[smem:$0x3F9B] =	sst s0  }
0x9: {  	[smem:$0x3F9C] =	sst s1  }
0xa: {  	[smem:$0x3F9D] =	sst s2  }
0xb: {  	[smem:$0x3F9E] =	sst s3  }
0xc: {  	[smem:$0x3F9F] =	sst s4  }
0xd: {  	[smem:$0x3FA0] =	sst s5  }
0xe: {  	[smem:$0x3FA1] =	sst s6  }
0xf: {  	[smem:$0x3FA2] =	sst s7  }
0x10: {  	[smem:$0x3FA3] =	sst s8  }
0x11: {  	[smem:$0x3FA4] =	sst s9;
	s0 =	simm.s32 @!p0 $0x0  }
0x12: {  	s1 =	sld [smem:$0x3F8A];
	s0 =	simm.s32 @p0 $0x1  }
0x13: {  	[smem:$0x3FA5] =	sst s0;
	s0 =	simm.s32 @!p1 $0x0  }
0x14: {  	s2 =	sld [smem:$0x3F89];
	s0 =	simm.s32 @p1 $0x1  }
0x15: {  	[smem:$0x3FA6] =	sst s0;
	s0 =	simm.s32 @!p2 $0x0  }
0x16: {  	s3 =	sld [smem:$0x3FDB];
	s0 =	simm.s32 @p2 $0x1  }
0x17: {  	s4 =	simm.s32 $0x1BF5;
	[smem:$0x3FA8] =	sst s0  }
0x18: {  	s0 =	sld [smem:$0x3F8B];
	_ =	swait.ge [sflag:s4], $0x0  }
0x19: {  	s7 =	sld [smem:$0x3F8C]  }
0x1a: {  	s8 =	sadd.s32 $0xFFFFE003, lr  }
0x1b: {  	s9 =	sadd.s32 $0xFFFFFEF7, lr;
	s5 =	simm.s32 $0xFFFFFFFF;
	p2 =	slt.u32 s8, $0xFFFFF086  }
0x1c: {  	p1 =	slt.u32 s9, $0xF7A;
	s5 =	simm.s32 @!p2 $0x0  }
0x1d: {  	s5 =	simm.s32 @p1 $0x1;
	p0 =	seq.s32 s7, s2  }
0x1e: {  	s7 =	smul.u32 @!p0 $0xF7A, s2;
	p2 =	seq.s32 @!p0 s5, $0x0  }
0x1f: {  	s9 =	smul.u32 $0xF7A, s1;
	s8 =	simm.s32 @!p0 $0x1BF5;
	p2 =	por !p2, p0  }
0x20: {  	[sflag:s8] =	ssyncset.s32 @!p0 $0xFFFFF086;
	s6 =	sadd.s32 @!p0 s3, s7;
	s7 =	simm.s32 @!p0 $0x108  }
0x21: {  	s3 =	sadd.s32 s3, s9;
	s6 =	sadd.s32 @!p0 $0x88, s6;
	s7 =	simm.s32 @p2 $0x1082  }
0x22: {  	[simem:s7], [sflag:s8] =	dma.local @!p0 [hbm:s6], $0xF7A  }
0x23: {  	s9 =	sor.u32 $0xD0000000, s2;
	s6 =	simm.s32 $0x108;
	_ =	swait.ge @!p0 [sflag:s8], $0x0  }
0x24: {  	s3 =	sadd.s32 $0x88, s3;
	s6 =	simm.s32 @!p1 $0x1082;
	[sflag:s4] =	ssyncset.s32 $0xFFFFF086  }
0x25: {  	[simem:s6], [sflag:s4] =	dma.local [hbm:s3], $0xF7A  }
0x26: {  	[smem:$0x3F8C] =	sst s1;
	(tag) =	ssettag s2;
	_ =	strace s9  }
0x27: {  	s1 =	sld [smem:$0x3F9C]  }
0x28: {  	s2 =	sld [smem:$0x3F9D]  }
0x29: {  	s4 =	sld [smem:$0x3F9F]  }
0x2a: {  	p0 =	seq.s32 s5, $0x0;
	s5 =	sld [smem:$0x3FA0]  }
0x2b: {  	s6 =	sld [smem:$0x3FA1]  }
0x2c: {  	s7 =	sld [smem:$0x3FA2]  }
0x2d: {  	s3 =	simm.s32 $0x108;
	s8 =	sld [smem:$0x3FA3]  }
0x2e: {  	s3 =	simm.s32 @!p0 $0x1082;
	s9 =	sld [smem:$0x3FA4]  }
0x2f: {  	lr =	sadd.s32 s0, s3;
	s0 =	sld [smem:$0x3F9B]  }
0x30: {  	s3 =	sld [smem:$0x3F9E]  }
0x31: {  	[smem:$0x3FA7] =	sst s10  }
0x32: {  	s10 =	sld [smem:$0x3FA5];
	_ =	sdelay $0x3  }
0x33: {  	p0 =	seq.s32 s10, $0x1;
	s10 =	sld [smem:$0x3FA7];
	_ =	sdelay $0x3  }
0x34: {  	[smem:$0x3FA7] =	sst s10  }
0x35: {  	s10 =	sld [smem:$0x3FA6];
	_ =	sdelay $0x3  }
0x36: {  	p1 =	seq.s32 s10, $0x1;
	s10 =	sld [smem:$0x3FA7];
	_ =	sdelay $0x3  }
0x37: {  	[smem:$0x3FA7] =	sst s10  }
0x38: {  	s10 =	sld [smem:$0x3FA8]  }
0x39: {  	_ = 	snop;
	(pc) =	sbr.ind lr, $3  }
0x3a: {  	_ = 	snop  }
0x3b: {  	_ = 	snop  }
0x3c: {  	p2 =	seq.s32 s10, $0x1;
	s10 =	sld [smem:$0x3FA7]  }
0x3d: {  	_ =	shalt  }
0x3e: {  	_ =	shalt  }
0x3f: {  	_ =	shalt  }
0x40: {  	_ =	shalt  }
0x41: {  	_ =	shalt  }
0x42: {  	_ =	shalt  }
0x43: {  	_ =	shalt  }
0x44: {  	_ =	shalt  }
0x45: {  	_ =	shalt  }
0x46: {  	_ =	shalt  }
0x47: {  	_ =	shalt  }
0x48: {  	_ =	shalt  }
0x49: {  	_ =	shalt  }
0x4a: {  	_ =	shalt  }
0x4b: {  	_ =	shalt  }
0x4c: {  	_ =	shalt  }
0x4d: {  	_ =	shalt  }
0x4e: {  	_ =	shalt  }
0x4f: {  	_ =	shalt  }
0x50: {  	_ =	shalt  }
0x51: {  	_ =	shalt  }
0x52: {  	_ =	shalt  }
0x53: {  	_ =	shalt  }
0x54: {  	_ =	shalt  }
0x55: {  	_ =	shalt  }
0x56: {  	_ =	shalt  }
0x57: {  	_ =	shalt  }
0x58: {  	_ =	shalt  }
0x59: {  	_ =	shalt  }
0x5a: {  	_ =	shalt  }
0x5b: {  	_ =	shalt  }
0x5c: {  	_ =	shalt  }
0x5d: {  	_ =	shalt  }
0x5e: {  	_ =	shalt  }
0x5f: {  	_ =	shalt  }
0x60: {  	_ =	shalt  }
0x61: {  	_ =	shalt  }
0x62: {  	_ =	shalt  }
0x63: {  	_ =	shalt  }
0x64: {  	_ =	shalt  }
0x65: {  	_ =	shalt  }
0x66: {  	_ =	shalt  }
0x67: {  	_ =	shalt  }
0x68: {  	_ =	shalt  }
0x69: {  	_ =	shalt  }
0x6a: {  	_ =	shalt  }
0x6b: {  	_ =	shalt  }
0x6c: {  	_ =	shalt  }
0x6d: {  	_ =	shalt  }
0x6e: {  	_ =	shalt  }
0x6f: {  	_ =	shalt  }
0x70: {  	_ =	shalt  }
0x71: {  	_ =	shalt  }
0x72: {  	_ =	shalt  }
0x73: {  	_ =	shalt  }
0x74: {  	_ =	shalt  }
0x75: {  	_ =	shalt  }
0x76: {  	_ =	shalt  }
0x77: {  	_ =	shalt  }
0x78: {  	_ =	shalt  }
0x79: {  	_ =	shalt  }
0x7a: {  	_ =	shalt  }
0x7b: {  	_ =	shalt  }
0x7c: {  	_ =	shalt  }
0x7d: {  	_ =	shalt  }
0x7e: {  	_ =	shalt  }
0x7f: {  	_ =	shalt  }
0x80: {  	_ =	shalt  }
0x81: {  	_ =	shalt  }
0x82: {  	_ =	shalt  }
0x83: {  	_ =	shalt  }
0x84: {  	_ =	shalt  }
0x85: {  	_ =	shalt  }
0x86: {  	_ =	shalt  }
0x87: {  	_ =	shalt  }
.Lfunc_end0:
.L_simem_size_0:
called_computation_lowered:
.L_overlay_start_0:
0x88: {  	s2 =	sld [smem:$0x3FD9]  }
0x89: {  	s3 =	sld [smem:$0x3FFE];
	_ =	sdelay $0x1  }
0x8a: {  	s1 =	srdreg.scid  }
0x8b: {  	s0 =	sand.u32 $0x1, s1  }
0x8c: {  	s17 =	sshll.u32 s0, $0xA;
	s2 =	sadd.s32 s3, s2  }
0x8d: {  	s2 =	sadd.s32 s2, s17  }
0x8e: {  	[smem:$0x3FB3] =	sst s2  }
0x8f: {  	_ = 	snop  }
0x90: {  	s2 =	sld [smem:$0x3FC9];
	(tm) =	ssettm $0x1  }
0x91: {  	s18 =	sld [smem:$0x3FFB];
	_ =	sdelay $0x3  }
0x92: {  	_ =	strace s18  }
0x93: {  	s3 =	sld [smem:$0x3FFC];
	_ =	sdelay $0x3  }
0x94: {  	_ =	strace s3  }
0x95: {  	s3 =	sld [smem:$0x3FFD];
	_ =	sdelay $0x3  }
0x96: {  	_ =	strace s3  }
0x97: {  	_ =	strace $0x8FFFFFFF  }
0x98: {  	s19 =	sld [smem:$0x3FDB];
	_ =	sdelay $0x1  }
0x99: {  	s4 =	simm.s32 $_scs_section_size  }
0x9a: {  	s5 =	simm.s32 $_size__tile_overlayer_lowered;
	s6 =	simm.s32 $_tile_overlayer_lowered  }
0x9b: {  	s22 =	simm.s32 $0x1BFF;
	s21 =	sshll.u32 s6, $0x1;
	s3 =	sadd.s32 s4, s19  }
0x9c: {  	s7 =	simm.s32 $0x0;
	s20 =	sshll.u32 s5, $0x1;
	s5 =	sadd.s32 s21, s3  }
0x9d: {  	[timem:s7], [sflag:s22] =	dma.local [hbm:s5], s20  }
0x9e: {  	_ =	swait.ge [sflag:s22], s20  }
0x9f: {  	s4 =	ssub.s32 $0x0, s20;
	[sflag:s22] =	ssyncset.done $0x0  }
0xa0: {  	[sflag:s22] =	ssyncadd.s32 s4;
	_ =	sdelay $0x1  }
0xa1: {  	s23 =	simm.s32 $0x1B8B  }
0xa2: {  	_ =	swait.ge [sflag:s23], $0x1  }
0xa3: {  	[sflag:s23] =	ssyncset.done $0x0  }
0xa4: {  	s25 =	simm.s32 $0x1B8E;
	s24 =	sld [smem:$0x3FFE];
	[sflag:s23] =	ssyncadd.s32 $0xFFFFFFFF  }
0xa5: {  	s26 =	simm.s32 $execute0_lowered;
	[smem:$0x3FD2] =	sst s25  }
0xa6: {  	s5 =	sshll.u32 s26, $0x1;
	_ =	strace $0x80000046;
	[dreg:$0x1] =	wrdreg $0xFFFFFFFF  }
0xa7: {  	s28 =	simm.s32 $_size_execute0_lowered;
	s3 =	sadd.s32 s3, s5;
	[dreg:$0x0] =	wrdreg $0x0  }
0xa8: {  	s5 =	sshll.u32 s28, $0x1;
	[dreg:$0x2] =	wrdreg s3  }
0xa9: {  	[dreg:$0x3] =	wrdreg s5  }
0xaa: {  	[dreg:$0x4] =	wrdreg $0xC0  }
0xab: {  	_ =	task [dreg:s7], $0x5FFFF  }
0xac: {  	[dreg:$0x1] =	wrdreg $0xFFFFFFFF  }
0xad: {  	[dreg:$0x0] =	wrdreg $0x60  }
0xae: {  	[dreg:$0x2] =	wrdreg s2  }
0xaf: {  	[dreg:$0x3] =	wrdreg s24  }
0xb0: {  	[dreg:$0x4] =	wrdreg $0xA4000  }
0xb1: {  	[dreg:$0x5] =	wrdreg $0x9  }
0xb2: {  	_ =	task.clear_ibuf [dreg:s7], $0x6FFFF;
	_ =	strace $0x90000046  }
0xb3: {  	s29 =	simm.s32 $0x9;
	_ =	strace $0x80000048  }
0xb4: {  	_ =	swait.ge [sflag:s29], $0x1  }
0xb5: {  	[sflag:s29] =	ssyncadd.s32 $0xFFFFFFFF  }
0xb6: {  	_ =	strace $0x90000048  }
0xb7: {  	_ =	sfence  }
0xb8: {  	s30 =	sld [smem:$0x0];
	_ =	sdelay $0x2  }
0xb9: {  	s31 =	sshll.u32 s1, $0xD;
	s1 =	sshrl.u32 s1, $0x2  }
0xba: {  	s3 =	sand.u32 $0x4000, s31;
	s1 =	sadd.s32 s1, s30  }
0xbb: {  	s0 =	sor.u32 s3, s0;
	s1 =	sshll.u32 s1, $0x11  }
0xbc: {  	s0 =	sor.u32 s1, s0  }
0xbd: {  	s0 =	sadd.s32 $0x8F2B, s0  }
0xbe: {  	[sflag:s0] =	ssyncadd.remote.s32 $0x1  }
0xbf: {  	_ =	sfence.sel $0xFFFF  }
0xc0: {  	[dreg:$0x0] =	wrdreg $0xFFFFFFFF;
	(pc) =	sbr.abs _section_cstart, $3  }
0xc1: {  	[dreg:$0x1] =	wrdreg $0xFFFFFFFF  }
0xc2: {  	_ =	task.clear_ibuf [dreg:s7], $0x2FFFF;
	_ =	strace $0x9FFFFFFF  }
0xc3: {  	(tm) =	ssettm $0x7FFFFFFF  }
tec
execute0_lowered:
.L_overlay_start_1:
0x0: {  	(tag) =	ssettag $0x1  }
0x1: {  	s1 =	rddreg [dreg:$0x0]  }
0x2: {  	s0 =	srdreg.scid;
	s6 =	rddreg [dreg:$0x1]  }
0x3: {  	s3 =	rddreg [dreg:$0x2];
	s4 =	simm.s32 $0x0;
	s11 =	simm.s32 $0x3  }
0x4: {  	s13 =	simm.s32 $0x10;
	s14 =	simm.s32 $0x5000;
	s15 =	simm.s32 $0x5800  }
0x5: {  	s16 =	simm.s32 $0x6000;
	s17 =	simm.s32 $0x6800;
	s18 =	simm.s32 $0x7000  }
0x6: {  	s19 =	simm.s32 $0x7800;
	s20 =	simm.s32 $0x8000;
	s21 =	simm.s32 $0x8800  }
0x7: {  	s22 =	simm.s32 $0x1;
	s23 =	simm.s32 $0x2;
	s5 =	sand.u32 $0x1, s0  }
0x8: {  	s0 =	stileid.u32;
	s2 =	sshll.u32 s5, $0x4;
	s8 =	smul.u32 $0x27100, s5  }
0x9: {  	s24 =	simm.s32 $0x0;
	s10 =	smul.u32 $0x5000, s0;
	s7 =	sor.u32 s0, s2  }
0xa: {  	[smem:$0x7FF] =	sst s4;
	s5 =	ssub.s32 $0x2, s5;
	s7 =	smul.u32 $0x500, s7  }
0xb: {  	_ =	strace $0x80000047;
	s9 =	sshrl.u32 s5, $0x1;
	s8 =	sadd.s32 s8, s6  }
0xc: {  	s9 =	ssub.s32 s5, s9;
	s10 =	sshrl.u32 s10, $0x2;
	s7 =	sadd.s32 s7, s6  }
0xd: {  	s5 =	sadd.s32 $0xCE00, s7;
	s6 =	sadd.s32 $0x2E00, s7;
	s7 =	sadd.s32 $0x16E00, s8  }
0xe: {  	v0 =	vimm.f32 $0.0e+00;
	s8 =	smax.u32 s9, $0x1;
	s9 =	sadd.s32 s10, s3;
	s10 =	smul.u32 $0x280, s0  }
.LBB2_1:
0xf: {  	[tilespmem:s4], [sflag:$0x3] =	stream.linear.gather [hbm4b:s5+s4], $0x2800, $0x38;
	[tilespmem:$0x1EC80] =	vst v63  }
0x10: {  	_ =	swait.ge [sflag:s11], $0x2800  }
0x11: {  	[sflag:s11] =	ssyncset.done $0x0  }
0x12: {  	s2 =	simm.s32 $0x2800;
	[sflag:s11] =	ssyncadd.s32 $0xFFFFD800  }
0x13: {  	[tilespmem:s2], [sflag:$0x3] =	stream.linear.gather [hbm4b:s6+s4], $0x2800, $0x38;
	[tilespmem:$0x1EC80] =	vst v63  }
0x14: {  	_ =	swait.ge [sflag:s11], $0x2800  }
0x15: {  	[sflag:s11] =	ssyncset.done $0x0  }
0x16: {  	s25 =	simm.s32 $0x0;
	s26 =	simm.s32 $0x200;
	[sflag:s11] =	ssyncadd.s32 $0xFFFFD800  }
.LBB2_2:
0x17: {  	p0 =	sne.s32 s26, $0x4E00;
	[tilespmem:s25+$0x9070] =	vst v0  }
0x18: {  	[tilespmem:s25+$0x9000] =	vst v0  }
0x19: {  	[tilespmem:s25+$0x9010] =	vst v0  }
.Ltmp0:
0x1a: {  	[tilespmem:s25+$0x9020] =	vst v0;
	(pc) =	sbr.rel @p0 .LBB2_2-.Ltmp0, $4  }
0x1b: {  	[tilespmem:s25+$0x9030] =	vst v0  }
0x1c: {  	[tilespmem:s25+$0x9040] =	vst v0  }
0x1d: {  	[tilespmem:s25+$0x9050] =	vst v0  }
0x1e: {  	[tilespmem:s25+$0x9060] =	vst v0;
	s25 =	sshra.s32 s26, $0x2;
	s26 =	sadd.s32 $0x200, s26  }
0x1f: {  	[tilespmem:s25+$0x9070] =	vst v0  }
0x20: {  	[tilespmem:s25+$0x9000] =	vst v0  }
0x21: {  	[tilespmem:s25+$0x9010] =	vst v0  }
0x22: {  	[tilespmem:s25+$0x9020] =	vst v0  }
0x23: {  	[tilespmem:s25+$0x9030] =	vst v0  }
0x24: {  	[tilespmem:s25+$0x9040] =	vst v0;
	s26 =	sadd.s32 $0x0, s0  }
0x25: {  	[tilespmem:s25+$0x9050] =	vst v0;
	p0 =	sgt.u32 s26, $0xF9  }
0x26: {  	[tilespmem:s25+$0x9060] =	vst v0;
	s25 =	simm.s32 @!p0 $0x9000;
	s29 =	simm.s32 @!p0 $0x3  }
0x27: {  	[spmem:s9] =	stream.linear.scatter @!p0 [tilespmem:s25], [sflag:$0x3], $0x1400, $0x38;
	[tilespmem:$0x1EC80] =	vst v63  }
0x28: {  	s28 =	simm.s32 $0x20;
	_ =	swait.ge @!p0 [sflag:s29], $0x1400  }
0x29: {  	s26 =	simm.s32 $0x10;
	s25 =	sadd.s32 $0x14000, s9;
	[sflag:s29] =	ssyncset.done @!p0 $0x0  }
.LBB2_4:
0x2a: {  	s30 =	sadd.s32 s26, s0;
	s26 =	smov.u32 s28;
	s28 =	sadd.s32 $0x10, s28  }
0x2b: {  	[sflag:s29] =	ssyncadd.s32 @!p0 $0xFFFFEC00;
	p1 =	sne.s32 s28, $0x100  }
.Ltmp1:
0x2c: {  	p0 =	sgt.u32 s30, $0xF9;
	(pc) =	sbr.rel @p1 .LBB2_4-.Ltmp1, $4  }
0x2d: {  	s30 =	simm.s32 @!p0 $0x9000;
	s29 =	simm.s32 @!p0 $0x3  }
0x2e: {  	[spmem:s25] =	stream.linear.scatter @!p0 [tilespmem:s30], [sflag:$0x3], $0x1400, $0x38;
	[tilespmem:$0x1EC80] =	vst v63  }
0x2f: {  	_ =	swait.ge @!p0 [sflag:s29], $0x1400  }
0x30: {  	s25 =	sadd.s32 $0x14000, s25;
	[sflag:s29] =	ssyncset.done @!p0 $0x0  }
0x31: {  	s26 =	sadd.s32 s26, s0  }
0x32: {  	p1 =	sgt.u32 s26, $0xF9  }
0x33: {  	[sflag:s29] =	ssyncadd.s32 @!p0 $0xFFFFEC00;
	s26 =	simm.s32 @!p1 $0x9000;
	s28 =	simm.s32 @!p1 $0x3  }
0x34: {  	[spmem:s25] =	stream.linear.scatter @!p1 [tilespmem:s26], [sflag:$0x3], $0x1400, $0x38;
	[tilespmem:$0x1EC80] =	vst v63  }
0x35: {  	_ =	swait.ge @!p1 [sflag:s28], $0x1400  }
0x36: {  	[sflag:s28] =	ssyncset.done @!p1 $0x0  }
0x37: {  	[sflag:s28] =	ssyncadd.s32 @!p1 $0xFFFFEC00  }
0x38: {  	s26 =	simm.s32 $0x0;
	[bflag:$0x0] =	sbarrier.arrive $0xFFFF  }
0x39: {  	[tilespmem:s14], [sflag:$0x1] =	stream.indirect.gather [hbm4b:s1+s13], $0x80, s26, s13, $0xb8;
	[tilespmem:$0x1EC80] =	vst v63  }
0x3a: {  	s28 =	simm.s32 $0x10  }
0x3b: {  	[tilespmem:s15], [sflag:$0x1] =	stream.indirect.gather [hbm4b:s1+s13], $0x80, s28, s13, $0xb8;
	[tilespmem:$0x1EC80] =	vst v63  }
0x3c: {  	s30 =	simm.s32 $0x20  }
0x3d: {  	[tilespmem:s16], [sflag:$0x1] =	stream.indirect.gather [hbm4b:s1+s13], $0x80, s30, s13, $0xb8;
	[tilespmem:$0x1EC80] =	vst v63  }
0x3e: {  	s31 =	simm.s32 $0x30  }
0x3f: {  	[tilespmem:s17], [sflag:$0x1] =	stream.indirect.gather [hbm4b:s1+s13], $0x80, s31, s13, $0xb8;
	[tilespmem:$0x1EC80] =	vst v63  }
0x40: {  	s2 =	simm.s32 $0x40  }
0x41: {  	[tilespmem:s18], [sflag:$0x1] =	stream.indirect.gather [hbm4b:s1+s13], $0x80, s2, s13, $0xb8;
	[tilespmem:$0x1EC80] =	vst v63  }
0x42: {  	s12 =	simm.s32 $0x50  }
0x43: {  	[tilespmem:s19], [sflag:$0x1] =	stream.indirect.gather [hbm4b:s1+s13], $0x80, s12, s13, $0xb8;
	[tilespmem:$0x1EC80] =	vst v63  }
0x44: {  	s26 =	simm.s32 $0x60  }
0x45: {  	[tilespmem:s20], [sflag:$0x1] =	stream.indirect.gather [hbm4b:s1+s13], $0x80, s26, s13, $0xb8;
	[tilespmem:$0x1EC80] =	vst v63  }
0x46: {  	s28 =	simm.s32 $0x70  }
0x47: {  	[tilespmem:s21], [sflag:$0x1] =	stream.indirect.gather [hbm4b:s1+s13], $0x80, s28, s13, $0xb8;
	[tilespmem:$0x1EC80] =	vst v63  }
0x48: {  	_ =	swait.ge [sflag:s22], $0x800  }
0x49: {  	[sflag:s22] =	ssyncset.done $0x0  }
0x4a: {  	[sflag:s22] =	ssyncadd.s32 $0xFFFFF800  }
0x4b: {  	_ =	swait.ge [sflag:s22], $0x800  }
0x4c: {  	[sflag:s22] =	ssyncset.done $0x0  }
0x4d: {  	[sflag:s22] =	ssyncadd.s32 $0xFFFFF800  }
0x4e: {  	_ =	swait.ge [sflag:s22], $0x800  }
0x4f: {  	[sflag:s22] =	ssyncset.done $0x0  }
0x50: {  	[sflag:s22] =	ssyncadd.s32 $0xFFFFF800  }
0x51: {  	_ =	swait.ge [sflag:s22], $0x800  }
0x52: {  	[sflag:s22] =	ssyncset.done $0x0  }
0x53: {  	[sflag:s22] =	ssyncadd.s32 $0xFFFFF800  }
0x54: {  	_ =	swait.ge [sflag:s22], $0x800  }
0x55: {  	[sflag:s22] =	ssyncset.done $0x0  }
0x56: {  	[sflag:s22] =	ssyncadd.s32 $0xFFFFF800  }
0x57: {  	_ =	swait.ge [sflag:s22], $0x800  }
0x58: {  	[sflag:s22] =	ssyncset.done $0x0  }
0x59: {  	[sflag:s22] =	ssyncadd.s32 $0xFFFFF800  }
0x5a: {  	_ =	swait.ge [sflag:s22], $0x800  }
0x5b: {  	[sflag:s22] =	ssyncset.done $0x0  }
0x5c: {  	[sflag:s22] =	ssyncadd.s32 $0xFFFFF800  }
0x5d: {  	_ =	swait.ge [sflag:s22], $0x800  }
0x5e: {  	[sflag:s22] =	ssyncset.done $0x0  }
0x5f: {  	s30 =	simm.s32 $0x2800;
	[sflag:s22] =	ssyncadd.s32 $0xFFFFF800  }
0x60: {  	[spmem:s3] =	stream.indirect.scatter.add.f32 [tilespmem:s14], [sflag:$0x2], $0x80, s30, s13, $0xb8;
	[tilespmem:$0x1EC80] =	vst v63  }
0x61: {  	s31 =	simm.s32 $0x2810  }
0x62: {  	[spmem:s3] =	stream.indirect.scatter.add.f32 [tilespmem:s15], [sflag:$0x2], $0x80, s31, s13, $0xb8;
	[tilespmem:$0x1EC80] =	vst v63  }
0x63: {  	s2 =	simm.s32 $0x2820  }
0x64: {  	[spmem:s3] =	stream.indirect.scatter.add.f32 [tilespmem:s16], [sflag:$0x2], $0x80, s2, s13, $0xb8;
	[tilespmem:$0x1EC80] =	vst v63  }
0x65: {  	s12 =	simm.s32 $0x2830  }
0x66: {  	[spmem:s3] =	stream.indirect.scatter.add.f32 [tilespmem:s17], [sflag:$0x2], $0x80, s12, s13, $0xb8;
	[tilespmem:$0x1EC80] =	vst v63  }
0x67: {  	s26 =	simm.s32 $0x2840  }
0x68: {  	[spmem:s3] =	stream.indirect.scatter.add.f32 [tilespmem:s18], [sflag:$0x2], $0x80, s26, s13, $0xb8;
	[tilespmem:$0x1EC80] =	vst v63  }
0x69: {  	s28 =	simm.s32 $0x2850  }
0x6a: {  	[spmem:s3] =	stream.indirect.scatter.add.f32 [tilespmem:s19], [sflag:$0x2], $0x80, s28, s13, $0xb8;
	[tilespmem:$0x1EC80] =	vst v63  }
0x6b: {  	s30 =	simm.s32 $0x2860  }
0x6c: {  	[spmem:s3] =	stream.indirect.scatter.add.f32 [tilespmem:s20], [sflag:$0x2], $0x80, s30, s13, $0xb8;
	[tilespmem:$0x1EC80] =	vst v63  }
0x6d: {  	s31 =	simm.s32 $0x2870  }
0x6e: {  	[spmem:s3] =	stream.indirect.scatter.add.f32 [tilespmem:s21], [sflag:$0x2], $0x80, s31, s13, $0xb8;
	[tilespmem:$0x1EC80] =	vst v63  }
0x6f: {  	_ =	swait.ge [sflag:s23], $0x800  }
0x70: {  	[sflag:s23] =	ssyncset.done $0x0  }
0x71: {  	[sflag:s23] =	ssyncadd.s32 $0xFFFFF800  }
0x72: {  	_ =	swait.ge [sflag:s23], $0x800  }
0x73: {  	[sflag:s23] =	ssyncset.done $0x0  }
0x74: {  	[sflag:s23] =	ssyncadd.s32 $0xFFFFF800  }
0x75: {  	_ =	swait.ge [sflag:s23], $0x800  }
0x76: {  	[sflag:s23] =	ssyncset.done $0x0  }
0x77: {  	[sflag:s23] =	ssyncadd.s32 $0xFFFFF800  }
0x78: {  	_ =	swait.ge [sflag:s23], $0x800  }
0x79: {  	[sflag:s23] =	ssyncset.done $0x0  }
0x7a: {  	[sflag:s23] =	ssyncadd.s32 $0xFFFFF800  }
0x7b: {  	_ =	swait.ge [sflag:s23], $0x800  }
0x7c: {  	[sflag:s23] =	ssyncset.done $0x0  }
0x7d: {  	[sflag:s23] =	ssyncadd.s32 $0xFFFFF800  }
0x7e: {  	_ =	swait.ge [sflag:s23], $0x800  }
0x7f: {  	[sflag:s23] =	ssyncset.done $0x0  }
0x80: {  	[sflag:s23] =	ssyncadd.s32 $0xFFFFF800  }
0x81: {  	_ =	swait.ge [sflag:s23], $0x800  }
0x82: {  	[sflag:s23] =	ssyncset.done $0x0  }
0x83: {  	[sflag:s23] =	ssyncadd.s32 $0xFFFFF800  }
0x84: {  	_ =	swait.ge [sflag:s23], $0x800  }
0x85: {  	s29 =	simm.s32 $0x400;
	s25 =	simm.s32 $0x200;
	[sflag:s23] =	ssyncset.done $0x0  }
.LBB2_6:
0x86: {  	s28 =	sshra.s32 s25, $0x2  }
0x87: {  	[sflag:s23] =	ssyncadd.s32 $0xFFFFF800;
	s25 =	smov.u32 s29;
	s26 =	sadd.s32 $0x200, s29  }
0x88: {  	[tilespmem:s14], [sflag:$0x1] =	stream.indirect.gather [hbm4b:s1+s13], $0x80, s28, s13, $0xb8;
	[tilespmem:$0x1EC80] =	vst v63  }
0x89: {  	p0 =	sne.s32 s29, $0x9E00;
	s29 =	sadd.s32 $0x10, s28  }
0x8a: {  	[tilespmem:s15], [sflag:$0x1] =	stream.indirect.gather [hbm4b:s1+s13], $0x80, s29, s13, $0xb8;
	[tilespmem:$0x1EC80] =	vst v63  }
0x8b: {  	s29 =	sadd.s32 $0x20, s28  }
0x8c: {  	[tilespmem:s16], [sflag:$0x1] =	stream.indirect.gather [hbm4b:s1+s13], $0x80, s29, s13, $0xb8;
	[tilespmem:$0x1EC80] =	vst v63  }
0x8d: {  	s29 =	sadd.s32 $0x30, s28  }
0x8e: {  	[tilespmem:s17], [sflag:$0x1] =	stream.indirect.gather [hbm4b:s1+s13], $0x80, s29, s13, $0xb8;
	[tilespmem:$0x1EC80] =	vst v63  }
0x8f: {  	s29 =	sadd.s32 $0x40, s28  }
0x90: {  	[tilespmem:s18], [sflag:$0x1] =	stream.indirect.gather [hbm4b:s1+s13], $0x80, s29, s13, $0xb8;
	[tilespmem:$0x1EC80] =	vst v63  }
0x91: {  	s29 =	sadd.s32 $0x50, s28  }
0x92: {  	[tilespmem:s19], [sflag:$0x1] =	stream.indirect.gather [hbm4b:s1+s13], $0x80, s29, s13, $0xb8;
	[tilespmem:$0x1EC80] =	vst v63  }
0x93: {  	s29 =	sadd.s32 $0x60, s28  }
0x94: {  	[tilespmem:s20], [sflag:$0x1] =	stream.indirect.gather [hbm4b:s1+s13], $0x80, s29, s13, $0xb8;
	[tilespmem:$0x1EC80] =	vst v63  }
0x95: {  	s29 =	sadd.s32 $0x70, s28  }
0x96: {  	[tilespmem:s21], [sflag:$0x1] =	stream.indirect.gather [hbm4b:s1+s13], $0x80, s29, s13, $0xb8;
	[tilespmem:$0x1EC80] =	vst v63  }
0x97: {  	_ =	swait.ge [sflag:s22], $0x800  }
0x98: {  	[sflag:s22] =	ssyncset.done $0x0  }
0x99: {  	[sflag:s22] =	ssyncadd.s32 $0xFFFFF800  }
0x9a: {  	_ =	swait.ge [sflag:s22], $0x800  }
0x9b: {  	[sflag:s22] =	ssyncset.done $0x0  }
0x9c: {  	[sflag:s22] =	ssyncadd.s32 $0xFFFFF800  }
0x9d: {  	_ =	swait.ge [sflag:s22], $0x800  }
0x9e: {  	[sflag:s22] =	ssyncset.done $0x0  }
0x9f: {  	[sflag:s22] =	ssyncadd.s32 $0xFFFFF800  }
0xa0: {  	_ =	swait.ge [sflag:s22], $0x800  }
0xa1: {  	[sflag:s22] =	ssyncset.done $0x0  }
0xa2: {  	[sflag:s22] =	ssyncadd.s32 $0xFFFFF800  }
0xa3: {  	_ =	swait.ge [sflag:s22], $0x800  }
0xa4: {  	[sflag:s22] =	ssyncset.done $0x0  }
0xa5: {  	[sflag:s22] =	ssyncadd.s32 $0xFFFFF800  }
0xa6: {  	_ =	swait.ge [sflag:s22], $0x800  }
0xa7: {  	[sflag:s22] =	ssyncset.done $0x0  }
0xa8: {  	[sflag:s22] =	ssyncadd.s32 $0xFFFFF800  }
0xa9: {  	_ =	swait.ge [sflag:s22], $0x800  }
0xaa: {  	[sflag:s22] =	ssyncset.done $0x0  }
0xab: {  	[sflag:s22] =	ssyncadd.s32 $0xFFFFF800  }
0xac: {  	_ =	swait.ge [sflag:s22], $0x800  }
0xad: {  	[sflag:s22] =	ssyncset.done $0x0  }
0xae: {  	s29 =	sadd.s32 $0x2800, s28;
	[sflag:s22] =	ssyncadd.s32 $0xFFFFF800  }
0xaf: {  	[spmem:s3] =	stream.indirect.scatter.add.f32 [tilespmem:s14], [sflag:$0x2], $0x80, s29, s13, $0xb8;
	[tilespmem:$0x1EC80] =	vst v63  }
0xb0: {  	s29 =	sadd.s32 $0x2810, s28  }
0xb1: {  	[spmem:s3] =	stream.indirect.scatter.add.f32 [tilespmem:s15], [sflag:$0x2], $0x80, s29, s13, $0xb8;
	[tilespmem:$0x1EC80] =	vst v63  }
0xb2: {  	s29 =	sadd.s32 $0x2820, s28  }
0xb3: {  	[spmem:s3] =	stream.indirect.scatter.add.f32 [tilespmem:s16], [sflag:$0x2], $0x80, s29, s13, $0xb8;
	[tilespmem:$0x1EC80] =	vst v63  }
0xb4: {  	s29 =	sadd.s32 $0x2830, s28  }
0xb5: {  	[spmem:s3] =	stream.indirect.scatter.add.f32 [tilespmem:s17], [sflag:$0x2], $0x80, s29, s13, $0xb8;
	[tilespmem:$0x1EC80] =	vst v63  }
0xb6: {  	s29 =	sadd.s32 $0x2840, s28  }
0xb7: {  	[spmem:s3] =	stream.indirect.scatter.add.f32 [tilespmem:s18], [sflag:$0x2], $0x80, s29, s13, $0xb8;
	[tilespmem:$0x1EC80] =	vst v63  }
0xb8: {  	s29 =	sadd.s32 $0x2850, s28  }
0xb9: {  	[spmem:s3] =	stream.indirect.scatter.add.f32 [tilespmem:s19], [sflag:$0x2], $0x80, s29, s13, $0xb8;
	[tilespmem:$0x1EC80] =	vst v63  }
0xba: {  	s29 =	sadd.s32 $0x2860, s28  }
0xbb: {  	[spmem:s3] =	stream.indirect.scatter.add.f32 [tilespmem:s20], [sflag:$0x2], $0x80, s29, s13, $0xb8;
	[tilespmem:$0x1EC80] =	vst v63  }
0xbc: {  	s28 =	sadd.s32 $0x2870, s28  }
0xbd: {  	[spmem:s3] =	stream.indirect.scatter.add.f32 [tilespmem:s21], [sflag:$0x2], $0x80, s28, s13, $0xb8;
	[tilespmem:$0x1EC80] =	vst v63  }
0xbe: {  	_ =	swait.ge [sflag:s23], $0x800  }
0xbf: {  	[sflag:s23] =	ssyncset.done $0x0  }
0xc0: {  	[sflag:s23] =	ssyncadd.s32 $0xFFFFF800  }
0xc1: {  	_ =	swait.ge [sflag:s23], $0x800  }
0xc2: {  	[sflag:s23] =	ssyncset.done $0x0  }
0xc3: {  	[sflag:s23] =	ssyncadd.s32 $0xFFFFF800  }
0xc4: {  	_ =	swait.ge [sflag:s23], $0x800  }
0xc5: {  	[sflag:s23] =	ssyncset.done $0x0  }
0xc6: {  	[sflag:s23] =	ssyncadd.s32 $0xFFFFF800  }
0xc7: {  	_ =	swait.ge [sflag:s23], $0x800  }
0xc8: {  	[sflag:s23] =	ssyncset.done $0x0  }
0xc9: {  	[sflag:s23] =	ssyncadd.s32 $0xFFFFF800  }
0xca: {  	_ =	swait.ge [sflag:s23], $0x800  }
0xcb: {  	[sflag:s23] =	ssyncset.done $0x0  }
0xcc: {  	[sflag:s23] =	ssyncadd.s32 $0xFFFFF800  }
0xcd: {  	_ =	swait.ge [sflag:s23], $0x800  }
0xce: {  	[sflag:s23] =	ssyncset.done $0x0  }
0xcf: {  	[sflag:s23] =	ssyncadd.s32 $0xFFFFF800  }
.Ltmp2:
0xd0: {  	_ =	swait.ge [sflag:s23], $0x800;
	(pc) =	sbr.rel @p0 .LBB2_6-.Ltmp2, $4  }
0xd1: {  	[sflag:s23] =	ssyncset.done $0x0  }
0xd2: {  	[sflag:s23] =	ssyncadd.s32 $0xFFFFF800  }
0xd3: {  	_ =	swait.ge [sflag:s23], $0x800  }
0xd4: {  	s29 =	smov.u32 s26;
	[sflag:s23] =	ssyncset.done $0x0  }
0xd5: {  	s25 =	sshra.s32 s25, $0x2;
	[sflag:s23] =	ssyncadd.s32 $0xFFFFF800  }
0xd6: {  	[tilespmem:s14], [sflag:$0x1] =	stream.indirect.gather [hbm4b:s1+s13], $0x80, s25, s13, $0xb8;
	[tilespmem:$0x1EC80] =	vst v63  }
0xd7: {  	s26 =	sadd.s32 $0x10, s25  }
0xd8: {  	[tilespmem:s15], [sflag:$0x1] =	stream.indirect.gather [hbm4b:s1+s13], $0x80, s26, s13, $0xb8;
	[tilespmem:$0x1EC80] =	vst v63  }
0xd9: {  	s12 =	sadd.s32 $0x20, s25  }
0xda: {  	[tilespmem:s16], [sflag:$0x1] =	stream.indirect.gather [hbm4b:s1+s13], $0x80, s12, s13, $0xb8;
	[tilespmem:$0x1EC80] =	vst v63  }
0xdb: {  	s31 =	sadd.s32 $0x30, s25  }
0xdc: {  	[tilespmem:s17], [sflag:$0x1] =	stream.indirect.gather [hbm4b:s1+s13], $0x80, s31, s13, $0xb8;
	[tilespmem:$0x1EC80] =	vst v63  }
0xdd: {  	s2 =	sadd.s32 $0x40, s25  }
0xde: {  	[tilespmem:s18], [sflag:$0x1] =	stream.indirect.gather [hbm4b:s1+s13], $0x80, s2, s13, $0xb8;
	[tilespmem:$0x1EC80] =	vst v63  }
0xdf: {  	s12 =	sadd.s32 $0x50, s25  }
0xe0: {  	[tilespmem:s19], [sflag:$0x1] =	stream.indirect.gather [hbm4b:s1+s13], $0x80, s12, s13, $0xb8;
	[tilespmem:$0x1EC80] =	vst v63  }
0xe1: {  	s31 =	sadd.s32 $0x60, s25  }
0xe2: {  	[tilespmem:s20], [sflag:$0x1] =	stream.indirect.gather [hbm4b:s1+s13], $0x80, s31, s13, $0xb8;
	[tilespmem:$0x1EC80] =	vst v63  }
0xe3: {  	s2 =	sadd.s32 $0x70, s25  }
0xe4: {  	[tilespmem:s21], [sflag:$0x1] =	stream.indirect.gather [hbm4b:s1+s13], $0x80, s2, s13, $0xb8;
	[tilespmem:$0x1EC80] =	vst v63  }
0xe5: {  	_ =	swait.ge [sflag:s22], $0x800  }
0xe6: {  	[sflag:s22] =	ssyncset.done $0x0  }
0xe7: {  	[sflag:s22] =	ssyncadd.s32 $0xFFFFF800  }
0xe8: {  	_ =	swait.ge [sflag:s22], $0x800  }
0xe9: {  	[sflag:s22] =	ssyncset.done $0x0  }
0xea: {  	[sflag:s22] =	ssyncadd.s32 $0xFFFFF800  }
0xeb: {  	_ =	swait.ge [sflag:s22], $0x800  }
0xec: {  	[sflag:s22] =	ssyncset.done $0x0  }
0xed: {  	[sflag:s22] =	ssyncadd.s32 $0xFFFFF800  }
0xee: {  	_ =	swait.ge [sflag:s22], $0x800  }
0xef: {  	[sflag:s22] =	ssyncset.done $0x0  }
0xf0: {  	[sflag:s22] =	ssyncadd.s32 $0xFFFFF800  }
0xf1: {  	_ =	swait.ge [sflag:s22], $0x800  }
0xf2: {  	[sflag:s22] =	ssyncset.done $0x0  }
0xf3: {  	[sflag:s22] =	ssyncadd.s32 $0xFFFFF800  }
0xf4: {  	_ =	swait.ge [sflag:s22], $0x800  }
0xf5: {  	[sflag:s22] =	ssyncset.done $0x0  }
0xf6: {  	[sflag:s22] =	ssyncadd.s32 $0xFFFFF800  }
0xf7: {  	_ =	swait.ge [sflag:s22], $0x800  }
0xf8: {  	[sflag:s22] =	ssyncset.done $0x0  }
0xf9: {  	[sflag:s22] =	ssyncadd.s32 $0xFFFFF800  }
0xfa: {  	_ =	swait.ge [sflag:s22], $0x800  }
0xfb: {  	[sflag:s22] =	ssyncset.done $0x0  }
0xfc: {  	s12 =	sadd.s32 $0x2800, s25;
	[sflag:s22] =	ssyncadd.s32 $0xFFFFF800  }
0xfd: {  	[spmem:s3] =	stream.indirect.scatter.add.f32 [tilespmem:s14], [sflag:$0x2], $0x80, s12, s13, $0xb8;
	[tilespmem:$0x1EC80] =	vst v63  }
0xfe: {  	s31 =	sadd.s32 $0x2810, s25  }
0xff: {  	[spmem:s3] =	stream.indirect.scatter.add.f32 [tilespmem:s15], [sflag:$0x2], $0x80, s31, s13, $0xb8;
	[tilespmem:$0x1EC80] =	vst v63  }
0x100: {  	s2 =	sadd.s32 $0x2820, s25  }
0x101: {  	[spmem:s3] =	stream.indirect.scatter.add.f32 [tilespmem:s16], [sflag:$0x2], $0x80, s2, s13, $0xb8;
	[tilespmem:$0x1EC80] =	vst v63  }
0x102: {  	s12 =	sadd.s32 $0x2830, s25  }
0x103: {  	[spmem:s3] =	stream.indirect.scatter.add.f32 [tilespmem:s17], [sflag:$0x2], $0x80, s12, s13, $0xb8;
	[tilespmem:$0x1EC80] =	vst v63  }
0x104: {  	s31 =	sadd.s32 $0x2840, s25  }
0x105: {  	[spmem:s3] =	stream.indirect.scatter.add.f32 [tilespmem:s18], [sflag:$0x2], $0x80, s31, s13, $0xb8;
	[tilespmem:$0x1EC80] =	vst v63  }
0x106: {  	s2 =	sadd.s32 $0x2850, s25  }
0x107: {  	[spmem:s3] =	stream.indirect.scatter.add.f32 [tilespmem:s19], [sflag:$0x2], $0x80, s2, s13, $0xb8;
	[tilespmem:$0x1EC80] =	vst v63  }
0x108: {  	s12 =	sadd.s32 $0x2860, s25  }
0x109: {  	[spmem:s3] =	stream.indirect.scatter.add.f32 [tilespmem:s20], [sflag:$0x2], $0x80, s12, s13, $0xb8;
	[tilespmem:$0x1EC80] =	vst v63  }
0x10a: {  	s25 =	sadd.s32 $0x2870, s25  }
0x10b: {  	[spmem:s3] =	stream.indirect.scatter.add.f32 [tilespmem:s21], [sflag:$0x2], $0x80, s25, s13, $0xb8;
	[tilespmem:$0x1EC80] =	vst v63  }
0x10c: {  	_ =	swait.ge [sflag:s23], $0x800  }
0x10d: {  	[sflag:s23] =	ssyncset.done $0x0  }
0x10e: {  	[sflag:s23] =	ssyncadd.s32 $0xFFFFF800  }
0x10f: {  	_ =	swait.ge [sflag:s23], $0x800  }
0x110: {  	[sflag:s23] =	ssyncset.done $0x0  }
0x111: {  	[sflag:s23] =	ssyncadd.s32 $0xFFFFF800  }
0x112: {  	_ =	swait.ge [sflag:s23], $0x800  }
0x113: {  	[sflag:s23] =	ssyncset.done $0x0  }
0x114: {  	[sflag:s23] =	ssyncadd.s32 $0xFFFFF800  }
0x115: {  	_ =	swait.ge [sflag:s23], $0x800  }
0x116: {  	[sflag:s23] =	ssyncset.done $0x0  }
0x117: {  	[sflag:s23] =	ssyncadd.s32 $0xFFFFF800  }
0x118: {  	_ =	swait.ge [sflag:s23], $0x800  }
0x119: {  	[sflag:s23] =	ssyncset.done $0x0  }
0x11a: {  	[sflag:s23] =	ssyncadd.s32 $0xFFFFF800  }
0x11b: {  	_ =	swait.ge [sflag:s23], $0x800  }
0x11c: {  	[sflag:s23] =	ssyncset.done $0x0  }
0x11d: {  	[sflag:s23] =	ssyncadd.s32 $0xFFFFF800  }
0x11e: {  	_ =	swait.ge [sflag:s23], $0x800  }
0x11f: {  	[sflag:s23] =	ssyncset.done $0x0  }
0x120: {  	s31 =	sadd.s32 $0x0, s0;
	[sflag:s23] =	ssyncadd.s32 $0xFFFFF800  }
0x121: {  	p0 =	sgt.u32 s31, $0xF9;
	_ =	swait.ge [sflag:s23], $0x800  }
0x122: {  	s28 =	simm.s32 @!p0 $0x3;
	[sflag:s23] =	ssyncset.done $0x0  }
0x123: {  	s26 =	sadd.s32 @!p0 s10, s7;
	s25 =	sshll.u32 @!p0 s0, $0x6;
	[sflag:s23] =	ssyncadd.s32 $0xFFFFF800  }
0x124: {  	s29 =	sshrl.u32 @!p0 s9, $0x3;
	s25 =	sor.u32 @!p0 $0x1C03, s25;
	[bflag:$0x0] =	sbarrier.arrive $0xFFFF  }
0x125: {  	[hbm:s26], [sflag:s25] =	dma.local @!p0 [spmem:s29], $0x280  }
0x126: {  	s30 =	sadd.s32 $0x10, s0;
	s29 =	simm.s32 $0x20;
	_ =	swait.ge @!p0 [sflag:s28], $0x280  }
0x127: {  	s25 =	sadd.s32 $0x2800, s10;
	s26 =	sadd.s32 $0x14000, s9;
	[sflag:s28] =	ssyncset.done @!p0 $0x0  }
.LBB2_8:
0x128: {  	[sflag:s28] =	ssyncadd.s32 @!p0 $0xFFFFFD80  }
0x129: {  	p0 =	sgt.u32 s30, $0xF9;
	s30 =	smov.u32 s29;
	s29 =	sadd.s32 $0x10, s29  }
0x12a: {  	p1 =	sne.s32 s29, $0x100  }
.Ltmp3:
0x12b: {  	s31 =	sshll.u32 @!p0 s0, $0x6;
	s28 =	simm.s32 @!p0 $0x3;
	(pc) =	sbr.rel @p1 .LBB2_8-.Ltmp3, $4  }
0x12c: {  	s2 =	sadd.s32 @!p0 s25, s7;
	s12 =	sshrl.u32 @!p0 s26, $0x3;
	s31 =	sor.u32 @!p0 $0x1C03, s31  }
0x12d: {  	[hbm:s2], [sflag:s31] =	dma.local @!p0 [spmem:s12], $0x280  }
0x12e: {  	s25 =	sadd.s32 $0x2800, s25;
	_ =	swait.ge @!p0 [sflag:s28], $0x280  }
0x12f: {  	s30 =	sadd.s32 s30, s0;
	s26 =	sadd.s32 $0x14000, s26;
	[sflag:s28] =	ssyncset.done @!p0 $0x0  }
0x130: {  	p1 =	sgt.u32 s30, $0xF9  }
0x131: {  	[sflag:s28] =	ssyncadd.s32 @!p0 $0xFFFFFD80;
	s24 =	sadd.s32 $0x1, s24;
	s2 =	sshll.u32 @!p1 s0, $0x6  }
0x132: {  	s12 =	simm.s32 @!p1 $0x3;
	s25 =	sadd.s32 @!p1 s25, s7;
	p0 =	sne.s32 s24, s8  }
.Ltmp4:
0x133: {  	s26 =	sshrl.u32 @!p1 s26, $0x3;
	s2 =	sor.u32 @!p1 $0x1C03, s2;
	(pc) =	sbr.rel @p0 .LBB2_1-.Ltmp4, $4  }
0x134: {  	[hbm:s25], [sflag:s2] =	dma.local @!p1 [spmem:s26], $0x280  }
0x135: {  	_ =	swait.ge @!p1 [sflag:s12], $0x280  }
0x136: {  	[sflag:s12] =	ssyncset.done @!p1 $0x0  }
0x137: {  	[sflag:s12] =	ssyncadd.s32 @!p1 $0xFFFFFD80  }
0x138: {  	_ =	sfence.sel $0x180000  }
0x139: {  	[bflag:$0x0] =	sbarrier.arrive $0xFFFF  }
0x13a: {  	_ =	strace $0x90000047  }
0x13b: {  	[bflag:$0x2] =	sbarrier.arrive $0xFFFF  }
0x13c: {  	p0 =	sne.s32 s0, $0x0;
	s0 =	rddreg [dreg:$0x3]  }
0x13d: {  	s0 =	sadd.s32 @!p0 $0x100000, s0  }
0x13e: {  	[sflag:s0] =	ssyncadd.tile.s32 @!p0 $0x1;
	_ =	shalt  }
.Lfunc_end2:
_tile_overlayer_lowered:
.L_overlay_start_2:
0x13f: {  	(tag) =	ssettag $0x2  }
0x140: {  	s0 =	rddreg [dreg:$0x0];
	s2 =	stileid.u32  }
0x141: {  	s1 =	rddreg [dreg:$0x1];
	p0 =	sne.s32 s2, $0x0  }
0x142: {  	s3 =	rddreg [dreg:$0x2];
	[bflag:$0x3] =	sbarrier.arrive $0xFFFF;
	s2 =	simm.s32 @!p0 $0x1C03  }
0x143: {  	[timem:s3], [sflag:s2] =	dma.local @!p0 [hbm:s0], s1  }
0x144: {  	s0 =	simm.s32 @!p0 $0x3  }
0x145: {  	_ =	swait.ge @!p0 [sflag:s0], s1  }
0x146: {  	s1 =	ssub.s32 @!p0 $0x0, s1;
	[sflag:s0] =	ssyncset.done @!p0 $0x0  }
0x147: {  	[sflag:s0] =	ssyncadd.s32 @!p0 s1  }
0x148: {  	[bflag:$0x3] =	sbarrier.arrive $0xFFFF  }
0x149: {  	_ =	shalt  }

</sc_bundles>
